<compile_context>
chip_gen: v7x
topology: tpu7x:2x2x1
jax: 0.10.2.dev20260603
libtpu: 0.0.44.dev20260713+nightly
codegen_flags: <defaults>
</compile_context>

<pallas_src>
import functools

import jax
import jax.numpy as jnp
from jax import lax
from jax.experimental import pallas as pl
from jax.experimental.pallas import tpu as pltpu
from jax.experimental.pallas import tpu_sc as plsc

N_NODES = 10000
N_EDGES = 320000
D = 128

NC = 2
NS = 16
NW = NC * NS
EDGES_PER_TILE = N_EDGES // NW
CHUNK = 80
N_CHUNKS = EDGES_PER_TILE // CHUNK
ROWS_PER_TILE = 640
N_PAD = ROWS_PER_TILE * NS
STG = CHUNK
N_STG = ROWS_PER_TILE // STG
L = 16


def _sc_segment_sum(edges, receivers, zeros_acc):
    mesh = plsc.VectorSubcoreMesh(core_axis_name="c", subcore_axis_name="s")

    @functools.partial(
        pl.kernel,
        out_type=[
            jax.ShapeDtypeStruct((NC * N_PAD, D), jnp.float32),
            jax.ShapeDtypeStruct((NC * N_PAD,), jnp.float32),
        ],
        mesh=mesh,
        scratch_types=[
            pltpu.VMEM((3, CHUNK), jnp.int32),
            pltpu.VMEM((3, CHUNK, D), jnp.float32),
            pltpu.VMEM((CHUNK,), jnp.float32),
            pltpu.VMEM((ROWS_PER_TILE,), jnp.float32),
            pltpu.VMEM_SHARED((N_PAD, D), jnp.float32),
            pltpu.VMEM_SHARED((N_PAD,), jnp.float32),
            pltpu.SemaphoreType.DMA,
            pltpu.SemaphoreType.DMA,
            pltpu.SemaphoreType.DMA,
            pltpu.SemaphoreType.DMA,
            pltpu.SemaphoreType.DMA,
            pltpu.SemaphoreType.DMA,
            pltpu.SemaphoreType.DMA,
            pltpu.SemaphoreType.DMA,
        ],
    )
    def k(edges_hbm, recv_hbm, zacc_hbm, out_sum, out_cnt,
          idx3, rows3, ones_v, cstage_v, acc_sh, cnt_sh,
          lsem0, lsem1, lsem2, ssem0, ssem1, ssem2, wsem0, wsem1):
        c = lax.axis_index("c")
        s = lax.axis_index("s")
        wid = c * NS + s
        r0 = s * ROWS_PER_TILE
        lsems = (lsem0, lsem1, lsem2)
        ssems = (ssem0, ssem1, ssem2)
        wsems = (wsem0, wsem1)

        for kk in range(CHUNK // L):
            ones_v[pl.ds(kk * L, L)] = jnp.ones((L,), jnp.float32)
        for kk in range(ROWS_PER_TILE // L):
            cstage_v[pl.ds(kk * L, L)] = jnp.zeros((L,), jnp.float32)

        pltpu.sync_copy(zacc_hbm, rows3.at[0])
        for j in range(N_STG):
            pltpu.async_copy(rows3.at[0],
                             acc_sh.at[pl.ds(r0 + j * STG, STG)], wsem0)
        pltpu.async_copy(cstage_v, cnt_sh.at[pl.ds(r0, ROWS_PER_TILE)],
                         wsem0)
        for j in range(N_STG):
            pltpu.make_async_copy(rows3.at[0],
                                  acc_sh.at[pl.ds(r0, STG)], wsem0).wait()
        pltpu.make_async_copy(cstage_v, cnt_sh.at[pl.ds(r0, ROWS_PER_TILE)],
                              wsem0).wait()

        base = wid * EDGES_PER_TILE

        def start_load(b, i_off):
            pltpu.async_copy(recv_hbm.at[pl.ds(i_off, CHUNK)], idx3.at[b],
                             lsems[b])
            pltpu.async_copy(edges_hbm.at[pl.ds(i_off, CHUNK)],
                             rows3.at[b], lsems[b])

        def wait_load(b):
            pltpu.make_async_copy(recv_hbm.at[pl.ds(0, CHUNK)],
                                  idx3.at[b], lsems[b]).wait()
            pltpu.make_async_copy(edges_hbm.at[pl.ds(0, CHUNK)],
                                  rows3.at[b], lsems[b]).wait()

        def start_scatter(b):
            pltpu.async_copy(rows3.at[b], acc_sh.at[idx3.at[b]],
                             ssems[b], add=True)
            pltpu.async_copy(ones_v, cnt_sh.at[idx3.at[b]],
                             ssems[b], add=True)

        def wait_scatter(b):
            pltpu.make_async_copy(rows3.at[b], acc_sh.at[pl.ds(0, CHUNK)],
                                  ssems[b]).wait()
            pltpu.make_async_copy(ones_v, cnt_sh.at[pl.ds(0, CHUNK)],
                                  ssems[b]).wait()

        for b in range(2):
            start_load(b, base + b * CHUNK)

        plsc.subcore_barrier()

        @pl.loop(0, N_CHUNKS + 2, step=3)
        def _(g):
            for b in range(3):
                i = g + b

                @pl.when(i < N_CHUNKS)
                def _():
                    wait_load(b)
                    start_scatter(b)

                @pl.when(jnp.logical_and(i >= 1, i - 1 < N_CHUNKS))
                def _():
                    wait_scatter((b + 2) % 3)

                @pl.when(i + 2 < N_CHUNKS)
                def _():
                    start_load((b + 2) % 3, base + (i + 2) * CHUNK)

        plsc.subcore_barrier()

        o0 = c * N_PAD + r0
        for j in range(N_STG):
            b = j % 2
            if j >= 2:
                pltpu.make_async_copy(rows3.at[b],
                                      out_sum.at[pl.ds(o0, STG)],
                                      wsems[b]).wait()
            pltpu.sync_copy(acc_sh.at[pl.ds(r0 + j * STG, STG)], rows3.at[b])
            pltpu.async_copy(rows3.at[b],
                             out_sum.at[pl.ds(o0 + j * STG, STG)], wsems[b])
        pltpu.sync_copy(cnt_sh.at[pl.ds(r0, ROWS_PER_TILE)], cstage_v)
        pltpu.sync_copy(cstage_v, out_cnt.at[pl.ds(o0, ROWS_PER_TILE)])
        for b in range(2):
            pltpu.make_async_copy(rows3.at[b], out_sum.at[pl.ds(o0, STG)],
                                  wsems[b]).wait()

    return k(edges, receivers, zeros_acc)


BLK = 1024


def _tc_mlp_body(sum_ref, cnt_ref, w1, b1, w2, b2, w3, b3, out_ref):
    s = sum_ref[0] + sum_ref[1]
    ones_w = jnp.ones((NC, 1), jnp.float32)
    cnt = lax.dot_general(cnt_ref[...], ones_w, (((0,), (0,)), ((), ())),
                          preferred_element_type=jnp.float32)
    x = s / jnp.maximum(cnt, 1.0)
    h = jnp.dot(x, w1[...], preferred_element_type=jnp.float32) + b1[...]
    h = jnp.maximum(h, 0.0)
    h = jnp.dot(h, w2[...], preferred_element_type=jnp.float32) + b2[...]
    h = jnp.maximum(h, 0.0)
    out_ref[...] = jnp.dot(h, w3[...], preferred_element_type=jnp.float32) + b3[...]


def _tc_mlp(sums, cnts, W1, b1, W2, b2, W3, b3):
    grid = (N_PAD // BLK,)
    full = lambda shape: pl.BlockSpec(shape, lambda i: (0,) * len(shape))
    return pl.pallas_call(
        _tc_mlp_body,
        grid=grid,
        in_specs=[
            pl.BlockSpec((NC, BLK, D), lambda i: (0, i, 0)),
            pl.BlockSpec((NC, BLK), lambda i: (0, i)),
            full((D, 128)), full((1, 128)),
            full((128, 64)), full((1, 64)),
            full((64, D)), full((1, D)),
        ],
        out_specs=pl.BlockSpec((BLK, D), lambda i: (i, 0)),
        out_shape=jax.ShapeDtypeStruct((N_PAD, D), jnp.float32),
    )(sums, cnts, W1, b1, W2, b2, W3, b3)


def kernel(nodes, edges, senders, receivers, W1, b1, W2, b2, W3, b3):
    del nodes, senders
    zeros_acc = jnp.zeros((CHUNK, D), jnp.float32)
    sums, cnts = _sc_segment_sum(edges, receivers, zeros_acc)
    sums = sums.reshape(NC, N_PAD, D)
    cnts = cnts.reshape(NC, N_PAD)
    out = _tc_mlp(sums, cnts, W1, b1.reshape(1, -1), W2, b2.reshape(1, -1),
                  W3, b3.reshape(1, -1))
    return out[:N_NODES]

# --- scband reference (transcript-rebuilt; emitter-appended) ---
"""Pipeline reference for scband-gnn-15642270892531 (READ-ONLY COPY).

The authoritative reference and input builder live on the scoring server;
editing this copy changes nothing except your own understanding.
"""

import jax, jax.numpy as jnp
import numpy as np

N_NODES = 10000
N_EDGES = 320000
D_EDGE = 128
OUT = 128

def setup_inputs(seed: int = 0) -> dict:
    key = jax.random.key(seed)
    ks = jax.random.split(key, 10)
    nodes = jax.random.normal(ks[0], (N_NODES, D_EDGE), dtype=jnp.float32)
    edges = jax.random.normal(ks[1], (N_EDGES, D_EDGE), dtype=jnp.float32)
    senders = jax.random.randint(ks[2], (N_EDGES,), 0, N_NODES, dtype=jnp.int32)
    receivers = jax.random.randint(ks[3], (N_EDGES,), 0, N_NODES, dtype=jnp.int32)
    # MLP params: Linear(128) -> relu -> Linear(64) -> relu -> Linear(output_size=128)
    W1 = jax.random.normal(ks[4], (D_EDGE, 128), dtype=jnp.float32) / np.sqrt(D_EDGE)
    b1 = jnp.zeros((128,), dtype=jnp.float32)
    W2 = jax.random.normal(ks[5], (128, 64), dtype=jnp.float32) / np.sqrt(128)
    b2 = jnp.zeros((64,), dtype=jnp.float32)
    W3 = jax.random.normal(ks[6], (64, OUT), dtype=jnp.float32) / np.sqrt(64)
    b3 = jnp.zeros((OUT,), dtype=jnp.float32)
    return {"nodes": nodes, "edges": edges, "senders": senders, "receivers": receivers,
            "W1": W1, "b1": b1, "W2": W2, "b2": b2, "W3": W3, "b3": b3}

def _segment_mean(data, segment_ids, num_segments):
    sums = jax.ops.segment_sum(data, segment_ids, num_segments=num_segments)
    counts = jax.ops.segment_sum(jnp.ones((data.shape[0], 1), dtype=data.dtype), segment_ids, num_segments=num_segments)
    return sums / jnp.maximum(counts, 1.0)

def reference(nodes, edges, senders, receivers, W1, b1, W2, b2, W3, b3):
    # jraph.GraphNetwork with update_edge_fn=None: edges pass through unchanged.
    # received_attributes = segment_mean of edge features aggregated to receiver nodes.
    # update_node_fn = node_mlp(received_attributes)
    received = _segment_mean(edges, receivers, N_NODES)
    h = jax.nn.relu(received @ W1 + b1)
    h = jax.nn.relu(h @ W2 + b2)
    new_nodes = h @ W3 + b3
    # Returned graph has updated nodes; edges/senders/receivers unchanged.
    return new_nodes

if __name__ == "__main__":
    import jax
    _d = setup_inputs()
    print(jax.jit(kernel)(*tuple(_d.values())))

</pallas_src>

<mosaic_0001>
#map = affine_map<(d0, d1) -> (0, 0)>
#map1 = affine_map<(d0, d1) -> (0)>
module attributes {stable_mosaic.version = 14 : i64} {
  func.func @k(%arg0: i32, %arg1: i32, %arg2: memref<320000x128xf32, #tpu.memory_space<hbm>>, %arg3: memref<320000xi32, #tpu.memory_space<hbm>>, %arg4: memref<80x128xf32, #tpu.memory_space<hbm>>, %arg5: memref<20480x128xf32, #tpu.memory_space<hbm>>, %arg6: memref<20480xf32, #tpu.memory_space<hbm>>, %arg7: memref<3x80xi32, #tpu.memory_space<vmem>>, %arg8: memref<3x80x128xf32, #tpu.memory_space<vmem>>, %arg9: memref<80xf32, #tpu.memory_space<vmem>>, %arg10: memref<640xf32, #tpu.memory_space<vmem>>, %arg11: memref<10240x128xf32, #tpu.memory_space<vmem_shared>>, %arg12: memref<10240xf32, #tpu.memory_space<vmem_shared>>, %arg13: memref<!tpu.dma_semaphore, #tpu.memory_space<semaphore_mem>>, %arg14: memref<!tpu.dma_semaphore, #tpu.memory_space<semaphore_mem>>, %arg15: memref<!tpu.dma_semaphore, #tpu.memory_space<semaphore_mem>>, %arg16: memref<!tpu.dma_semaphore, #tpu.memory_space<semaphore_mem>>, %arg17: memref<!tpu.dma_semaphore, #tpu.memory_space<semaphore_mem>>, %arg18: memref<!tpu.dma_semaphore, #tpu.memory_space<semaphore_mem>>, %arg19: memref<!tpu.dma_semaphore, #tpu.memory_space<semaphore_mem>>, %arg20: memref<!tpu.dma_semaphore, #tpu.memory_space<semaphore_mem>>) attributes {dimension_semantics = [#tpu.dimension_semantics<core_parallel>, #tpu.dimension_semantics<subcore_parallel>], iteration_bounds = array<i64: 2, 16>, scalar_prefetch = 0 : i64, scratch_operands = 14 : i64, tpu.core_type = #tpu.core_type<sc_vector_subcore>, window_params = [{transform_indices = #map}, {transform_indices = #map1}, {transform_indices = #map}, {transform_indices = #map}, {transform_indices = #map1}]} {
    %mul3A = arith.constant 16 : i32
    %mul3A_0 = arith.muli %arg0, %mul3A : i32
    %add3A = arith.addi %mul3A_0, %arg1 : i32
    %mul3A_1 = arith.constant 640 : i32
    %mul3A_2 = arith.muli %arg1, %mul3A_1 : i32
    %broadcast_in_dim3A = arith.constant 1.000000e+00 : f32
    %broadcast_in_dim3A_3 = vector.broadcast %broadcast_in_dim3A : f32 to vector<16xf32>
    %swap3A = arith.constant 0 : index
    %swap3A_4 = tpu.vector_load %arg9[%swap3A] {strides = array<i32>} : memref<80xf32, #tpu.memory_space<vmem>>, vector<16xf32>,
    %swap3A_5 = vector.shape_cast %swap3A_4 : vector<16xf32> to vector<16xf32>
    %swap3A_6 = vector.shape_cast %broadcast_in_dim3A_3 : vector<16xf32> to vector<16xf32>
    tpu.vector_store %arg9[%swap3A], %swap3A_6 {strides = array<i32>} : memref<80xf32, #tpu.memory_space<vmem>>, vector<16xf32>,
    %broadcast_in_dim3A_7 = arith.constant 1.000000e+00 : f32
    %broadcast_in_dim3A_8 = vector.broadcast %broadcast_in_dim3A_7 : f32 to vector<16xf32>
    %swap3A_9 = arith.constant 16 : index
    %swap3A_10 = tpu.vector_load %arg9[%swap3A_9] {strides = array<i32>} : memref<80xf32, #tpu.memory_space<vmem>>, vector<16xf32>,
    %swap3A_11 = vector.shape_cast %swap3A_10 : vector<16xf32> to vector<16xf32>
    %swap3A_12 = vector.shape_cast %broadcast_in_dim3A_8 : vector<16xf32> to vector<16xf32>
    tpu.vector_store %arg9[%swap3A_9], %swap3A_12 {strides = array<i32>} : memref<80xf32, #tpu.memory_space<vmem>>, vector<16xf32>,
    %broadcast_in_dim3A_13 = arith.constant 1.000000e+00 : f32
    %broadcast_in_dim3A_14 = vector.broadcast %broadcast_in_dim3A_13 : f32 to vector<16xf32>
    %swap3A_15 = arith.constant 32 : index
    %swap3A_16 = tpu.vector_load %arg9[%swap3A_15] {strides = array<i32>} : memref<80xf32, #tpu.memory_space<vmem>>, vector<16xf32>,
    %swap3A_17 = vector.shape_cast %swap3A_16 : vector<16xf32> to vector<16xf32>
    %swap3A_18 = vector.shape_cast %broadcast_in_dim3A_14 : vector<16xf32> to vector<16xf32>
    tpu.vector_store %arg9[%swap3A_15], %swap3A_18 {strides = array<i32>} : memref<80xf32, #tpu.memory_space<vmem>>, vector<16xf32>,
    %broadcast_in_dim3A_19 = arith.constant 1.000000e+00 : f32
    %broadcast_in_dim3A_20 = vector.broadcast %broadcast_in_dim3A_19 : f32 to vector<16xf32>
    %swap3A_21 = arith.constant 48 : index
    %swap3A_22 = tpu.vector_load %arg9[%swap3A_21] {strides = array<i32>} : memref<80xf32, #tpu.memory_space<vmem>>, vector<16xf32>,
    %swap3A_23 = vector.shape_cast %swap3A_22 : vector<16xf32> to vector<16xf32>
    %swap3A_24 = vector.shape_cast %broadcast_in_dim3A_20 : vector<16xf32> to vector<16xf32>
    tpu.vector_store %arg9[%swap3A_21], %swap3A_24 {strides = array<i32>} : memref<80xf32, #tpu.memory_space<vmem>>, vector<16xf32>,
    %broadcast_in_dim3A_25 = arith.constant 1.000000e+00 : f32
    %broadcast_in_dim3A_26 = vector.broadcast %broadcast_in_dim3A_25 : f32 to vector<16xf32>
    %swap3A_27 = arith.constant 64 : index
    %swap3A_28 = tpu.vector_load %arg9[%swap3A_27] {strides = array<i32>} : memref<80xf32, #tpu.memory_space<vmem>>, vector<16xf32>,
    %swap3A_29 = vector.shape_cast %swap3A_28 : vector<16xf32> to vector<16xf32>
    %swap3A_30 = vector.shape_cast %broadcast_in_dim3A_26 : vector<16xf32> to vector<16xf32>
    tpu.vector_store %arg9[%swap3A_27], %swap3A_30 {strides = array<i32>} : memref<80xf32, #tpu.memory_space<vmem>>, vector<16xf32>,
    %broadcast_in_dim3A_31 = arith.constant 0.000000e+00 : f32
    %broadcast_in_dim3A_32 = vector.broadcast %broadcast_in_dim3A_31 : f32 to vector<16xf32>
    %swap3A_33 = arith.constant 0 : index
    %swap3A_34 = tpu.vector_load %arg10[%swap3A_33] {strides = array<i32>} : memref<640xf32, #tpu.memory_space<vmem>>, vector<16xf32>,
    %swap3A_35 = vector.shape_cast %swap3A_34 : vector<16xf32> to vector<16xf32>
    %swap3A_36 = vector.shape_cast %broadcast_in_dim3A_32 : vector<16xf32> to vector<16xf32>
    tpu.vector_store %arg10[%swap3A_33], %swap3A_36 {strides = array<i32>} : memref<640xf32, #tpu.memory_space<vmem>>, vector<16xf32>,
    %broadcast_in_dim3A_37 = arith.constant 0.000000e+00 : f32
    %broadcast_in_dim3A_38 = vector.broadcast %broadcast_in_dim3A_37 : f32 to vector<16xf32>
    %swap3A_39 = arith.constant 16 : index
    %swap3A_40 = tpu.vector_load %arg10[%swap3A_39] {strides = array<i32>} : memref<640xf32, #tpu.memory_space<vmem>>, vector<16xf32>,
    %swap3A_41 = vector.shape_cast %swap3A_40 : vector<16xf32> to vector<16xf32>
    %swap3A_42 = vector.shape_cast %broadcast_in_dim3A_38 : vector<16xf32> to vector<16xf32>
    tpu.vector_store %arg10[%swap3A_39], %swap3A_42 {strides = array<i32>} : memref<640xf32, #tpu.memory_space<vmem>>, vector<16xf32>,
    %broadcast_in_dim3A_43 = arith.constant 0.000000e+00 : f32
    %broadcast_in_dim3A_44 = vector.broadcast %broadcast_in_dim3A_43 : f32 to vector<16xf32>
    %swap3A_45 = arith.constant 32 : index
    %swap3A_46 = tpu.vector_load %arg10[%swap3A_45] {strides = array<i32>} : memref<640xf32, #tpu.memory_space<vmem>>, vector<16xf32>,
    %swap3A_47 = vector.shape_cast %swap3A_46 : vector<16xf32> to vector<16xf32>
    %swap3A_48 = vector.shape_cast %broadcast_in_dim3A_44 : vector<16xf32> to vector<16xf32>
    tpu.vector_store %arg10[%swap3A_45], %swap3A_48 {strides = array<i32>} : memref<640xf32, #tpu.memory_space<vmem>>, vector<16xf32>,
    %broadcast_in_dim3A_49 = arith.constant 0.000000e+00 : f32
    %broadcast_in_dim3A_50 = vector.broadcast %broadcast_in_dim3A_49 : f32 to vector<16xf32>
    %swap3A_51 = arith.constant 48 : index
    %swap3A_52 = tpu.vector_load %arg10[%swap3A_51] {strides = array<i32>} : memref<640xf32, #tpu.memory_space<vmem>>, vector<16xf32>,
    %swap3A_53 = vector.shape_cast %swap3A_52 : vector<16xf32> to vector<16xf32>
    %swap3A_54 = vector.shape_cast %broadcast_in_dim3A_50 : vector<16xf32> to vector<16xf32>
    tpu.vector_store %arg10[%swap3A_51], %swap3A_54 {strides = array<i32>} : memref<640xf32, #tpu.memory_space<vmem>>, vector<16xf32>,
    %broadcast_in_dim3A_55 = arith.constant 0.000000e+00 : f32
    %broadcast_in_dim3A_56 = vector.broadcast %broadcast_in_dim3A_55 : f32 to vector<16xf32>
    %swap3A_57 = arith.constant 64 : index
    %swap3A_58 = tpu.vector_load %arg10[%swap3A_57] {strides = array<i32>} : memref<640xf32, #tpu.memory_space<vmem>>, vector<16xf32>,
    %swap3A_59 = vector.shape_cast %swap3A_58 : vector<16xf32> to vector<16xf32>
    %swap3A_60 = vector.shape_cast %broadcast_in_dim3A_56 : vector<16xf32> to vector<16xf32>
    tpu.vector_store %arg10[%swap3A_57], %swap3A_60 {strides = array<i32>} : memref<640xf32, #tpu.memory_space<vmem>>, vector<16xf32>,
    %broadcast_in_dim3A_61 = arith.constant 0.000000e+00 : f32
    %broadcast_in_dim3A_62 = vector.broadcast %broadcast_in_dim3A_61 : f32 to vector<16xf32>
    %swap3A_63 = arith.constant 80 : index
    %swap3A_64 = tpu.vector_load %arg10[%swap3A_63] {strides = array<i32>} : memref<640xf32, #tpu.memory_space<vmem>>, vector<16xf32>,
    %swap3A_65 = vector.shape_cast %swap3A_64 : vector<16xf32> to vector<16xf32>
    %swap3A_66 = vector.shape_cast %broadcast_in_dim3A_62 : vector<16xf32> to vector<16xf32>
    tpu.vector_store %arg10[%swap3A_63], %swap3A_66 {strides = array<i32>} : memref<640xf32, #tpu.memory_space<vmem>>, vector<16xf32>,
    %broadcast_in_dim3A_67 = arith.constant 0.000000e+00 : f32
    %broadcast_in_dim3A_68 = vector.broadcast %broadcast_in_dim3A_67 : f32 to vector<16xf32>
    %swap3A_69 = arith.constant 96 : index
    %swap3A_70 = tpu.vector_load %arg10[%swap3A_69] {strides = array<i32>} : memref<640xf32, #tpu.memory_space<vmem>>, vector<16xf32>,
    %swap3A_71 = vector.shape_cast %swap3A_70 : vector<16xf32> to vector<16xf32>
    %swap3A_72 = vector.shape_cast %broadcast_in_dim3A_68 : vector<16xf32> to vector<16xf32>
    tpu.vector_store %arg10[%swap3A_69], %swap3A_72 {strides = array<i32>} : memref<640xf32, #tpu.memory_space<vmem>>, vector<16xf32>,
    %broadcast_in_dim3A_73 = arith.constant 0.000000e+00 : f32
    %broadcast_in_dim3A_74 = vector.broadcast %broadcast_in_dim3A_73 : f32 to vector<16xf32>
    %swap3A_75 = arith.constant 112 : index
    %swap3A_76 = tpu.vector_load %arg10[%swap3A_75] {strides = array<i32>} : memref<640xf32, #tpu.memory_space<vmem>>, vector<16xf32>,
    %swap3A_77 = vector.shape_cast %swap3A_76 : vector<16xf32> to vector<16xf32>
    %swap3A_78 = vector.shape_cast %broadcast_in_dim3A_74 : vector<16xf32> to vector<16xf32>
    tpu.vector_store %arg10[%swap3A_75], %swap3A_78 {strides = array<i32>} : memref<640xf32, #tpu.memory_space<vmem>>, vector<16xf32>,
    %broadcast_in_dim3A_79 = arith.constant 0.000000e+00 : f32
    %broadcast_in_dim3A_80 = vector.broadcast %broadcast_in_dim3A_79 : f32 to vector<16xf32>
    %swap3A_81 = arith.constant 128 : index
    %swap3A_82 = tpu.vector_load %arg10[%swap3A_81] {strides = array<i32>} : memref<640xf32, #tpu.memory_space<vmem>>, vector<16xf32>,
    %swap3A_83 = vector.shape_cast %swap3A_82 : vector<16xf32> to vector<16xf32>
    %swap3A_84 = vector.shape_cast %broadcast_in_dim3A_80 : vector<16xf32> to vector<16xf32>
    tpu.vector_store %arg10[%swap3A_81], %swap3A_84 {strides = array<i32>} : memref<640xf32, #tpu.memory_space<vmem>>, vector<16xf32>,
    %broadcast_in_dim3A_85 = arith.constant 0.000000e+00 : f32
    %broadcast_in_dim3A_86 = vector.broadcast %broadcast_in_dim3A_85 : f32 to vector<16xf32>
    %swap3A_87 = arith.constant 144 : index
    %swap3A_88 = tpu.vector_load %arg10[%swap3A_87] {strides = array<i32>} : memref<640xf32, #tpu.memory_space<vmem>>, vector<16xf32>,
    %swap3A_89 = vector.shape_cast %swap3A_88 : vector<16xf32> to vector<16xf32>
    %swap3A_90 = vector.shape_cast %broadcast_in_dim3A_86 : vector<16xf32> to vector<16xf32>
    tpu.vector_store %arg10[%swap3A_87], %swap3A_90 {strides = array<i32>} : memref<640xf32, #tpu.memory_space<vmem>>, vector<16xf32>,
    %broadcast_in_dim3A_91 = arith.constant 0.000000e+00 : f32
    %broadcast_in_dim3A_92 = vector.broadcast %broadcast_in_dim3A_91 : f32 to vector<16xf32>
    %swap3A_93 = arith.constant 160 : index
    %swap3A_94 = tpu.vector_load %arg10[%swap3A_93] {strides = array<i32>} : memref<640xf32, #tpu.memory_space<vmem>>, vector<16xf32>,
    %swap3A_95 = vector.shape_cast %swap3A_94 : vector<16xf32> to vector<16xf32>
    %swap3A_96 = vector.shape_cast %broadcast_in_dim3A_92 : vector<16xf32> to vector<16xf32>
    tpu.vector_store %arg10[%swap3A_93], %swap3A_96 {strides = array<i32>} : memref<640xf32, #tpu.memory_space<vmem>>, vector<16xf32>,
    %broadcast_in_dim3A_97 = arith.constant 0.000000e+00 : f32
    %broadcast_in_dim3A_98 = vector.broadcast %broadcast_in_dim3A_97 : f32 to vector<16xf32>
    %swap3A_99 = arith.constant 176 : index
    %swap3A_100 = tpu.vector_load %arg10[%swap3A_99] {strides = array<i32>} : memref<640xf32, #tpu.memory_space<vmem>>, vector<16xf32>,
    %swap3A_101 = vector.shape_cast %swap3A_100 : vector<16xf32> to vector<16xf32>
    %swap3A_102 = vector.shape_cast %broadcast_in_dim3A_98 : vector<16xf32> to vector<16xf32>
    tpu.vector_store %arg10[%swap3A_99], %swap3A_102 {strides = array<i32>} : memref<640xf32, #tpu.memory_space<vmem>>, vector<16xf32>,
    %broadcast_in_dim3A_103 = arith.constant 0.000000e+00 : f32
    %broadcast_in_dim3A_104 = vector.broadcast %broadcast_in_dim3A_103 : f32 to vector<16xf32>
    %swap3A_105 = arith.constant 192 : index
    %swap3A_106 = tpu.vector_load %arg10[%swap3A_105] {strides = array<i32>} : memref<640xf32, #tpu.memory_space<vmem>>, vector<16xf32>,
    %swap3A_107 = vector.shape_cast %swap3A_106 : vector<16xf32> to vector<16xf32>
    %swap3A_108 = vector.shape_cast %broadcast_in_dim3A_104 : vector<16xf32> to vector<16xf32>
    tpu.vector_store %arg10[%swap3A_105], %swap3A_108 {strides = array<i32>} : memref<640xf32, #tpu.memory_space<vmem>>, vector<16xf32>,
    %broadcast_in_dim3A_109 = arith.constant 0.000000e+00 : f32
    %broadcast_in_dim3A_110 = vector.broadcast %broadcast_in_dim3A_109 : f32 to vector<16xf32>
    %swap3A_111 = arith.constant 208 : index
    %swap3A_112 = tpu.vector_load %arg10[%swap3A_111] {strides = array<i32>} : memref<640xf32, #tpu.memory_space<vmem>>, vector<16xf32>,
    %swap3A_113 = vector.shape_cast %swap3A_112 : vector<16xf32> to vector<16xf32>
    %swap3A_114 = vector.shape_cast %broadcast_in_dim3A_110 : vector<16xf32> to vector<16xf32>
    tpu.vector_store %arg10[%swap3A_111], %swap3A_114 {strides = array<i32>} : memref<640xf32, #tpu.memory_space<vmem>>, vector<16xf32>,
    %broadcast_in_dim3A_115 = arith.constant 0.000000e+00 : f32
    %broadcast_in_dim3A_116 = vector.broadcast %broadcast_in_dim3A_115 : f32 to vector<16xf32>
    %swap3A_117 = arith.constant 224 : index
    %swap3A_118 = tpu.vector_load %arg10[%swap3A_117] {strides = array<i32>} : memref<640xf32, #tpu.memory_space<vmem>>, vector<16xf32>,
    %swap3A_119 = vector.shape_cast %swap3A_118 : vector<16xf32> to vector<16xf32>
    %swap3A_120 = vector.shape_cast %broadcast_in_dim3A_116 : vector<16xf32> to vector<16xf32>
    tpu.vector_store %arg10[%swap3A_117], %swap3A_120 {strides = array<i32>} : memref<640xf32, #tpu.memory_space<vmem>>, vector<16xf32>,
    %broadcast_in_dim3A_121 = arith.constant 0.000000e+00 : f32
    %broadcast_in_dim3A_122 = vector.broadcast %broadcast_in_dim3A_121 : f32 to vector<16xf32>
    %swap3A_123 = arith.constant 240 : index
    %swap3A_124 = tpu.vector_load %arg10[%swap3A_123] {strides = array<i32>} : memref<640xf32, #tpu.memory_space<vmem>>, vector<16xf32>,
    %swap3A_125 = vector.shape_cast %swap3A_124 : vector<16xf32> to vector<16xf32>
    %swap3A_126 = vector.shape_cast %broadcast_in_dim3A_122 : vector<16xf32> to vector<16xf32>
    tpu.vector_store %arg10[%swap3A_123], %swap3A_126 {strides = array<i32>} : memref<640xf32, #tpu.memory_space<vmem>>, vector<16xf32>,
    %broadcast_in_dim3A_127 = arith.constant 0.000000e+00 : f32
    %broadcast_in_dim3A_128 = vector.broadcast %broadcast_in_dim3A_127 : f32 to vector<16xf32>
    %swap3A_129 = arith.constant 256 : index
    %swap3A_130 = tpu.vector_load %arg10[%swap3A_129] {strides = array<i32>} : memref<640xf32, #tpu.memory_space<vmem>>, vector<16xf32>,
    %swap3A_131 = vector.shape_cast %swap3A_130 : vector<16xf32> to vector<16xf32>
    %swap3A_132 = vector.shape_cast %broadcast_in_dim3A_128 : vector<16xf32> to vector<16xf32>
    tpu.vector_store %arg10[%swap3A_129], %swap3A_132 {strides = array<i32>} : memref<640xf32, #tpu.memory_space<vmem>>, vector<16xf32>,
    %broadcast_in_dim3A_133 = arith.constant 0.000000e+00 : f32
    %broadcast_in_dim3A_134 = vector.broadcast %broadcast_in_dim3A_133 : f32 to vector<16xf32>
    %swap3A_135 = arith.constant 272 : index
    %swap3A_136 = tpu.vector_load %arg10[%swap3A_135] {strides = array<i32>} : memref<640xf32, #tpu.memory_space<vmem>>, vector<16xf32>,
    %swap3A_137 = vector.shape_cast %swap3A_136 : vector<16xf32> to vector<16xf32>
    %swap3A_138 = vector.shape_cast %broadcast_in_dim3A_134 : vector<16xf32> to vector<16xf32>
    tpu.vector_store %arg10[%swap3A_135], %swap3A_138 {strides = array<i32>} : memref<640xf32, #tpu.memory_space<vmem>>, vector<16xf32>,
    %broadcast_in_dim3A_139 = arith.constant 0.000000e+00 : f32
    %broadcast_in_dim3A_140 = vector.broadcast %broadcast_in_dim3A_139 : f32 to vector<16xf32>
    %swap3A_141 = arith.constant 288 : index
    %swap3A_142 = tpu.vector_load %arg10[%swap3A_141] {strides = array<i32>} : memref<640xf32, #tpu.memory_space<vmem>>, vector<16xf32>,
    %swap3A_143 = vector.shape_cast %swap3A_142 : vector<16xf32> to vector<16xf32>
    %swap3A_144 = vector.shape_cast %broadcast_in_dim3A_140 : vector<16xf32> to vector<16xf32>
    tpu.vector_store %arg10[%swap3A_141], %swap3A_144 {strides = array<i32>} : memref<640xf32, #tpu.memory_space<vmem>>, vector<16xf32>,
    %broadcast_in_dim3A_145 = arith.constant 0.000000e+00 : f32
    %broadcast_in_dim3A_146 = vector.broadcast %broadcast_in_dim3A_145 : f32 to vector<16xf32>
    %swap3A_147 = arith.constant 304 : index
    %swap3A_148 = tpu.vector_load %arg10[%swap3A_147] {strides = array<i32>} : memref<640xf32, #tpu.memory_space<vmem>>, vector<16xf32>,
    %swap3A_149 = vector.shape_cast %swap3A_148 : vector<16xf32> to vector<16xf32>
    %swap3A_150 = vector.shape_cast %broadcast_in_dim3A_146 : vector<16xf32> to vector<16xf32>
    tpu.vector_store %arg10[%swap3A_147], %swap3A_150 {strides = array<i32>} : memref<640xf32, #tpu.memory_space<vmem>>, vector<16xf32>,
    %broadcast_in_dim3A_151 = arith.constant 0.000000e+00 : f32
    %broadcast_in_dim3A_152 = vector.broadcast %broadcast_in_dim3A_151 : f32 to vector<16xf32>
    %swap3A_153 = arith.constant 320 : index
    %swap3A_154 = tpu.vector_load %arg10[%swap3A_153] {strides = array<i32>} : memref<640xf32, #tpu.memory_space<vmem>>, vector<16xf32>,
    %swap3A_155 = vector.shape_cast %swap3A_154 : vector<16xf32> to vector<16xf32>
    %swap3A_156 = vector.shape_cast %broadcast_in_dim3A_152 : vector<16xf32> to vector<16xf32>
    tpu.vector_store %arg10[%swap3A_153], %swap3A_156 {strides = array<i32>} : memref<640xf32, #tpu.memory_space<vmem>>, vector<16xf32>,
    %broadcast_in_dim3A_157 = arith.constant 0.000000e+00 : f32
    %broadcast_in_dim3A_158 = vector.broadcast %broadcast_in_dim3A_157 : f32 to vector<16xf32>
    %swap3A_159 = arith.constant 336 : index
    %swap3A_160 = tpu.vector_load %arg10[%swap3A_159] {strides = array<i32>} : memref<640xf32, #tpu.memory_space<vmem>>, vector<16xf32>,
    %swap3A_161 = vector.shape_cast %swap3A_160 : vector<16xf32> to vector<16xf32>
    %swap3A_162 = vector.shape_cast %broadcast_in_dim3A_158 : vector<16xf32> to vector<16xf32>
    tpu.vector_store %arg10[%swap3A_159], %swap3A_162 {strides = array<i32>} : memref<640xf32, #tpu.memory_space<vmem>>, vector<16xf32>,
    %broadcast_in_dim3A_163 = arith.constant 0.000000e+00 : f32
    %broadcast_in_dim3A_164 = vector.broadcast %broadcast_in_dim3A_163 : f32 to vector<16xf32>
    %swap3A_165 = arith.constant 352 : index
    %swap3A_166 = tpu.vector_load %arg10[%swap3A_165] {strides = array<i32>} : memref<640xf32, #tpu.memory_space<vmem>>, vector<16xf32>,
    %swap3A_167 = vector.shape_cast %swap3A_166 : vector<16xf32> to vector<16xf32>
    %swap3A_168 = vector.shape_cast %broadcast_in_dim3A_164 : vector<16xf32> to vector<16xf32>
    tpu.vector_store %arg10[%swap3A_165], %swap3A_168 {strides = array<i32>} : memref<640xf32, #tpu.memory_space<vmem>>, vector<16xf32>,
    %broadcast_in_dim3A_169 = arith.constant 0.000000e+00 : f32
    %broadcast_in_dim3A_170 = vector.broadcast %broadcast_in_dim3A_169 : f32 to vector<16xf32>
    %swap3A_171 = arith.constant 368 : index
    %swap3A_172 = tpu.vector_load %arg10[%swap3A_171] {strides = array<i32>} : memref<640xf32, #tpu.memory_space<vmem>>, vector<16xf32>,
    %swap3A_173 = vector.shape_cast %swap3A_172 : vector<16xf32> to vector<16xf32>
    %swap3A_174 = vector.shape_cast %broadcast_in_dim3A_170 : vector<16xf32> to vector<16xf32>
    tpu.vector_store %arg10[%swap3A_171], %swap3A_174 {strides = array<i32>} : memref<640xf32, #tpu.memory_space<vmem>>, vector<16xf32>,
    %broadcast_in_dim3A_175 = arith.constant 0.000000e+00 : f32
    %broadcast_in_dim3A_176 = vector.broadcast %broadcast_in_dim3A_175 : f32 to vector<16xf32>
    %swap3A_177 = arith.constant 384 : index
    %swap3A_178 = tpu.vector_load %arg10[%swap3A_177] {strides = array<i32>} : memref<640xf32, #tpu.memory_space<vmem>>, vector<16xf32>,
    %swap3A_179 = vector.shape_cast %swap3A_178 : vector<16xf32> to vector<16xf32>
    %swap3A_180 = vector.shape_cast %broadcast_in_dim3A_176 : vector<16xf32> to vector<16xf32>
    tpu.vector_store %arg10[%swap3A_177], %swap3A_180 {strides = array<i32>} : memref<640xf32, #tpu.memory_space<vmem>>, vector<16xf32>,
    %broadcast_in_dim3A_181 = arith.constant 0.000000e+00 : f32
    %broadcast_in_dim3A_182 = vector.broadcast %broadcast_in_dim3A_181 : f32 to vector<16xf32>
    %swap3A_183 = arith.constant 400 : index
    %swap3A_184 = tpu.vector_load %arg10[%swap3A_183] {strides = array<i32>} : memref<640xf32, #tpu.memory_space<vmem>>, vector<16xf32>,
    %swap3A_185 = vector.shape_cast %swap3A_184 : vector<16xf32> to vector<16xf32>
    %swap3A_186 = vector.shape_cast %broadcast_in_dim3A_182 : vector<16xf32> to vector<16xf32>
    tpu.vector_store %arg10[%swap3A_183], %swap3A_186 {strides = array<i32>} : memref<640xf32, #tpu.memory_space<vmem>>, vector<16xf32>,
    %broadcast_in_dim3A_187 = arith.constant 0.000000e+00 : f32
    %broadcast_in_dim3A_188 = vector.broadcast %broadcast_in_dim3A_187 : f32 to vector<16xf32>
    %swap3A_189 = arith.constant 416 : index
    %swap3A_190 = tpu.vector_load %arg10[%swap3A_189] {strides = array<i32>} : memref<640xf32, #tpu.memory_space<vmem>>, vector<16xf32>,
    %swap3A_191 = vector.shape_cast %swap3A_190 : vector<16xf32> to vector<16xf32>
    %swap3A_192 = vector.shape_cast %broadcast_in_dim3A_188 : vector<16xf32> to vector<16xf32>
    tpu.vector_store %arg10[%swap3A_189], %swap3A_192 {strides = array<i32>} : memref<640xf32, #tpu.memory_space<vmem>>, vector<16xf32>,
    %broadcast_in_dim3A_193 = arith.constant 0.000000e+00 : f32
    %broadcast_in_dim3A_194 = vector.broadcast %broadcast_in_dim3A_193 : f32 to vector<16xf32>
    %swap3A_195 = arith.constant 432 : index
    %swap3A_196 = tpu.vector_load %arg10[%swap3A_195] {strides = array<i32>} : memref<640xf32, #tpu.memory_space<vmem>>, vector<16xf32>,
    %swap3A_197 = vector.shape_cast %swap3A_196 : vector<16xf32> to vector<16xf32>
    %swap3A_198 = vector.shape_cast %broadcast_in_dim3A_194 : vector<16xf32> to vector<16xf32>
    tpu.vector_store %arg10[%swap3A_195], %swap3A_198 {strides = array<i32>} : memref<640xf32, #tpu.memory_space<vmem>>, vector<16xf32>,
    %broadcast_in_dim3A_199 = arith.constant 0.000000e+00 : f32
    %broadcast_in_dim3A_200 = vector.broadcast %broadcast_in_dim3A_199 : f32 to vector<16xf32>
    %swap3A_201 = arith.constant 448 : index
    %swap3A_202 = tpu.vector_load %arg10[%swap3A_201] {strides = array<i32>} : memref<640xf32, #tpu.memory_space<vmem>>, vector<16xf32>,
    %swap3A_203 = vector.shape_cast %swap3A_202 : vector<16xf32> to vector<16xf32>
    %swap3A_204 = vector.shape_cast %broadcast_in_dim3A_200 : vector<16xf32> to vector<16xf32>
    tpu.vector_store %arg10[%swap3A_201], %swap3A_204 {strides = array<i32>} : memref<640xf32, #tpu.memory_space<vmem>>, vector<16xf32>,
    %broadcast_in_dim3A_205 = arith.constant 0.000000e+00 : f32
    %broadcast_in_dim3A_206 = vector.broadcast %broadcast_in_dim3A_205 : f32 to vector<16xf32>
    %swap3A_207 = arith.constant 464 : index
    %swap3A_208 = tpu.vector_load %arg10[%swap3A_207] {strides = array<i32>} : memref<640xf32, #tpu.memory_space<vmem>>, vector<16xf32>,
    %swap3A_209 = vector.shape_cast %swap3A_208 : vector<16xf32> to vector<16xf32>
    %swap3A_210 = vector.shape_cast %broadcast_in_dim3A_206 : vector<16xf32> to vector<16xf32>
    tpu.vector_store %arg10[%swap3A_207], %swap3A_210 {strides = array<i32>} : memref<640xf32, #tpu.memory_space<vmem>>, vector<16xf32>,
    %broadcast_in_dim3A_211 = arith.constant 0.000000e+00 : f32
    %broadcast_in_dim3A_212 = vector.broadcast %broadcast_in_dim3A_211 : f32 to vector<16xf32>
    %swap3A_213 = arith.constant 480 : index
    %swap3A_214 = tpu.vector_load %arg10[%swap3A_213] {strides = array<i32>} : memref<640xf32, #tpu.memory_space<vmem>>, vector<16xf32>,
    %swap3A_215 = vector.shape_cast %swap3A_214 : vector<16xf32> to vector<16xf32>
    %swap3A_216 = vector.shape_cast %broadcast_in_dim3A_212 : vector<16xf32> to vector<16xf32>
    tpu.vector_store %arg10[%swap3A_213], %swap3A_216 {strides = array<i32>} : memref<640xf32, #tpu.memory_space<vmem>>, vector<16xf32>,
    %broadcast_in_dim3A_217 = arith.constant 0.000000e+00 : f32
    %broadcast_in_dim3A_218 = vector.broadcast %broadcast_in_dim3A_217 : f32 to vector<16xf32>
    %swap3A_219 = arith.constant 496 : index
    %swap3A_220 = tpu.vector_load %arg10[%swap3A_219] {strides = array<i32>} : memref<640xf32, #tpu.memory_space<vmem>>, vector<16xf32>,
    %swap3A_221 = vector.shape_cast %swap3A_220 : vector<16xf32> to vector<16xf32>
    %swap3A_222 = vector.shape_cast %broadcast_in_dim3A_218 : vector<16xf32> to vector<16xf32>
    tpu.vector_store %arg10[%swap3A_219], %swap3A_222 {strides = array<i32>} : memref<640xf32, #tpu.memory_space<vmem>>, vector<16xf32>,
    %broadcast_in_dim3A_223 = arith.constant 0.000000e+00 : f32
    %broadcast_in_dim3A_224 = vector.broadcast %broadcast_in_dim3A_223 : f32 to vector<16xf32>
    %swap3A_225 = arith.constant 512 : index
    %swap3A_226 = tpu.vector_load %arg10[%swap3A_225] {strides = array<i32>} : memref<640xf32, #tpu.memory_space<vmem>>, vector<16xf32>,
    %swap3A_227 = vector.shape_cast %swap3A_226 : vector<16xf32> to vector<16xf32>
    %swap3A_228 = vector.shape_cast %broadcast_in_dim3A_224 : vector<16xf32> to vector<16xf32>
    tpu.vector_store %arg10[%swap3A_225], %swap3A_228 {strides = array<i32>} : memref<640xf32, #tpu.memory_space<vmem>>, vector<16xf32>,
    %broadcast_in_dim3A_229 = arith.constant 0.000000e+00 : f32
    %broadcast_in_dim3A_230 = vector.broadcast %broadcast_in_dim3A_229 : f32 to vector<16xf32>
    %swap3A_231 = arith.constant 528 : index
    %swap3A_232 = tpu.vector_load %arg10[%swap3A_231] {strides = array<i32>} : memref<640xf32, #tpu.memory_space<vmem>>, vector<16xf32>,
    %swap3A_233 = vector.shape_cast %swap3A_232 : vector<16xf32> to vector<16xf32>
    %swap3A_234 = vector.shape_cast %broadcast_in_dim3A_230 : vector<16xf32> to vector<16xf32>
    tpu.vector_store %arg10[%swap3A_231], %swap3A_234 {strides = array<i32>} : memref<640xf32, #tpu.memory_space<vmem>>, vector<16xf32>,
    %broadcast_in_dim3A_235 = arith.constant 0.000000e+00 : f32
    %broadcast_in_dim3A_236 = vector.broadcast %broadcast_in_dim3A_235 : f32 to vector<16xf32>
    %swap3A_237 = arith.constant 544 : index
    %swap3A_238 = tpu.vector_load %arg10[%swap3A_237] {strides = array<i32>} : memref<640xf32, #tpu.memory_space<vmem>>, vector<16xf32>,
    %swap3A_239 = vector.shape_cast %swap3A_238 : vector<16xf32> to vector<16xf32>
    %swap3A_240 = vector.shape_cast %broadcast_in_dim3A_236 : vector<16xf32> to vector<16xf32>
    tpu.vector_store %arg10[%swap3A_237], %swap3A_240 {strides = array<i32>} : memref<640xf32, #tpu.memory_space<vmem>>, vector<16xf32>,
    %broadcast_in_dim3A_241 = arith.constant 0.000000e+00 : f32
    %broadcast_in_dim3A_242 = vector.broadcast %broadcast_in_dim3A_241 : f32 to vector<16xf32>
    %swap3A_243 = arith.constant 560 : index
    %swap3A_244 = tpu.vector_load %arg10[%swap3A_243] {strides = array<i32>} : memref<640xf32, #tpu.memory_space<vmem>>, vector<16xf32>,
    %swap3A_245 = vector.shape_cast %swap3A_244 : vector<16xf32> to vector<16xf32>
    %swap3A_246 = vector.shape_cast %broadcast_in_dim3A_242 : vector<16xf32> to vector<16xf32>
    tpu.vector_store %arg10[%swap3A_243], %swap3A_246 {strides = array<i32>} : memref<640xf32, #tpu.memory_space<vmem>>, vector<16xf32>,
    %broadcast_in_dim3A_247 = arith.constant 0.000000e+00 : f32
    %broadcast_in_dim3A_248 = vector.broadcast %broadcast_in_dim3A_247 : f32 to vector<16xf32>
    %swap3A_249 = arith.constant 576 : index
    %swap3A_250 = tpu.vector_load %arg10[%swap3A_249] {strides = array<i32>} : memref<640xf32, #tpu.memory_space<vmem>>, vector<16xf32>,
    %swap3A_251 = vector.shape_cast %swap3A_250 : vector<16xf32> to vector<16xf32>
    %swap3A_252 = vector.shape_cast %broadcast_in_dim3A_248 : vector<16xf32> to vector<16xf32>
    tpu.vector_store %arg10[%swap3A_249], %swap3A_252 {strides = array<i32>} : memref<640xf32, #tpu.memory_space<vmem>>, vector<16xf32>,
    %broadcast_in_dim3A_253 = arith.constant 0.000000e+00 : f32
    %broadcast_in_dim3A_254 = vector.broadcast %broadcast_in_dim3A_253 : f32 to vector<16xf32>
    %swap3A_255 = arith.constant 592 : index
    %swap3A_256 = tpu.vector_load %arg10[%swap3A_255] {strides = array<i32>} : memref<640xf32, #tpu.memory_space<vmem>>, vector<16xf32>,
    %swap3A_257 = vector.shape_cast %swap3A_256 : vector<16xf32> to vector<16xf32>
    %swap3A_258 = vector.shape_cast %broadcast_in_dim3A_254 : vector<16xf32> to vector<16xf32>
    tpu.vector_store %arg10[%swap3A_255], %swap3A_258 {strides = array<i32>} : memref<640xf32, #tpu.memory_space<vmem>>, vector<16xf32>,
    %broadcast_in_dim3A_259 = arith.constant 0.000000e+00 : f32
    %broadcast_in_dim3A_260 = vector.broadcast %broadcast_in_dim3A_259 : f32 to vector<16xf32>
    %swap3A_261 = arith.constant 608 : index
    %swap3A_262 = tpu.vector_load %arg10[%swap3A_261] {strides = array<i32>} : memref<640xf32, #tpu.memory_space<vmem>>, vector<16xf32>,
    %swap3A_263 = vector.shape_cast %swap3A_262 : vector<16xf32> to vector<16xf32>
    %swap3A_264 = vector.shape_cast %broadcast_in_dim3A_260 : vector<16xf32> to vector<16xf32>
    tpu.vector_store %arg10[%swap3A_261], %swap3A_264 {strides = array<i32>} : memref<640xf32, #tpu.memory_space<vmem>>, vector<16xf32>,
    %broadcast_in_dim3A_265 = arith.constant 0.000000e+00 : f32
    %broadcast_in_dim3A_266 = vector.broadcast %broadcast_in_dim3A_265 : f32 to vector<16xf32>
    %swap3A_267 = arith.constant 624 : index
    %swap3A_268 = tpu.vector_load %arg10[%swap3A_267] {strides = array<i32>} : memref<640xf32, #tpu.memory_space<vmem>>, vector<16xf32>,
    %swap3A_269 = vector.shape_cast %swap3A_268 : vector<16xf32> to vector<16xf32>
    %swap3A_270 = vector.shape_cast %broadcast_in_dim3A_266 : vector<16xf32> to vector<16xf32>
    tpu.vector_store %arg10[%swap3A_267], %swap3A_270 {strides = array<i32>} : memref<640xf32, #tpu.memory_space<vmem>>, vector<16xf32>,
    %run_scoped3A = arith.constant 0 : i32
    "tpu.region"() ({
      %run_scoped3A_803 = tpu.sem_alloc : memref<!tpu.dma_semaphore, #tpu.memory_space<semaphore_mem>>
      %dma_start3A_804 = arith.constant 0 : i32
      %dma_start3A_805 = arith.constant 0 : i32
      %dma_start3A_806 = tpu.memref_slice %arg8[%run_scoped3A, %dma_start3A_804, %dma_start3A_805] : memref<3x80x128xf32, #tpu.memory_space<vmem>> -> memref<1x80x128xf32, #tpu.memory_space<vmem>>
      %dma_start3A_807 = tpu.memref_squeeze %dma_start3A_806 : memref<1x80x128xf32, #tpu.memory_space<vmem>> -> memref<80x128xf32, #tpu.memory_space<vmem>>
      %dma_start3A_808 = arith.constant 0 : i32
      %dma_start3A_809 = arith.constant 0 : i32
      %dma_start3A_810 = tpu.memref_slice %arg8[%run_scoped3A, %dma_start3A_808, %dma_start3A_809] : memref<3x80x128xf32, #tpu.memory_space<vmem>> -> memref<1x80x128xf32, #tpu.memory_space<vmem>>
      %dma_start3A_811 = tpu.memref_squeeze %dma_start3A_810 : memref<1x80x128xf32, #tpu.memory_space<vmem>> -> memref<80x128xf32, #tpu.memory_space<vmem>>
      tpu.enqueue_dma source(%arg4 : memref<80x128xf32, #tpu.memory_space<hbm>>) target(%dma_start3A_811 : memref<80x128xf32, #tpu.memory_space<vmem>>) target_semaphore(%run_scoped3A_803 : memref<!tpu.dma_semaphore, #tpu.memory_space<semaphore_mem>>)
      %dma_wait3A_812 = arith.constant 0 : i32
      %dma_wait3A_813 = arith.constant 0 : i32
      %dma_wait3A_814 = tpu.memref_slice %arg8[%run_scoped3A, %dma_wait3A_812, %dma_wait3A_813] : memref<3x80x128xf32, #tpu.memory_space<vmem>> -> memref<1x80x128xf32, #tpu.memory_space<vmem>>
      %dma_wait3A_815 = tpu.memref_squeeze %dma_wait3A_814 : memref<1x80x128xf32, #tpu.memory_space<vmem>> -> memref<80x128xf32, #tpu.memory_space<vmem>>
      %dma_wait3A_816 = arith.constant 0 : i32
      %dma_wait3A_817 = arith.constant 0 : i32
      %dma_wait3A_818 = tpu.memref_slice %arg8[%run_scoped3A, %dma_wait3A_816, %dma_wait3A_817] : memref<3x80x128xf32, #tpu.memory_space<vmem>> -> memref<1x80x128xf32, #tpu.memory_space<vmem>>
      %dma_wait3A_819 = tpu.memref_squeeze %dma_wait3A_818 : memref<1x80x128xf32, #tpu.memory_space<vmem>> -> memref<80x128xf32, #tpu.memory_space<vmem>>
      tpu.wait_dma2 semaphore(%run_scoped3A_803 : memref<!tpu.dma_semaphore, #tpu.memory_space<semaphore_mem>>) src(%arg4 : memref<80x128xf32, #tpu.memory_space<hbm>>) dst(%dma_wait3A_819 : memref<80x128xf32, #tpu.memory_space<vmem>>)
      tpu.yield
    }) : () -> ()
    %add3A_271 = arith.constant 0 : i32
    %add3A_272 = arith.addi %mul3A_2, %add3A_271 : i32
    %dma_start3A = arith.constant 0 : i32
    %dma_start3A_273 = arith.constant 0 : i32
    %dma_start3A_274 = arith.constant 0 : i32
    %dma_start3A_275 = tpu.memref_slice %arg8[%dma_start3A, %dma_start3A_273, %dma_start3A_274] : memref<3x80x128xf32, #tpu.memory_space<vmem>> -> memref<1x80x128xf32, #tpu.memory_space<vmem>>
    %dma_start3A_276 = tpu.memref_squeeze %dma_start3A_275 : memref<1x80x128xf32, #tpu.memory_space<vmem>> -> memref<80x128xf32, #tpu.memory_space<vmem>>
    %dma_start3A_277 = arith.constant 0 : i32
    %dma_start3A_278 = tpu.memref_slice %arg11[%add3A_272, %dma_start3A_277] : memref<10240x128xf32, #tpu.memory_space<vmem_shared>> -> memref<80x128xf32, #tpu.memory_space<vmem_shared>>
    %dma_start3A_279 = arith.constant 0 : i32
    %dma_start3A_280 = tpu.memref_slice %arg11[%add3A_272, %dma_start3A_279] : memref<10240x128xf32, #tpu.memory_space<vmem_shared>> -> memref<80x128xf32, #tpu.memory_space<vmem_shared>>
    %dma_start3A_281 = arith.constant 0 : i32
    %dma_start3A_282 = arith.constant 0 : i32
    %dma_start3A_283 = tpu.memref_slice %arg8[%dma_start3A, %dma_start3A_281, %dma_start3A_282] : memref<3x80x128xf32, #tpu.memory_space<vmem>> -> memref<1x80x128xf32, #tpu.memory_space<vmem>>
    %dma_start3A_284 = tpu.memref_squeeze %dma_start3A_283 : memref<1x80x128xf32, #tpu.memory_space<vmem>> -> memref<80x128xf32, #tpu.memory_space<vmem>>
    tpu.enqueue_dma source(%dma_start3A_284 : memref<80x128xf32, #tpu.memory_space<vmem>>) target(%dma_start3A_280 : memref<80x128xf32, #tpu.memory_space<vmem_shared>>) target_semaphore(%arg19 : memref<!tpu.dma_semaphore, #tpu.memory_space<semaphore_mem>>)
    %add3A_285 = arith.constant 80 : i32
    %add3A_286 = arith.addi %mul3A_2, %add3A_285 : i32
    %dma_start3A_287 = arith.constant 0 : i32
    %dma_start3A_288 = arith.constant 0 : i32
    %dma_start3A_289 = arith.constant 0 : i32
    %dma_start3A_290 = tpu.memref_slice %arg8[%dma_start3A_287, %dma_start3A_288, %dma_start3A_289] : memref<3x80x128xf32, #tpu.memory_space<vmem>> -> memref<1x80x128xf32, #tpu.memory_space<vmem>>
    %dma_start3A_291 = tpu.memref_squeeze %dma_start3A_290 : memref<1x80x128xf32, #tpu.memory_space<vmem>> -> memref<80x128xf32, #tpu.memory_space<vmem>>
    %dma_start3A_292 = arith.constant 0 : i32
    %dma_start3A_293 = tpu.memref_slice %arg11[%add3A_286, %dma_start3A_292] : memref<10240x128xf32, #tpu.memory_space<vmem_shared>> -> memref<80x128xf32, #tpu.memory_space<vmem_shared>>
    %dma_start3A_294 = arith.constant 0 : i32
    %dma_start3A_295 = tpu.memref_slice %arg11[%add3A_286, %dma_start3A_294] : memref<10240x128xf32, #tpu.memory_space<vmem_shared>> -> memref<80x128xf32, #tpu.memory_space<vmem_shared>>
    %dma_start3A_296 = arith.constant 0 : i32
    %dma_start3A_297 = arith.constant 0 : i32
    %dma_start3A_298 = tpu.memref_slice %arg8[%dma_start3A_287, %dma_start3A_296, %dma_start3A_297] : memref<3x80x128xf32, #tpu.memory_space<vmem>> -> memref<1x80x128xf32, #tpu.memory_space<vmem>>
    %dma_start3A_299 = tpu.memref_squeeze %dma_start3A_298 : memref<1x80x128xf32, #tpu.memory_space<vmem>> -> memref<80x128xf32, #tpu.memory_space<vmem>>
    tpu.enqueue_dma source(%dma_start3A_299 : memref<80x128xf32, #tpu.memory_space<vmem>>) target(%dma_start3A_295 : memref<80x128xf32, #tpu.memory_space<vmem_shared>>) target_semaphore(%arg19 : memref<!tpu.dma_semaphore, #tpu.memory_space<semaphore_mem>>)
    %add3A_300 = arith.constant 160 : i32
    %add3A_301 = arith.addi %mul3A_2, %add3A_300 : i32
    %dma_start3A_302 = arith.constant 0 : i32
    %dma_start3A_303 = arith.constant 0 : i32
    %dma_start3A_304 = arith.constant 0 : i32
    %dma_start3A_305 = tpu.memref_slice %arg8[%dma_start3A_302, %dma_start3A_303, %dma_start3A_304] : memref<3x80x128xf32, #tpu.memory_space<vmem>> -> memref<1x80x128xf32, #tpu.memory_space<vmem>>
    %dma_start3A_306 = tpu.memref_squeeze %dma_start3A_305 : memref<1x80x128xf32, #tpu.memory_space<vmem>> -> memref<80x128xf32, #tpu.memory_space<vmem>>
    %dma_start3A_307 = arith.constant 0 : i32
    %dma_start3A_308 = tpu.memref_slice %arg11[%add3A_301, %dma_start3A_307] : memref<10240x128xf32, #tpu.memory_space<vmem_shared>> -> memref<80x128xf32, #tpu.memory_space<vmem_shared>>
    %dma_start3A_309 = arith.constant 0 : i32
    %dma_start3A_310 = tpu.memref_slice %arg11[%add3A_301, %dma_start3A_309] : memref<10240x128xf32, #tpu.memory_space<vmem_shared>> -> memref<80x128xf32, #tpu.memory_space<vmem_shared>>
    %dma_start3A_311 = arith.constant 0 : i32
    %dma_start3A_312 = arith.constant 0 : i32
    %dma_start3A_313 = tpu.memref_slice %arg8[%dma_start3A_302, %dma_start3A_311, %dma_start3A_312] : memref<3x80x128xf32, #tpu.memory_space<vmem>> -> memref<1x80x128xf32, #tpu.memory_space<vmem>>
    %dma_start3A_314 = tpu.memref_squeeze %dma_start3A_313 : memref<1x80x128xf32, #tpu.memory_space<vmem>> -> memref<80x128xf32, #tpu.memory_space<vmem>>
    tpu.enqueue_dma source(%dma_start3A_314 : memref<80x128xf32, #tpu.memory_space<vmem>>) target(%dma_start3A_310 : memref<80x128xf32, #tpu.memory_space<vmem_shared>>) target_semaphore(%arg19 : memref<!tpu.dma_semaphore, #tpu.memory_space<semaphore_mem>>)
    %add3A_315 = arith.constant 240 : i32
    %add3A_316 = arith.addi %mul3A_2, %add3A_315 : i32
    %dma_start3A_317 = arith.constant 0 : i32
    %dma_start3A_318 = arith.constant 0 : i32
    %dma_start3A_319 = arith.constant 0 : i32
    %dma_start3A_320 = tpu.memref_slice %arg8[%dma_start3A_317, %dma_start3A_318, %dma_start3A_319] : memref<3x80x128xf32, #tpu.memory_space<vmem>> -> memref<1x80x128xf32, #tpu.memory_space<vmem>>
    %dma_start3A_321 = tpu.memref_squeeze %dma_start3A_320 : memref<1x80x128xf32, #tpu.memory_space<vmem>> -> memref<80x128xf32, #tpu.memory_space<vmem>>
    %dma_start3A_322 = arith.constant 0 : i32
    %dma_start3A_323 = tpu.memref_slice %arg11[%add3A_316, %dma_start3A_322] : memref<10240x128xf32, #tpu.memory_space<vmem_shared>> -> memref<80x128xf32, #tpu.memory_space<vmem_shared>>
    %dma_start3A_324 = arith.constant 0 : i32
    %dma_start3A_325 = tpu.memref_slice %arg11[%add3A_316, %dma_start3A_324] : memref<10240x128xf32, #tpu.memory_space<vmem_shared>> -> memref<80x128xf32, #tpu.memory_space<vmem_shared>>
    %dma_start3A_326 = arith.constant 0 : i32
    %dma_start3A_327 = arith.constant 0 : i32
    %dma_start3A_328 = tpu.memref_slice %arg8[%dma_start3A_317, %dma_start3A_326, %dma_start3A_327] : memref<3x80x128xf32, #tpu.memory_space<vmem>> -> memref<1x80x128xf32, #tpu.memory_space<vmem>>
    %dma_start3A_329 = tpu.memref_squeeze %dma_start3A_328 : memref<1x80x128xf32, #tpu.memory_space<vmem>> -> memref<80x128xf32, #tpu.memory_space<vmem>>
    tpu.enqueue_dma source(%dma_start3A_329 : memref<80x128xf32, #tpu.memory_space<vmem>>) target(%dma_start3A_325 : memref<80x128xf32, #tpu.memory_space<vmem_shared>>) target_semaphore(%arg19 : memref<!tpu.dma_semaphore, #tpu.memory_space<semaphore_mem>>)
    %add3A_330 = arith.constant 320 : i32
    %add3A_331 = arith.addi %mul3A_2, %add3A_330 : i32
    %dma_start3A_332 = arith.constant 0 : i32
    %dma_start3A_333 = arith.constant 0 : i32
    %dma_start3A_334 = arith.constant 0 : i32
    %dma_start3A_335 = tpu.memref_slice %arg8[%dma_start3A_332, %dma_start3A_333, %dma_start3A_334] : memref<3x80x128xf32, #tpu.memory_space<vmem>> -> memref<1x80x128xf32, #tpu.memory_space<vmem>>
    %dma_start3A_336 = tpu.memref_squeeze %dma_start3A_335 : memref<1x80x128xf32, #tpu.memory_space<vmem>> -> memref<80x128xf32, #tpu.memory_space<vmem>>
    %dma_start3A_337 = arith.constant 0 : i32
    %dma_start3A_338 = tpu.memref_slice %arg11[%add3A_331, %dma_start3A_337] : memref<10240x128xf32, #tpu.memory_space<vmem_shared>> -> memref<80x128xf32, #tpu.memory_space<vmem_shared>>
    %dma_start3A_339 = arith.constant 0 : i32
    %dma_start3A_340 = tpu.memref_slice %arg11[%add3A_331, %dma_start3A_339] : memref<10240x128xf32, #tpu.memory_space<vmem_shared>> -> memref<80x128xf32, #tpu.memory_space<vmem_shared>>
    %dma_start3A_341 = arith.constant 0 : i32
    %dma_start3A_342 = arith.constant 0 : i32
    %dma_start3A_343 = tpu.memref_slice %arg8[%dma_start3A_332, %dma_start3A_341, %dma_start3A_342] : memref<3x80x128xf32, #tpu.memory_space<vmem>> -> memref<1x80x128xf32, #tpu.memory_space<vmem>>
    %dma_start3A_344 = tpu.memref_squeeze %dma_start3A_343 : memref<1x80x128xf32, #tpu.memory_space<vmem>> -> memref<80x128xf32, #tpu.memory_space<vmem>>
    tpu.enqueue_dma source(%dma_start3A_344 : memref<80x128xf32, #tpu.memory_space<vmem>>) target(%dma_start3A_340 : memref<80x128xf32, #tpu.memory_space<vmem_shared>>) target_semaphore(%arg19 : memref<!tpu.dma_semaphore, #tpu.memory_space<semaphore_mem>>)
    %add3A_345 = arith.constant 400 : i32
    %add3A_346 = arith.addi %mul3A_2, %add3A_345 : i32
    %dma_start3A_347 = arith.constant 0 : i32
    %dma_start3A_348 = arith.constant 0 : i32
    %dma_start3A_349 = arith.constant 0 : i32
    %dma_start3A_350 = tpu.memref_slice %arg8[%dma_start3A_347, %dma_start3A_348, %dma_start3A_349] : memref<3x80x128xf32, #tpu.memory_space<vmem>> -> memref<1x80x128xf32, #tpu.memory_space<vmem>>
    %dma_start3A_351 = tpu.memref_squeeze %dma_start3A_350 : memref<1x80x128xf32, #tpu.memory_space<vmem>> -> memref<80x128xf32, #tpu.memory_space<vmem>>
    %dma_start3A_352 = arith.constant 0 : i32
    %dma_start3A_353 = tpu.memref_slice %arg11[%add3A_346, %dma_start3A_352] : memref<10240x128xf32, #tpu.memory_space<vmem_shared>> -> memref<80x128xf32, #tpu.memory_space<vmem_shared>>
    %dma_start3A_354 = arith.constant 0 : i32
    %dma_start3A_355 = tpu.memref_slice %arg11[%add3A_346, %dma_start3A_354] : memref<10240x128xf32, #tpu.memory_space<vmem_shared>> -> memref<80x128xf32, #tpu.memory_space<vmem_shared>>
    %dma_start3A_356 = arith.constant 0 : i32
    %dma_start3A_357 = arith.constant 0 : i32
    %dma_start3A_358 = tpu.memref_slice %arg8[%dma_start3A_347, %dma_start3A_356, %dma_start3A_357] : memref<3x80x128xf32, #tpu.memory_space<vmem>> -> memref<1x80x128xf32, #tpu.memory_space<vmem>>
    %dma_start3A_359 = tpu.memref_squeeze %dma_start3A_358 : memref<1x80x128xf32, #tpu.memory_space<vmem>> -> memref<80x128xf32, #tpu.memory_space<vmem>>
    tpu.enqueue_dma source(%dma_start3A_359 : memref<80x128xf32, #tpu.memory_space<vmem>>) target(%dma_start3A_355 : memref<80x128xf32, #tpu.memory_space<vmem_shared>>) target_semaphore(%arg19 : memref<!tpu.dma_semaphore, #tpu.memory_space<semaphore_mem>>)
    %add3A_360 = arith.constant 480 : i32
    %add3A_361 = arith.addi %mul3A_2, %add3A_360 : i32
    %dma_start3A_362 = arith.constant 0 : i32
    %dma_start3A_363 = arith.constant 0 : i32
    %dma_start3A_364 = arith.constant 0 : i32
    %dma_start3A_365 = tpu.memref_slice %arg8[%dma_start3A_362, %dma_start3A_363, %dma_start3A_364] : memref<3x80x128xf32, #tpu.memory_space<vmem>> -> memref<1x80x128xf32, #tpu.memory_space<vmem>>
    %dma_start3A_366 = tpu.memref_squeeze %dma_start3A_365 : memref<1x80x128xf32, #tpu.memory_space<vmem>> -> memref<80x128xf32, #tpu.memory_space<vmem>>
    %dma_start3A_367 = arith.constant 0 : i32
    %dma_start3A_368 = tpu.memref_slice %arg11[%add3A_361, %dma_start3A_367] : memref<10240x128xf32, #tpu.memory_space<vmem_shared>> -> memref<80x128xf32, #tpu.memory_space<vmem_shared>>
    %dma_start3A_369 = arith.constant 0 : i32
    %dma_start3A_370 = tpu.memref_slice %arg11[%add3A_361, %dma_start3A_369] : memref<10240x128xf32, #tpu.memory_space<vmem_shared>> -> memref<80x128xf32, #tpu.memory_space<vmem_shared>>
    %dma_start3A_371 = arith.constant 0 : i32
    %dma_start3A_372 = arith.constant 0 : i32
    %dma_start3A_373 = tpu.memref_slice %arg8[%dma_start3A_362, %dma_start3A_371, %dma_start3A_372] : memref<3x80x128xf32, #tpu.memory_space<vmem>> -> memref<1x80x128xf32, #tpu.memory_space<vmem>>
    %dma_start3A_374 = tpu.memref_squeeze %dma_start3A_373 : memref<1x80x128xf32, #tpu.memory_space<vmem>> -> memref<80x128xf32, #tpu.memory_space<vmem>>
    tpu.enqueue_dma source(%dma_start3A_374 : memref<80x128xf32, #tpu.memory_space<vmem>>) target(%dma_start3A_370 : memref<80x128xf32, #tpu.memory_space<vmem_shared>>) target_semaphore(%arg19 : memref<!tpu.dma_semaphore, #tpu.memory_space<semaphore_mem>>)
    %add3A_375 = arith.constant 560 : i32
    %add3A_376 = arith.addi %mul3A_2, %add3A_375 : i32
    %dma_start3A_377 = arith.constant 0 : i32
    %dma_start3A_378 = arith.constant 0 : i32
    %dma_start3A_379 = arith.constant 0 : i32
    %dma_start3A_380 = tpu.memref_slice %arg8[%dma_start3A_377, %dma_start3A_378, %dma_start3A_379] : memref<3x80x128xf32, #tpu.memory_space<vmem>> -> memref<1x80x128xf32, #tpu.memory_space<vmem>>
    %dma_start3A_381 = tpu.memref_squeeze %dma_start3A_380 : memref<1x80x128xf32, #tpu.memory_space<vmem>> -> memref<80x128xf32, #tpu.memory_space<vmem>>
    %dma_start3A_382 = arith.constant 0 : i32
    %dma_start3A_383 = tpu.memref_slice %arg11[%add3A_376, %dma_start3A_382] : memref<10240x128xf32, #tpu.memory_space<vmem_shared>> -> memref<80x128xf32, #tpu.memory_space<vmem_shared>>
    %dma_start3A_384 = arith.constant 0 : i32
    %dma_start3A_385 = tpu.memref_slice %arg11[%add3A_376, %dma_start3A_384] : memref<10240x128xf32, #tpu.memory_space<vmem_shared>> -> memref<80x128xf32, #tpu.memory_space<vmem_shared>>
    %dma_start3A_386 = arith.constant 0 : i32
    %dma_start3A_387 = arith.constant 0 : i32
    %dma_start3A_388 = tpu.memref_slice %arg8[%dma_start3A_377, %dma_start3A_386, %dma_start3A_387] : memref<3x80x128xf32, #tpu.memory_space<vmem>> -> memref<1x80x128xf32, #tpu.memory_space<vmem>>
    %dma_start3A_389 = tpu.memref_squeeze %dma_start3A_388 : memref<1x80x128xf32, #tpu.memory_space<vmem>> -> memref<80x128xf32, #tpu.memory_space<vmem>>
    tpu.enqueue_dma source(%dma_start3A_389 : memref<80x128xf32, #tpu.memory_space<vmem>>) target(%dma_start3A_385 : memref<80x128xf32, #tpu.memory_space<vmem_shared>>) target_semaphore(%arg19 : memref<!tpu.dma_semaphore, #tpu.memory_space<semaphore_mem>>)
    %dma_start3A_390 = tpu.memref_slice %arg12[%mul3A_2] : memref<10240xf32, #tpu.memory_space<vmem_shared>> -> memref<640xf32, #tpu.memory_space<vmem_shared>>
    %dma_start3A_391 = tpu.memref_slice %arg12[%mul3A_2] : memref<10240xf32, #tpu.memory_space<vmem_shared>> -> memref<640xf32, #tpu.memory_space<vmem_shared>>
    tpu.enqueue_dma source(%arg10 : memref<640xf32, #tpu.memory_space<vmem>>) target(%dma_start3A_391 : memref<640xf32, #tpu.memory_space<vmem_shared>>) target_semaphore(%arg19 : memref<!tpu.dma_semaphore, #tpu.memory_space<semaphore_mem>>)
    %dma_wait3A = arith.constant 0 : i32
    %dma_wait3A_392 = arith.constant 0 : i32
    %dma_wait3A_393 = arith.constant 0 : i32
    %dma_wait3A_394 = tpu.memref_slice %arg8[%dma_wait3A, %dma_wait3A_392, %dma_wait3A_393] : memref<3x80x128xf32, #tpu.memory_space<vmem>> -> memref<1x80x128xf32, #tpu.memory_space<vmem>>
    %dma_wait3A_395 = tpu.memref_squeeze %dma_wait3A_394 : memref<1x80x128xf32, #tpu.memory_space<vmem>> -> memref<80x128xf32, #tpu.memory_space<vmem>>
    %dma_wait3A_396 = arith.constant 0 : i32
    %dma_wait3A_397 = tpu.memref_slice %arg11[%mul3A_2, %dma_wait3A_396] : memref<10240x128xf32, #tpu.memory_space<vmem_shared>> -> memref<80x128xf32, #tpu.memory_space<vmem_shared>>
    %dma_wait3A_398 = arith.constant 0 : i32
    %dma_wait3A_399 = tpu.memref_slice %arg11[%mul3A_2, %dma_wait3A_398] : memref<10240x128xf32, #tpu.memory_space<vmem_shared>> -> memref<80x128xf32, #tpu.memory_space<vmem_shared>>
    %dma_wait3A_400 = arith.constant 0 : i32
    %dma_wait3A_401 = arith.constant 0 : i32
    %dma_wait3A_402 = tpu.memref_slice %arg8[%dma_wait3A, %dma_wait3A_400, %dma_wait3A_401] : memref<3x80x128xf32, #tpu.memory_space<vmem>> -> memref<1x80x128xf32, #tpu.memory_space<vmem>>
    %dma_wait3A_403 = tpu.memref_squeeze %dma_wait3A_402 : memref<1x80x128xf32, #tpu.memory_space<vmem>> -> memref<80x128xf32, #tpu.memory_space<vmem>>
    tpu.wait_dma2 semaphore(%arg19 : memref<!tpu.dma_semaphore, #tpu.memory_space<semaphore_mem>>) src(%dma_wait3A_403 : memref<80x128xf32, #tpu.memory_space<vmem>>) dst(%dma_wait3A_399 : memref<80x128xf32, #tpu.memory_space<vmem_shared>>)
    %dma_wait3A_404 = arith.constant 0 : i32
    %dma_wait3A_405 = arith.constant 0 : i32
    %dma_wait3A_406 = arith.constant 0 : i32
    %dma_wait3A_407 = tpu.memref_slice %arg8[%dma_wait3A_404, %dma_wait3A_405, %dma_wait3A_406] : memref<3x80x128xf32, #tpu.memory_space<vmem>> -> memref<1x80x128xf32, #tpu.memory_space<vmem>>
    %dma_wait3A_408 = tpu.memref_squeeze %dma_wait3A_407 : memref<1x80x128xf32, #tpu.memory_space<vmem>> -> memref<80x128xf32, #tpu.memory_space<vmem>>
    %dma_wait3A_409 = arith.constant 0 : i32
    %dma_wait3A_410 = tpu.memref_slice %arg11[%mul3A_2, %dma_wait3A_409] : memref<10240x128xf32, #tpu.memory_space<vmem_shared>> -> memref<80x128xf32, #tpu.memory_space<vmem_shared>>
    %dma_wait3A_411 = arith.constant 0 : i32
    %dma_wait3A_412 = tpu.memref_slice %arg11[%mul3A_2, %dma_wait3A_411] : memref<10240x128xf32, #tpu.memory_space<vmem_shared>> -> memref<80x128xf32, #tpu.memory_space<vmem_shared>>
    %dma_wait3A_413 = arith.constant 0 : i32
    %dma_wait3A_414 = arith.constant 0 : i32
    %dma_wait3A_415 = tpu.memref_slice %arg8[%dma_wait3A_404, %dma_wait3A_413, %dma_wait3A_414] : memref<3x80x128xf32, #tpu.memory_space<vmem>> -> memref<1x80x128xf32, #tpu.memory_space<vmem>>
    %dma_wait3A_416 = tpu.memref_squeeze %dma_wait3A_415 : memref<1x80x128xf32, #tpu.memory_space<vmem>> -> memref<80x128xf32, #tpu.memory_space<vmem>>
    tpu.wait_dma2 semaphore(%arg19 : memref<!tpu.dma_semaphore, #tpu.memory_space<semaphore_mem>>) src(%dma_wait3A_416 : memref<80x128xf32, #tpu.memory_space<vmem>>) dst(%dma_wait3A_412 : memref<80x128xf32, #tpu.memory_space<vmem_shared>>)
    %dma_wait3A_417 = arith.constant 0 : i32
    %dma_wait3A_418 = arith.constant 0 : i32
    %dma_wait3A_419 = arith.constant 0 : i32
    %dma_wait3A_420 = tpu.memref_slice %arg8[%dma_wait3A_417, %dma_wait3A_418, %dma_wait3A_419] : memref<3x80x128xf32, #tpu.memory_space<vmem>> -> memref<1x80x128xf32, #tpu.memory_space<vmem>>
    %dma_wait3A_421 = tpu.memref_squeeze %dma_wait3A_420 : memref<1x80x128xf32, #tpu.memory_space<vmem>> -> memref<80x128xf32, #tpu.memory_space<vmem>>
    %dma_wait3A_422 = arith.constant 0 : i32
    %dma_wait3A_423 = tpu.memref_slice %arg11[%mul3A_2, %dma_wait3A_422] : memref<10240x128xf32, #tpu.memory_space<vmem_shared>> -> memref<80x128xf32, #tpu.memory_space<vmem_shared>>
    %dma_wait3A_424 = arith.constant 0 : i32
    %dma_wait3A_425 = tpu.memref_slice %arg11[%mul3A_2, %dma_wait3A_424] : memref<10240x128xf32, #tpu.memory_space<vmem_shared>> -> memref<80x128xf32, #tpu.memory_space<vmem_shared>>
    %dma_wait3A_426 = arith.constant 0 : i32
    %dma_wait3A_427 = arith.constant 0 : i32
    %dma_wait3A_428 = tpu.memref_slice %arg8[%dma_wait3A_417, %dma_wait3A_426, %dma_wait3A_427] : memref<3x80x128xf32, #tpu.memory_space<vmem>> -> memref<1x80x128xf32, #tpu.memory_space<vmem>>
    %dma_wait3A_429 = tpu.memref_squeeze %dma_wait3A_428 : memref<1x80x128xf32, #tpu.memory_space<vmem>> -> memref<80x128xf32, #tpu.memory_space<vmem>>
    tpu.wait_dma2 semaphore(%arg19 : memref<!tpu.dma_semaphore, #tpu.memory_space<semaphore_mem>>) src(%dma_wait3A_429 : memref<80x128xf32, #tpu.memory_space<vmem>>) dst(%dma_wait3A_425 : memref<80x128xf32, #tpu.memory_space<vmem_shared>>)
    %dma_wait3A_430 = arith.constant 0 : i32
    %dma_wait3A_431 = arith.constant 0 : i32
    %dma_wait3A_432 = arith.constant 0 : i32
    %dma_wait3A_433 = tpu.memref_slice %arg8[%dma_wait3A_430, %dma_wait3A_431, %dma_wait3A_432] : memref<3x80x128xf32, #tpu.memory_space<vmem>> -> memref<1x80x128xf32, #tpu.memory_space<vmem>>
    %dma_wait3A_434 = tpu.memref_squeeze %dma_wait3A_433 : memref<1x80x128xf32, #tpu.memory_space<vmem>> -> memref<80x128xf32, #tpu.memory_space<vmem>>
    %dma_wait3A_435 = arith.constant 0 : i32
    %dma_wait3A_436 = tpu.memref_slice %arg11[%mul3A_2, %dma_wait3A_435] : memref<10240x128xf32, #tpu.memory_space<vmem_shared>> -> memref<80x128xf32, #tpu.memory_space<vmem_shared>>
    %dma_wait3A_437 = arith.constant 0 : i32
    %dma_wait3A_438 = tpu.memref_slice %arg11[%mul3A_2, %dma_wait3A_437] : memref<10240x128xf32, #tpu.memory_space<vmem_shared>> -> memref<80x128xf32, #tpu.memory_space<vmem_shared>>
    %dma_wait3A_439 = arith.constant 0 : i32
    %dma_wait3A_440 = arith.constant 0 : i32
    %dma_wait3A_441 = tpu.memref_slice %arg8[%dma_wait3A_430, %dma_wait3A_439, %dma_wait3A_440] : memref<3x80x128xf32, #tpu.memory_space<vmem>> -> memref<1x80x128xf32, #tpu.memory_space<vmem>>
    %dma_wait3A_442 = tpu.memref_squeeze %dma_wait3A_441 : memref<1x80x128xf32, #tpu.memory_space<vmem>> -> memref<80x128xf32, #tpu.memory_space<vmem>>
    tpu.wait_dma2 semaphore(%arg19 : memref<!tpu.dma_semaphore, #tpu.memory_space<semaphore_mem>>) src(%dma_wait3A_442 : memref<80x128xf32, #tpu.memory_space<vmem>>) dst(%dma_wait3A_438 : memref<80x128xf32, #tpu.memory_space<vmem_shared>>)
    %dma_wait3A_443 = arith.constant 0 : i32
    %dma_wait3A_444 = arith.constant 0 : i32
    %dma_wait3A_445 = arith.constant 0 : i32
    %dma_wait3A_446 = tpu.memref_slice %arg8[%dma_wait3A_443, %dma_wait3A_444, %dma_wait3A_445] : memref<3x80x128xf32, #tpu.memory_space<vmem>> -> memref<1x80x128xf32, #tpu.memory_space<vmem>>
    %dma_wait3A_447 = tpu.memref_squeeze %dma_wait3A_446 : memref<1x80x128xf32, #tpu.memory_space<vmem>> -> memref<80x128xf32, #tpu.memory_space<vmem>>
    %dma_wait3A_448 = arith.constant 0 : i32
    %dma_wait3A_449 = tpu.memref_slice %arg11[%mul3A_2, %dma_wait3A_448] : memref<10240x128xf32, #tpu.memory_space<vmem_shared>> -> memref<80x128xf32, #tpu.memory_space<vmem_shared>>
    %dma_wait3A_450 = arith.constant 0 : i32
    %dma_wait3A_451 = tpu.memref_slice %arg11[%mul3A_2, %dma_wait3A_450] : memref<10240x128xf32, #tpu.memory_space<vmem_shared>> -> memref<80x128xf32, #tpu.memory_space<vmem_shared>>
    %dma_wait3A_452 = arith.constant 0 : i32
    %dma_wait3A_453 = arith.constant 0 : i32
    %dma_wait3A_454 = tpu.memref_slice %arg8[%dma_wait3A_443, %dma_wait3A_452, %dma_wait3A_453] : memref<3x80x128xf32, #tpu.memory_space<vmem>> -> memref<1x80x128xf32, #tpu.memory_space<vmem>>
    %dma_wait3A_455 = tpu.memref_squeeze %dma_wait3A_454 : memref<1x80x128xf32, #tpu.memory_space<vmem>> -> memref<80x128xf32, #tpu.memory_space<vmem>>
    tpu.wait_dma2 semaphore(%arg19 : memref<!tpu.dma_semaphore, #tpu.memory_space<semaphore_mem>>) src(%dma_wait3A_455 : memref<80x128xf32, #tpu.memory_space<vmem>>) dst(%dma_wait3A_451 : memref<80x128xf32, #tpu.memory_space<vmem_shared>>)
    %dma_wait3A_456 = arith.constant 0 : i32
    %dma_wait3A_457 = arith.constant 0 : i32
    %dma_wait3A_458 = arith.constant 0 : i32
    %dma_wait3A_459 = tpu.memref_slice %arg8[%dma_wait3A_456, %dma_wait3A_457, %dma_wait3A_458] : memref<3x80x128xf32, #tpu.memory_space<vmem>> -> memref<1x80x128xf32, #tpu.memory_space<vmem>>
    %dma_wait3A_460 = tpu.memref_squeeze %dma_wait3A_459 : memref<1x80x128xf32, #tpu.memory_space<vmem>> -> memref<80x128xf32, #tpu.memory_space<vmem>>
    %dma_wait3A_461 = arith.constant 0 : i32
    %dma_wait3A_462 = tpu.memref_slice %arg11[%mul3A_2, %dma_wait3A_461] : memref<10240x128xf32, #tpu.memory_space<vmem_shared>> -> memref<80x128xf32, #tpu.memory_space<vmem_shared>>
    %dma_wait3A_463 = arith.constant 0 : i32
    %dma_wait3A_464 = tpu.memref_slice %arg11[%mul3A_2, %dma_wait3A_463] : memref<10240x128xf32, #tpu.memory_space<vmem_shared>> -> memref<80x128xf32, #tpu.memory_space<vmem_shared>>
    %dma_wait3A_465 = arith.constant 0 : i32
    %dma_wait3A_466 = arith.constant 0 : i32
    %dma_wait3A_467 = tpu.memref_slice %arg8[%dma_wait3A_456, %dma_wait3A_465, %dma_wait3A_466] : memref<3x80x128xf32, #tpu.memory_space<vmem>> -> memref<1x80x128xf32, #tpu.memory_space<vmem>>
    %dma_wait3A_468 = tpu.memref_squeeze %dma_wait3A_467 : memref<1x80x128xf32, #tpu.memory_space<vmem>> -> memref<80x128xf32, #tpu.memory_space<vmem>>
    tpu.wait_dma2 semaphore(%arg19 : memref<!tpu.dma_semaphore, #tpu.memory_space<semaphore_mem>>) src(%dma_wait3A_468 : memref<80x128xf32, #tpu.memory_space<vmem>>) dst(%dma_wait3A_464 : memref<80x128xf32, #tpu.memory_space<vmem_shared>>)
    %dma_wait3A_469 = arith.constant 0 : i32
    %dma_wait3A_470 = arith.constant 0 : i32
    %dma_wait3A_471 = arith.constant 0 : i32
    %dma_wait3A_472 = tpu.memref_slice %arg8[%dma_wait3A_469, %dma_wait3A_470, %dma_wait3A_471] : memref<3x80x128xf32, #tpu.memory_space<vmem>> -> memref<1x80x128xf32, #tpu.memory_space<vmem>>
    %dma_wait3A_473 = tpu.memref_squeeze %dma_wait3A_472 : memref<1x80x128xf32, #tpu.memory_space<vmem>> -> memref<80x128xf32, #tpu.memory_space<vmem>>
    %dma_wait3A_474 = arith.constant 0 : i32
    %dma_wait3A_475 = tpu.memref_slice %arg11[%mul3A_2, %dma_wait3A_474] : memref<10240x128xf32, #tpu.memory_space<vmem_shared>> -> memref<80x128xf32, #tpu.memory_space<vmem_shared>>
    %dma_wait3A_476 = arith.constant 0 : i32
    %dma_wait3A_477 = tpu.memref_slice %arg11[%mul3A_2, %dma_wait3A_476] : memref<10240x128xf32, #tpu.memory_space<vmem_shared>> -> memref<80x128xf32, #tpu.memory_space<vmem_shared>>
    %dma_wait3A_478 = arith.constant 0 : i32
    %dma_wait3A_479 = arith.constant 0 : i32
    %dma_wait3A_480 = tpu.memref_slice %arg8[%dma_wait3A_469, %dma_wait3A_478, %dma_wait3A_479] : memref<3x80x128xf32, #tpu.memory_space<vmem>> -> memref<1x80x128xf32, #tpu.memory_space<vmem>>
    %dma_wait3A_481 = tpu.memref_squeeze %dma_wait3A_480 : memref<1x80x128xf32, #tpu.memory_space<vmem>> -> memref<80x128xf32, #tpu.memory_space<vmem>>
    tpu.wait_dma2 semaphore(%arg19 : memref<!tpu.dma_semaphore, #tpu.memory_space<semaphore_mem>>) src(%dma_wait3A_481 : memref<80x128xf32, #tpu.memory_space<vmem>>) dst(%dma_wait3A_477 : memref<80x128xf32, #tpu.memory_space<vmem_shared>>)
    %dma_wait3A_482 = arith.constant 0 : i32
    %dma_wait3A_483 = arith.constant 0 : i32
    %dma_wait3A_484 = arith.constant 0 : i32
    %dma_wait3A_485 = tpu.memref_slice %arg8[%dma_wait3A_482, %dma_wait3A_483, %dma_wait3A_484] : memref<3x80x128xf32, #tpu.memory_space<vmem>> -> memref<1x80x128xf32, #tpu.memory_space<vmem>>
    %dma_wait3A_486 = tpu.memref_squeeze %dma_wait3A_485 : memref<1x80x128xf32, #tpu.memory_space<vmem>> -> memref<80x128xf32, #tpu.memory_space<vmem>>
    %dma_wait3A_487 = arith.constant 0 : i32
    %dma_wait3A_488 = tpu.memref_slice %arg11[%mul3A_2, %dma_wait3A_487] : memref<10240x128xf32, #tpu.memory_space<vmem_shared>> -> memref<80x128xf32, #tpu.memory_space<vmem_shared>>
    %dma_wait3A_489 = arith.constant 0 : i32
    %dma_wait3A_490 = tpu.memref_slice %arg11[%mul3A_2, %dma_wait3A_489] : memref<10240x128xf32, #tpu.memory_space<vmem_shared>> -> memref<80x128xf32, #tpu.memory_space<vmem_shared>>
    %dma_wait3A_491 = arith.constant 0 : i32
    %dma_wait3A_492 = arith.constant 0 : i32
    %dma_wait3A_493 = tpu.memref_slice %arg8[%dma_wait3A_482, %dma_wait3A_491, %dma_wait3A_492] : memref<3x80x128xf32, #tpu.memory_space<vmem>> -> memref<1x80x128xf32, #tpu.memory_space<vmem>>
    %dma_wait3A_494 = tpu.memref_squeeze %dma_wait3A_493 : memref<1x80x128xf32, #tpu.memory_space<vmem>> -> memref<80x128xf32, #tpu.memory_space<vmem>>
    tpu.wait_dma2 semaphore(%arg19 : memref<!tpu.dma_semaphore, #tpu.memory_space<semaphore_mem>>) src(%dma_wait3A_494 : memref<80x128xf32, #tpu.memory_space<vmem>>) dst(%dma_wait3A_490 : memref<80x128xf32, #tpu.memory_space<vmem_shared>>)
    %dma_wait3A_495 = tpu.memref_slice %arg12[%mul3A_2] : memref<10240xf32, #tpu.memory_space<vmem_shared>> -> memref<640xf32, #tpu.memory_space<vmem_shared>>
    %dma_wait3A_496 = tpu.memref_slice %arg12[%mul3A_2] : memref<10240xf32, #tpu.memory_space<vmem_shared>> -> memref<640xf32, #tpu.memory_space<vmem_shared>>
    tpu.wait_dma2 semaphore(%arg19 : memref<!tpu.dma_semaphore, #tpu.memory_space<semaphore_mem>>) src(%arg10 : memref<640xf32, #tpu.memory_space<vmem>>) dst(%dma_wait3A_496 : memref<640xf32, #tpu.memory_space<vmem_shared>>)
    %mul3A_497 = arith.constant 10000 : i32
    %mul3A_498 = arith.muli %add3A, %mul3A_497 : i32
    %add3A_499 = arith.constant 0 : i32
    %add3A_500 = arith.addi %mul3A_498, %add3A_499 : i32
    %dma_start3A_501 = arith.constant 0 : i32
    %dma_start3A_502 = arith.constant 0 : i32
    %dma_start3A_503 = tpu.memref_slice %arg7[%dma_start3A_501, %dma_start3A_502] : memref<3x80xi32, #tpu.memory_space<vmem>> -> memref<1x80xi32, #tpu.memory_space<vmem>>
    %dma_start3A_504 = tpu.memref_squeeze %dma_start3A_503 : memref<1x80xi32, #tpu.memory_space<vmem>> -> memref<80xi32, #tpu.memory_space<vmem>>
    %dma_start3A_505 = tpu.memref_slice %arg3[%add3A_500] : memref<320000xi32, #tpu.memory_space<hbm>> -> memref<80xi32, #tpu.memory_space<hbm>>
    %dma_start3A_506 = arith.constant 0 : i32
    %dma_start3A_507 = tpu.memref_slice %arg7[%dma_start3A_501, %dma_start3A_506] : memref<3x80xi32, #tpu.memory_space<vmem>> -> memref<1x80xi32, #tpu.memory_space<vmem>>
    %dma_start3A_508 = tpu.memref_squeeze %dma_start3A_507 : memref<1x80xi32, #tpu.memory_space<vmem>> -> memref<80xi32, #tpu.memory_space<vmem>>
    %dma_start3A_509 = tpu.memref_slice %arg3[%add3A_500] : memref<320000xi32, #tpu.memory_space<hbm>> -> memref<80xi32, #tpu.memory_space<hbm>>
    tpu.enqueue_dma source(%dma_start3A_509 : memref<80xi32, #tpu.memory_space<hbm>>) target(%dma_start3A_508 : memref<80xi32, #tpu.memory_space<vmem>>) target_semaphore(%arg13 : memref<!tpu.dma_semaphore, #tpu.memory_space<semaphore_mem>>)
    %dma_start3A_510 = arith.constant 0 : i32
    %dma_start3A_511 = arith.constant 0 : i32
    %dma_start3A_512 = arith.constant 0 : i32
    %dma_start3A_513 = tpu.memref_slice %arg8[%dma_start3A_510, %dma_start3A_511, %dma_start3A_512] : memref<3x80x128xf32, #tpu.memory_space<vmem>> -> memref<1x80x128xf32, #tpu.memory_space<vmem>>
    %dma_start3A_514 = tpu.memref_squeeze %dma_start3A_513 : memref<1x80x128xf32, #tpu.memory_space<vmem>> -> memref<80x128xf32, #tpu.memory_space<vmem>>
    %dma_start3A_515 = arith.constant 0 : i32
    %dma_start3A_516 = tpu.memref_slice %arg2[%add3A_500, %dma_start3A_515] : memref<320000x128xf32, #tpu.memory_space<hbm>> -> memref<80x128xf32, #tpu.memory_space<hbm>>
    %dma_start3A_517 = arith.constant 0 : i32
    %dma_start3A_518 = arith.constant 0 : i32
    %dma_start3A_519 = tpu.memref_slice %arg8[%dma_start3A_510, %dma_start3A_517, %dma_start3A_518] : memref<3x80x128xf32, #tpu.memory_space<vmem>> -> memref<1x80x128xf32, #tpu.memory_space<vmem>>
    %dma_start3A_520 = tpu.memref_squeeze %dma_start3A_519 : memref<1x80x128xf32, #tpu.memory_space<vmem>> -> memref<80x128xf32, #tpu.memory_space<vmem>>
    %dma_start3A_521 = arith.constant 0 : i32
    %dma_start3A_522 = tpu.memref_slice %arg2[%add3A_500, %dma_start3A_521] : memref<320000x128xf32, #tpu.memory_space<hbm>> -> memref<80x128xf32, #tpu.memory_space<hbm>>
    tpu.enqueue_dma source(%dma_start3A_522 : memref<80x128xf32, #tpu.memory_space<hbm>>) target(%dma_start3A_520 : memref<80x128xf32, #tpu.memory_space<vmem>>) target_semaphore(%arg13 : memref<!tpu.dma_semaphore, #tpu.memory_space<semaphore_mem>>)
    %add3A_523 = arith.constant 80 : i32
    %add3A_524 = arith.addi %mul3A_498, %add3A_523 : i32
    %dma_start3A_525 = arith.constant 1 : i32
    %dma_start3A_526 = arith.constant 0 : i32
    %dma_start3A_527 = tpu.memref_slice %arg7[%dma_start3A_525, %dma_start3A_526] : memref<3x80xi32, #tpu.memory_space<vmem>> -> memref<1x80xi32, #tpu.memory_space<vmem>>
    %dma_start3A_528 = tpu.memref_squeeze %dma_start3A_527 : memref<1x80xi32, #tpu.memory_space<vmem>> -> memref<80xi32, #tpu.memory_space<vmem>>
    %dma_start3A_529 = tpu.memref_slice %arg3[%add3A_524] : memref<320000xi32, #tpu.memory_space<hbm>> -> memref<80xi32, #tpu.memory_space<hbm>>
    %dma_start3A_530 = arith.constant 0 : i32
    %dma_start3A_531 = tpu.memref_slice %arg7[%dma_start3A_525, %dma_start3A_530] : memref<3x80xi32, #tpu.memory_space<vmem>> -> memref<1x80xi32, #tpu.memory_space<vmem>>
    %dma_start3A_532 = tpu.memref_squeeze %dma_start3A_531 : memref<1x80xi32, #tpu.memory_space<vmem>> -> memref<80xi32, #tpu.memory_space<vmem>>
    %dma_start3A_533 = tpu.memref_slice %arg3[%add3A_524] : memref<320000xi32, #tpu.memory_space<hbm>> -> memref<80xi32, #tpu.memory_space<hbm>>
    tpu.enqueue_dma source(%dma_start3A_533 : memref<80xi32, #tpu.memory_space<hbm>>) target(%dma_start3A_532 : memref<80xi32, #tpu.memory_space<vmem>>) target_semaphore(%arg14 : memref<!tpu.dma_semaphore, #tpu.memory_space<semaphore_mem>>)
    %dma_start3A_534 = arith.constant 1 : i32
    %dma_start3A_535 = arith.constant 0 : i32
    %dma_start3A_536 = arith.constant 0 : i32
    %dma_start3A_537 = tpu.memref_slice %arg8[%dma_start3A_534, %dma_start3A_535, %dma_start3A_536] : memref<3x80x128xf32, #tpu.memory_space<vmem>> -> memref<1x80x128xf32, #tpu.memory_space<vmem>>
    %dma_start3A_538 = tpu.memref_squeeze %dma_start3A_537 : memref<1x80x128xf32, #tpu.memory_space<vmem>> -> memref<80x128xf32, #tpu.memory_space<vmem>>
    %dma_start3A_539 = arith.constant 0 : i32
    %dma_start3A_540 = tpu.memref_slice %arg2[%add3A_524, %dma_start3A_539] : memref<320000x128xf32, #tpu.memory_space<hbm>> -> memref<80x128xf32, #tpu.memory_space<hbm>>
    %dma_start3A_541 = arith.constant 0 : i32
    %dma_start3A_542 = arith.constant 0 : i32
    %dma_start3A_543 = tpu.memref_slice %arg8[%dma_start3A_534, %dma_start3A_541, %dma_start3A_542] : memref<3x80x128xf32, #tpu.memory_space<vmem>> -> memref<1x80x128xf32, #tpu.memory_space<vmem>>
    %dma_start3A_544 = tpu.memref_squeeze %dma_start3A_543 : memref<1x80x128xf32, #tpu.memory_space<vmem>> -> memref<80x128xf32, #tpu.memory_space<vmem>>
    %dma_start3A_545 = arith.constant 0 : i32
    %dma_start3A_546 = tpu.memref_slice %arg2[%add3A_524, %dma_start3A_545] : memref<320000x128xf32, #tpu.memory_space<hbm>> -> memref<80x128xf32, #tpu.memory_space<hbm>>
    tpu.enqueue_dma source(%dma_start3A_546 : memref<80x128xf32, #tpu.memory_space<hbm>>) target(%dma_start3A_544 : memref<80x128xf32, #tpu.memory_space<vmem>>) target_semaphore(%arg14 : memref<!tpu.dma_semaphore, #tpu.memory_space<semaphore_mem>>)
    %barrier3A = arith.constant 0 : index
    tpu.barrier barrier_id(%barrier3A)
    %scan3A = arith.constant 0 : i32
    %scan3A_547 = arith.constant 43 : i32
    %scan3A_548 = arith.addi %scan3A, %scan3A_547 : i32
    %scan3A_549 = arith.constant 1 : i32
    scf.for %scan3A_803 = %scan3A to %scan3A_548 step %scan3A_549  : i32 {
      %mul3A_804 = arith.constant 3 : i32
      %mul3A_805 = arith.muli %scan3A_803, %mul3A_804 : i32
      %add3A_806 = arith.constant 0 : i32
      %add3A_807 = arith.addi %add3A_806, %mul3A_805 : i32
      %add3A_808 = arith.constant 0 : i32
      %add3A_809 = arith.addi %add3A_807, %add3A_808 : i32
      %lt3A = arith.constant 125 : i32
      %lt3A_810 = arith.cmpi slt, %add3A_809, %lt3A : i32
      %convert_element_type3A = arith.extui %lt3A_810 : i1 to i32
      %cond3A = arith.constant 0 : i32
      %cond3A_811 = arith.cmpi ne, %convert_element_type3A, %cond3A : i32
      scf.if %cond3A_811 {
        %dma_wait3A_874 = arith.constant 0 : i32
        %dma_wait3A_875 = arith.constant 0 : i32
        %dma_wait3A_876 = tpu.memref_slice %arg7[%dma_wait3A_874, %dma_wait3A_875] : memref<3x80xi32, #tpu.memory_space<vmem>> -> memref<1x80xi32, #tpu.memory_space<vmem>>
        %dma_wait3A_877 = tpu.memref_squeeze %dma_wait3A_876 : memref<1x80xi32, #tpu.memory_space<vmem>> -> memref<80xi32, #tpu.memory_space<vmem>>
        %dma_wait3A_878 = arith.constant 0 : i32
        %dma_wait3A_879 = tpu.memref_slice %arg3[%dma_wait3A_878] : memref<320000xi32, #tpu.memory_space<hbm>> -> memref<80xi32, #tpu.memory_space<hbm>>
        %dma_wait3A_880 = arith.constant 0 : i32
        %dma_wait3A_881 = tpu.memref_slice %arg7[%dma_wait3A_874, %dma_wait3A_880] : memref<3x80xi32, #tpu.memory_space<vmem>> -> memref<1x80xi32, #tpu.memory_space<vmem>>
        %dma_wait3A_882 = tpu.memref_squeeze %dma_wait3A_881 : memref<1x80xi32, #tpu.memory_space<vmem>> -> memref<80xi32, #tpu.memory_space<vmem>>
        %dma_wait3A_883 = arith.constant 0 : i32
        %dma_wait3A_884 = tpu.memref_slice %arg3[%dma_wait3A_883] : memref<320000xi32, #tpu.memory_space<hbm>> -> memref<80xi32, #tpu.memory_space<hbm>>
        tpu.wait_dma2 semaphore(%arg13 : memref<!tpu.dma_semaphore, #tpu.memory_space<semaphore_mem>>) src(%dma_wait3A_884 : memref<80xi32, #tpu.memory_space<hbm>>) dst(%dma_wait3A_882 : memref<80xi32, #tpu.memory_space<vmem>>)
        %dma_wait3A_885 = arith.constant 0 : i32
        %dma_wait3A_886 = arith.constant 0 : i32
        %dma_wait3A_887 = arith.constant 0 : i32
        %dma_wait3A_888 = tpu.memref_slice %arg8[%dma_wait3A_885, %dma_wait3A_886, %dma_wait3A_887] : memref<3x80x128xf32, #tpu.memory_space<vmem>> -> memref<1x80x128xf32, #tpu.memory_space<vmem>>
        %dma_wait3A_889 = tpu.memref_squeeze %dma_wait3A_888 : memref<1x80x128xf32, #tpu.memory_space<vmem>> -> memref<80x128xf32, #tpu.memory_space<vmem>>
        %dma_wait3A_890 = arith.constant 0 : i32
        %dma_wait3A_891 = arith.constant 0 : i32
        %dma_wait3A_892 = tpu.memref_slice %arg2[%dma_wait3A_890, %dma_wait3A_891] : memref<320000x128xf32, #tpu.memory_space<hbm>> -> memref<80x128xf32, #tpu.memory_space<hbm>>
        %dma_wait3A_893 = arith.constant 0 : i32
        %dma_wait3A_894 = arith.constant 0 : i32
        %dma_wait3A_895 = tpu.memref_slice %arg8[%dma_wait3A_885, %dma_wait3A_893, %dma_wait3A_894] : memref<3x80x128xf32, #tpu.memory_space<vmem>> -> memref<1x80x128xf32, #tpu.memory_space<vmem>>
        %dma_wait3A_896 = tpu.memref_squeeze %dma_wait3A_895 : memref<1x80x128xf32, #tpu.memory_space<vmem>> -> memref<80x128xf32, #tpu.memory_space<vmem>>
        %dma_wait3A_897 = arith.constant 0 : i32
        %dma_wait3A_898 = arith.constant 0 : i32
        %dma_wait3A_899 = tpu.memref_slice %arg2[%dma_wait3A_897, %dma_wait3A_898] : memref<320000x128xf32, #tpu.memory_space<hbm>> -> memref<80x128xf32, #tpu.memory_space<hbm>>
        tpu.wait_dma2 semaphore(%arg13 : memref<!tpu.dma_semaphore, #tpu.memory_space<semaphore_mem>>) src(%dma_wait3A_899 : memref<80x128xf32, #tpu.memory_space<hbm>>) dst(%dma_wait3A_896 : memref<80x128xf32, #tpu.memory_space<vmem>>)
        %dma_start3A_900 = arith.constant 0 : i32
        %dma_start3A_901 = arith.constant 0 : i32
        %dma_start3A_902 = arith.constant 0 : i32
        %dma_start3A_903 = arith.constant 0 : i32
        %dma_start3A_904 = tpu.memref_slice %arg8[%dma_start3A_900, %dma_start3A_902, %dma_start3A_903] : memref<3x80x128xf32, #tpu.memory_space<vmem>> -> memref<1x80x128xf32, #tpu.memory_space<vmem>>
        %dma_start3A_905 = tpu.memref_squeeze %dma_start3A_904 : memref<1x80x128xf32, #tpu.memory_space<vmem>> -> memref<80x128xf32, #tpu.memory_space<vmem>>
        %dma_start3A_906 = arith.constant 0 : i32
        %dma_start3A_907 = tpu.memref_slice %arg7[%dma_start3A_901, %dma_start3A_906] : memref<3x80xi32, #tpu.memory_space<vmem>> -> memref<1x80xi32, #tpu.memory_space<vmem>>
        %dma_start3A_908 = tpu.memref_squeeze %dma_start3A_907 : memref<1x80xi32, #tpu.memory_space<vmem>> -> memref<80xi32, #tpu.memory_space<vmem>>
        %dma_start3A_909 = arith.constant 0 : i32
        %dma_start3A_910 = arith.constant 0 : i32
        %dma_start3A_911 = tpu.memref_slice %arg11[%dma_start3A_909, %dma_start3A_910] : memref<10240x128xf32, #tpu.memory_space<vmem_shared>> -> memref<10240x128xf32, #tpu.memory_space<vmem_shared>>
        tpu.enqueue_indirect_dma source(%dma_start3A_905 : memref<80x128xf32, #tpu.memory_space<vmem>>) target(%dma_start3A_911 : memref<10240x128xf32, #tpu.memory_space<vmem_shared>>) offsets(%dma_start3A_908 : memref<80xi32, #tpu.memory_space<vmem>>) semaphore(%arg16 : memref<!tpu.dma_semaphore, #tpu.memory_space<semaphore_mem>>) {add = true}
        %dma_start3A_912 = arith.constant 0 : i32
        %dma_start3A_913 = arith.constant 0 : i32
        %dma_start3A_914 = tpu.memref_slice %arg7[%dma_start3A_912, %dma_start3A_913] : memref<3x80xi32, #tpu.memory_space<vmem>> -> memref<1x80xi32, #tpu.memory_space<vmem>>
        %dma_start3A_915 = tpu.memref_squeeze %dma_start3A_914 : memref<1x80xi32, #tpu.memory_space<vmem>> -> memref<80xi32, #tpu.memory_space<vmem>>
        %dma_start3A_916 = arith.constant 0 : i32
        %dma_start3A_917 = tpu.memref_slice %arg12[%dma_start3A_916] : memref<10240xf32, #tpu.memory_space<vmem_shared>> -> memref<10240xf32, #tpu.memory_space<vmem_shared>>
        tpu.enqueue_indirect_dma source(%arg9 : memref<80xf32, #tpu.memory_space<vmem>>) target(%dma_start3A_917 : memref<10240xf32, #tpu.memory_space<vmem_shared>>) offsets(%dma_start3A_915 : memref<80xi32, #tpu.memory_space<vmem>>) semaphore(%arg16 : memref<!tpu.dma_semaphore, #tpu.memory_space<semaphore_mem>>) {add = true}
      } else {
      }
      %ge3A = arith.constant 1 : i32
      %ge3A_812 = arith.cmpi sge, %add3A_809, %ge3A : i32
      %sub3A = arith.constant 1 : i32
      %sub3A_813 = arith.subi %add3A_809, %sub3A : i32
      %lt3A_814 = arith.constant 125 : i32
      %lt3A_815 = arith.cmpi slt, %sub3A_813, %lt3A_814 : i32
      %and3A = arith.andi %ge3A_812, %lt3A_815 : i1
      %convert_element_type3A_816 = arith.extui %and3A : i1 to i32
      %cond3A_817 = arith.constant 0 : i32
      %cond3A_818 = arith.cmpi ne, %convert_element_type3A_816, %cond3A_817 : i32
      scf.if %cond3A_818 {
        %dma_wait3A_874 = arith.constant 2 : i32
        %dma_wait3A_875 = arith.constant 0 : i32
        %dma_wait3A_876 = arith.constant 0 : i32
        %dma_wait3A_877 = tpu.memref_slice %arg8[%dma_wait3A_874, %dma_wait3A_875, %dma_wait3A_876] : memref<3x80x128xf32, #tpu.memory_space<vmem>> -> memref<1x80x128xf32, #tpu.memory_space<vmem>>
        %dma_wait3A_878 = tpu.memref_squeeze %dma_wait3A_877 : memref<1x80x128xf32, #tpu.memory_space<vmem>> -> memref<80x128xf32, #tpu.memory_space<vmem>>
        %dma_wait3A_879 = arith.constant 0 : i32
        %dma_wait3A_880 = arith.constant 0 : i32
        %dma_wait3A_881 = tpu.memref_slice %arg11[%dma_wait3A_879, %dma_wait3A_880] : memref<10240x128xf32, #tpu.memory_space<vmem_shared>> -> memref<80x128xf32, #tpu.memory_space<vmem_shared>>
        %dma_wait3A_882 = arith.constant 0 : i32
        %dma_wait3A_883 = arith.constant 0 : i32
        %dma_wait3A_884 = tpu.memref_slice %arg11[%dma_wait3A_882, %dma_wait3A_883] : memref<10240x128xf32, #tpu.memory_space<vmem_shared>> -> memref<80x128xf32, #tpu.memory_space<vmem_shared>>
        %dma_wait3A_885 = arith.constant 0 : i32
        %dma_wait3A_886 = arith.constant 0 : i32
        %dma_wait3A_887 = tpu.memref_slice %arg8[%dma_wait3A_874, %dma_wait3A_885, %dma_wait3A_886] : memref<3x80x128xf32, #tpu.memory_space<vmem>> -> memref<1x80x128xf32, #tpu.memory_space<vmem>>
        %dma_wait3A_888 = tpu.memref_squeeze %dma_wait3A_887 : memref<1x80x128xf32, #tpu.memory_space<vmem>> -> memref<80x128xf32, #tpu.memory_space<vmem>>
        tpu.wait_dma2 semaphore(%arg18 : memref<!tpu.dma_semaphore, #tpu.memory_space<semaphore_mem>>) src(%dma_wait3A_888 : memref<80x128xf32, #tpu.memory_space<vmem>>) dst(%dma_wait3A_884 : memref<80x128xf32, #tpu.memory_space<vmem_shared>>)
        %dma_wait3A_889 = arith.constant 0 : i32
        %dma_wait3A_890 = tpu.memref_slice %arg12[%dma_wait3A_889] : memref<10240xf32, #tpu.memory_space<vmem_shared>> -> memref<80xf32, #tpu.memory_space<vmem_shared>>
        %dma_wait3A_891 = arith.constant 0 : i32
        %dma_wait3A_892 = tpu.memref_slice %arg12[%dma_wait3A_891] : memref<10240xf32, #tpu.memory_space<vmem_shared>> -> memref<80xf32, #tpu.memory_space<vmem_shared>>
        tpu.wait_dma2 semaphore(%arg18 : memref<!tpu.dma_semaphore, #tpu.memory_space<semaphore_mem>>) src(%arg9 : memref<80xf32, #tpu.memory_space<vmem>>) dst(%dma_wait3A_892 : memref<80xf32, #tpu.memory_space<vmem_shared>>)
      } else {
      }
      %add3A_819 = arith.constant 2 : i32
      %add3A_820 = arith.addi %add3A_809, %add3A_819 : i32
      %lt3A_821 = arith.constant 125 : i32
      %lt3A_822 = arith.cmpi slt, %add3A_820, %lt3A_821 : i32
      %convert_element_type3A_823 = arith.extui %lt3A_822 : i1 to i32
      %cond3A_824 = arith.constant 0 : i32
      %cond3A_825 = arith.cmpi ne, %convert_element_type3A_823, %cond3A_824 : i32
      scf.if %cond3A_825 {
        %add3A_874 = arith.constant 2 : i32
        %add3A_875 = arith.addi %add3A_809, %add3A_874 : i32
        %mul3A_876 = arith.constant 80 : i32
        %mul3A_877 = arith.muli %add3A_875, %mul3A_876 : i32
        %add3A_878 = arith.addi %mul3A_498, %mul3A_877 : i32
        %dma_start3A_879 = arith.constant 2 : i32
        %dma_start3A_880 = arith.constant 0 : i32
        %dma_start3A_881 = tpu.memref_slice %arg7[%dma_start3A_879, %dma_start3A_880] : memref<3x80xi32, #tpu.memory_space<vmem>> -> memref<1x80xi32, #tpu.memory_space<vmem>>
        %dma_start3A_882 = tpu.memref_squeeze %dma_start3A_881 : memref<1x80xi32, #tpu.memory_space<vmem>> -> memref<80xi32, #tpu.memory_space<vmem>>
        %dma_start3A_883 = tpu.memref_slice %arg3[%add3A_878] : memref<320000xi32, #tpu.memory_space<hbm>> -> memref<80xi32, #tpu.memory_space<hbm>>
        %dma_start3A_884 = arith.constant 0 : i32
        %dma_start3A_885 = tpu.memref_slice %arg7[%dma_start3A_879, %dma_start3A_884] : memref<3x80xi32, #tpu.memory_space<vmem>> -> memref<1x80xi32, #tpu.memory_space<vmem>>
        %dma_start3A_886 = tpu.memref_squeeze %dma_start3A_885 : memref<1x80xi32, #tpu.memory_space<vmem>> -> memref<80xi32, #tpu.memory_space<vmem>>
        %dma_start3A_887 = tpu.memref_slice %arg3[%add3A_878] : memref<320000xi32, #tpu.memory_space<hbm>> -> memref<80xi32, #tpu.memory_space<hbm>>
        tpu.enqueue_dma source(%dma_start3A_887 : memref<80xi32, #tpu.memory_space<hbm>>) target(%dma_start3A_886 : memref<80xi32, #tpu.memory_space<vmem>>) target_semaphore(%arg15 : memref<!tpu.dma_semaphore, #tpu.memory_space<semaphore_mem>>)
        %dma_start3A_888 = arith.constant 2 : i32
        %dma_start3A_889 = arith.constant 0 : i32
        %dma_start3A_890 = arith.constant 0 : i32
        %dma_start3A_891 = tpu.memref_slice %arg8[%dma_start3A_888, %dma_start3A_889, %dma_start3A_890] : memref<3x80x128xf32, #tpu.memory_space<vmem>> -> memref<1x80x128xf32, #tpu.memory_space<vmem>>
        %dma_start3A_892 = tpu.memref_squeeze %dma_start3A_891 : memref<1x80x128xf32, #tpu.memory_space<vmem>> -> memref<80x128xf32, #tpu.memory_space<vmem>>
        %dma_start3A_893 = arith.constant 0 : i32
        %dma_start3A_894 = tpu.memref_slice %arg2[%add3A_878, %dma_start3A_893] : memref<320000x128xf32, #tpu.memory_space<hbm>> -> memref<80x128xf32, #tpu.memory_space<hbm>>
        %dma_start3A_895 = arith.constant 0 : i32
        %dma_start3A_896 = arith.constant 0 : i32
        %dma_start3A_897 = tpu.memref_slice %arg8[%dma_start3A_888, %dma_start3A_895, %dma_start3A_896] : memref<3x80x128xf32, #tpu.memory_space<vmem>> -> memref<1x80x128xf32, #tpu.memory_space<vmem>>
        %dma_start3A_898 = tpu.memref_squeeze %dma_start3A_897 : memref<1x80x128xf32, #tpu.memory_space<vmem>> -> memref<80x128xf32, #tpu.memory_space<vmem>>
        %dma_start3A_899 = arith.constant 0 : i32
        %dma_start3A_900 = tpu.memref_slice %arg2[%add3A_878, %dma_start3A_899] : memref<320000x128xf32, #tpu.memory_space<hbm>> -> memref<80x128xf32, #tpu.memory_space<hbm>>
        tpu.enqueue_dma source(%dma_start3A_900 : memref<80x128xf32, #tpu.memory_space<hbm>>) target(%dma_start3A_898 : memref<80x128xf32, #tpu.memory_space<vmem>>) target_semaphore(%arg15 : memref<!tpu.dma_semaphore, #tpu.memory_space<semaphore_mem>>)
      } else {
      }
      %add3A_826 = arith.constant 1 : i32
      %add3A_827 = arith.addi %add3A_807, %add3A_826 : i32
      %lt3A_828 = arith.constant 125 : i32
      %lt3A_829 = arith.cmpi slt, %add3A_827, %lt3A_828 : i32
      %convert_element_type3A_830 = arith.extui %lt3A_829 : i1 to i32
      %cond3A_831 = arith.constant 0 : i32
      %cond3A_832 = arith.cmpi ne, %convert_element_type3A_830, %cond3A_831 : i32
      scf.if %cond3A_832 {
        %dma_wait3A_874 = arith.constant 1 : i32
        %dma_wait3A_875 = arith.constant 0 : i32
        %dma_wait3A_876 = tpu.memref_slice %arg7[%dma_wait3A_874, %dma_wait3A_875] : memref<3x80xi32, #tpu.memory_space<vmem>> -> memref<1x80xi32, #tpu.memory_space<vmem>>
        %dma_wait3A_877 = tpu.memref_squeeze %dma_wait3A_876 : memref<1x80xi32, #tpu.memory_space<vmem>> -> memref<80xi32, #tpu.memory_space<vmem>>
        %dma_wait3A_878 = arith.constant 0 : i32
        %dma_wait3A_879 = tpu.memref_slice %arg3[%dma_wait3A_878] : memref<320000xi32, #tpu.memory_space<hbm>> -> memref<80xi32, #tpu.memory_space<hbm>>
        %dma_wait3A_880 = arith.constant 0 : i32
        %dma_wait3A_881 = tpu.memref_slice %arg7[%dma_wait3A_874, %dma_wait3A_880] : memref<3x80xi32, #tpu.memory_space<vmem>> -> memref<1x80xi32, #tpu.memory_space<vmem>>
        %dma_wait3A_882 = tpu.memref_squeeze %dma_wait3A_881 : memref<1x80xi32, #tpu.memory_space<vmem>> -> memref<80xi32, #tpu.memory_space<vmem>>
        %dma_wait3A_883 = arith.constant 0 : i32
        %dma_wait3A_884 = tpu.memref_slice %arg3[%dma_wait3A_883] : memref<320000xi32, #tpu.memory_space<hbm>> -> memref<80xi32, #tpu.memory_space<hbm>>
        tpu.wait_dma2 semaphore(%arg14 : memref<!tpu.dma_semaphore, #tpu.memory_space<semaphore_mem>>) src(%dma_wait3A_884 : memref<80xi32, #tpu.memory_space<hbm>>) dst(%dma_wait3A_882 : memref<80xi32, #tpu.memory_space<vmem>>)
        %dma_wait3A_885 = arith.constant 1 : i32
        %dma_wait3A_886 = arith.constant 0 : i32
        %dma_wait3A_887 = arith.constant 0 : i32
        %dma_wait3A_888 = tpu.memref_slice %arg8[%dma_wait3A_885, %dma_wait3A_886, %dma_wait3A_887] : memref<3x80x128xf32, #tpu.memory_space<vmem>> -> memref<1x80x128xf32, #tpu.memory_space<vmem>>
        %dma_wait3A_889 = tpu.memref_squeeze %dma_wait3A_888 : memref<1x80x128xf32, #tpu.memory_space<vmem>> -> memref<80x128xf32, #tpu.memory_space<vmem>>
        %dma_wait3A_890 = arith.constant 0 : i32
        %dma_wait3A_891 = arith.constant 0 : i32
        %dma_wait3A_892 = tpu.memref_slice %arg2[%dma_wait3A_890, %dma_wait3A_891] : memref<320000x128xf32, #tpu.memory_space<hbm>> -> memref<80x128xf32, #tpu.memory_space<hbm>>
        %dma_wait3A_893 = arith.constant 0 : i32
        %dma_wait3A_894 = arith.constant 0 : i32
        %dma_wait3A_895 = tpu.memref_slice %arg8[%dma_wait3A_885, %dma_wait3A_893, %dma_wait3A_894] : memref<3x80x128xf32, #tpu.memory_space<vmem>> -> memref<1x80x128xf32, #tpu.memory_space<vmem>>
        %dma_wait3A_896 = tpu.memref_squeeze %dma_wait3A_895 : memref<1x80x128xf32, #tpu.memory_space<vmem>> -> memref<80x128xf32, #tpu.memory_space<vmem>>
        %dma_wait3A_897 = arith.constant 0 : i32
        %dma_wait3A_898 = arith.constant 0 : i32
        %dma_wait3A_899 = tpu.memref_slice %arg2[%dma_wait3A_897, %dma_wait3A_898] : memref<320000x128xf32, #tpu.memory_space<hbm>> -> memref<80x128xf32, #tpu.memory_space<hbm>>
        tpu.wait_dma2 semaphore(%arg14 : memref<!tpu.dma_semaphore, #tpu.memory_space<semaphore_mem>>) src(%dma_wait3A_899 : memref<80x128xf32, #tpu.memory_space<hbm>>) dst(%dma_wait3A_896 : memref<80x128xf32, #tpu.memory_space<vmem>>)
        %dma_start3A_900 = arith.constant 1 : i32
        %dma_start3A_901 = arith.constant 1 : i32
        %dma_start3A_902 = arith.constant 0 : i32
        %dma_start3A_903 = arith.constant 0 : i32
        %dma_start3A_904 = tpu.memref_slice %arg8[%dma_start3A_900, %dma_start3A_902, %dma_start3A_903] : memref<3x80x128xf32, #tpu.memory_space<vmem>> -> memref<1x80x128xf32, #tpu.memory_space<vmem>>
        %dma_start3A_905 = tpu.memref_squeeze %dma_start3A_904 : memref<1x80x128xf32, #tpu.memory_space<vmem>> -> memref<80x128xf32, #tpu.memory_space<vmem>>
        %dma_start3A_906 = arith.constant 0 : i32
        %dma_start3A_907 = tpu.memref_slice %arg7[%dma_start3A_901, %dma_start3A_906] : memref<3x80xi32, #tpu.memory_space<vmem>> -> memref<1x80xi32, #tpu.memory_space<vmem>>
        %dma_start3A_908 = tpu.memref_squeeze %dma_start3A_907 : memref<1x80xi32, #tpu.memory_space<vmem>> -> memref<80xi32, #tpu.memory_space<vmem>>
        %dma_start3A_909 = arith.constant 0 : i32
        %dma_start3A_910 = arith.constant 0 : i32
        %dma_start3A_911 = tpu.memref_slice %arg11[%dma_start3A_909, %dma_start3A_910] : memref<10240x128xf32, #tpu.memory_space<vmem_shared>> -> memref<10240x128xf32, #tpu.memory_space<vmem_shared>>
        tpu.enqueue_indirect_dma source(%dma_start3A_905 : memref<80x128xf32, #tpu.memory_space<vmem>>) target(%dma_start3A_911 : memref<10240x128xf32, #tpu.memory_space<vmem_shared>>) offsets(%dma_start3A_908 : memref<80xi32, #tpu.memory_space<vmem>>) semaphore(%arg17 : memref<!tpu.dma_semaphore, #tpu.memory_space<semaphore_mem>>) {add = true}
        %dma_start3A_912 = arith.constant 1 : i32
        %dma_start3A_913 = arith.constant 0 : i32
        %dma_start3A_914 = tpu.memref_slice %arg7[%dma_start3A_912, %dma_start3A_913] : memref<3x80xi32, #tpu.memory_space<vmem>> -> memref<1x80xi32, #tpu.memory_space<vmem>>
        %dma_start3A_915 = tpu.memref_squeeze %dma_start3A_914 : memref<1x80xi32, #tpu.memory_space<vmem>> -> memref<80xi32, #tpu.memory_space<vmem>>
        %dma_start3A_916 = arith.constant 0 : i32
        %dma_start3A_917 = tpu.memref_slice %arg12[%dma_start3A_916] : memref<10240xf32, #tpu.memory_space<vmem_shared>> -> memref<10240xf32, #tpu.memory_space<vmem_shared>>
        tpu.enqueue_indirect_dma source(%arg9 : memref<80xf32, #tpu.memory_space<vmem>>) target(%dma_start3A_917 : memref<10240xf32, #tpu.memory_space<vmem_shared>>) offsets(%dma_start3A_915 : memref<80xi32, #tpu.memory_space<vmem>>) semaphore(%arg17 : memref<!tpu.dma_semaphore, #tpu.memory_space<semaphore_mem>>) {add = true}
      } else {
      }
      %ge3A_833 = arith.constant 1 : i32
      %ge3A_834 = arith.cmpi sge, %add3A_827, %ge3A_833 : i32
      %sub3A_835 = arith.constant 1 : i32
      %sub3A_836 = arith.subi %add3A_827, %sub3A_835 : i32
      %lt3A_837 = arith.constant 125 : i32
      %lt3A_838 = arith.cmpi slt, %sub3A_836, %lt3A_837 : i32
      %and3A_839 = arith.andi %ge3A_834, %lt3A_838 : i1
      %convert_element_type3A_840 = arith.extui %and3A_839 : i1 to i32
      %cond3A_841 = arith.constant 0 : i32
      %cond3A_842 = arith.cmpi ne, %convert_element_type3A_840, %cond3A_841 : i32
      scf.if %cond3A_842 {
        %dma_wait3A_874 = arith.constant 0 : i32
        %dma_wait3A_875 = arith.constant 0 : i32
        %dma_wait3A_876 = arith.constant 0 : i32
        %dma_wait3A_877 = tpu.memref_slice %arg8[%dma_wait3A_874, %dma_wait3A_875, %dma_wait3A_876] : memref<3x80x128xf32, #tpu.memory_space<vmem>> -> memref<1x80x128xf32, #tpu.memory_space<vmem>>
        %dma_wait3A_878 = tpu.memref_squeeze %dma_wait3A_877 : memref<1x80x128xf32, #tpu.memory_space<vmem>> -> memref<80x128xf32, #tpu.memory_space<vmem>>
        %dma_wait3A_879 = arith.constant 0 : i32
        %dma_wait3A_880 = arith.constant 0 : i32
        %dma_wait3A_881 = tpu.memref_slice %arg11[%dma_wait3A_879, %dma_wait3A_880] : memref<10240x128xf32, #tpu.memory_space<vmem_shared>> -> memref<80x128xf32, #tpu.memory_space<vmem_shared>>
        %dma_wait3A_882 = arith.constant 0 : i32
        %dma_wait3A_883 = arith.constant 0 : i32
        %dma_wait3A_884 = tpu.memref_slice %arg11[%dma_wait3A_882, %dma_wait3A_883] : memref<10240x128xf32, #tpu.memory_space<vmem_shared>> -> memref<80x128xf32, #tpu.memory_space<vmem_shared>>
        %dma_wait3A_885 = arith.constant 0 : i32
        %dma_wait3A_886 = arith.constant 0 : i32
        %dma_wait3A_887 = tpu.memref_slice %arg8[%dma_wait3A_874, %dma_wait3A_885, %dma_wait3A_886] : memref<3x80x128xf32, #tpu.memory_space<vmem>> -> memref<1x80x128xf32, #tpu.memory_space<vmem>>
        %dma_wait3A_888 = tpu.memref_squeeze %dma_wait3A_887 : memref<1x80x128xf32, #tpu.memory_space<vmem>> -> memref<80x128xf32, #tpu.memory_space<vmem>>
        tpu.wait_dma2 semaphore(%arg16 : memref<!tpu.dma_semaphore, #tpu.memory_space<semaphore_mem>>) src(%dma_wait3A_888 : memref<80x128xf32, #tpu.memory_space<vmem>>) dst(%dma_wait3A_884 : memref<80x128xf32, #tpu.memory_space<vmem_shared>>)
        %dma_wait3A_889 = arith.constant 0 : i32
        %dma_wait3A_890 = tpu.memref_slice %arg12[%dma_wait3A_889] : memref<10240xf32, #tpu.memory_space<vmem_shared>> -> memref<80xf32, #tpu.memory_space<vmem_shared>>
        %dma_wait3A_891 = arith.constant 0 : i32
        %dma_wait3A_892 = tpu.memref_slice %arg12[%dma_wait3A_891] : memref<10240xf32, #tpu.memory_space<vmem_shared>> -> memref<80xf32, #tpu.memory_space<vmem_shared>>
        tpu.wait_dma2 semaphore(%arg16 : memref<!tpu.dma_semaphore, #tpu.memory_space<semaphore_mem>>) src(%arg9 : memref<80xf32, #tpu.memory_space<vmem>>) dst(%dma_wait3A_892 : memref<80xf32, #tpu.memory_space<vmem_shared>>)
      } else {
      }
      %add3A_843 = arith.constant 2 : i32
      %add3A_844 = arith.addi %add3A_827, %add3A_843 : i32
      %lt3A_845 = arith.constant 125 : i32
      %lt3A_846 = arith.cmpi slt, %add3A_844, %lt3A_845 : i32
      %convert_element_type3A_847 = arith.extui %lt3A_846 : i1 to i32
      %cond3A_848 = arith.constant 0 : i32
      %cond3A_849 = arith.cmpi ne, %convert_element_type3A_847, %cond3A_848 : i32
      scf.if %cond3A_849 {
        %add3A_874 = arith.constant 2 : i32
        %add3A_875 = arith.addi %add3A_827, %add3A_874 : i32
        %mul3A_876 = arith.constant 80 : i32
        %mul3A_877 = arith.muli %add3A_875, %mul3A_876 : i32
        %add3A_878 = arith.addi %mul3A_498, %mul3A_877 : i32
        %dma_start3A_879 = arith.constant 0 : i32
        %dma_start3A_880 = arith.constant 0 : i32
        %dma_start3A_881 = tpu.memref_slice %arg7[%dma_start3A_879, %dma_start3A_880] : memref<3x80xi32, #tpu.memory_space<vmem>> -> memref<1x80xi32, #tpu.memory_space<vmem>>
        %dma_start3A_882 = tpu.memref_squeeze %dma_start3A_881 : memref<1x80xi32, #tpu.memory_space<vmem>> -> memref<80xi32, #tpu.memory_space<vmem>>
        %dma_start3A_883 = tpu.memref_slice %arg3[%add3A_878] : memref<320000xi32, #tpu.memory_space<hbm>> -> memref<80xi32, #tpu.memory_space<hbm>>
        %dma_start3A_884 = arith.constant 0 : i32
        %dma_start3A_885 = tpu.memref_slice %arg7[%dma_start3A_879, %dma_start3A_884] : memref<3x80xi32, #tpu.memory_space<vmem>> -> memref<1x80xi32, #tpu.memory_space<vmem>>
        %dma_start3A_886 = tpu.memref_squeeze %dma_start3A_885 : memref<1x80xi32, #tpu.memory_space<vmem>> -> memref<80xi32, #tpu.memory_space<vmem>>
        %dma_start3A_887 = tpu.memref_slice %arg3[%add3A_878] : memref<320000xi32, #tpu.memory_space<hbm>> -> memref<80xi32, #tpu.memory_space<hbm>>
        tpu.enqueue_dma source(%dma_start3A_887 : memref<80xi32, #tpu.memory_space<hbm>>) target(%dma_start3A_886 : memref<80xi32, #tpu.memory_space<vmem>>) target_semaphore(%arg13 : memref<!tpu.dma_semaphore, #tpu.memory_space<semaphore_mem>>)
        %dma_start3A_888 = arith.constant 0 : i32
        %dma_start3A_889 = arith.constant 0 : i32
        %dma_start3A_890 = arith.constant 0 : i32
        %dma_start3A_891 = tpu.memref_slice %arg8[%dma_start3A_888, %dma_start3A_889, %dma_start3A_890] : memref<3x80x128xf32, #tpu.memory_space<vmem>> -> memref<1x80x128xf32, #tpu.memory_space<vmem>>
        %dma_start3A_892 = tpu.memref_squeeze %dma_start3A_891 : memref<1x80x128xf32, #tpu.memory_space<vmem>> -> memref<80x128xf32, #tpu.memory_space<vmem>>
        %dma_start3A_893 = arith.constant 0 : i32
        %dma_start3A_894 = tpu.memref_slice %arg2[%add3A_878, %dma_start3A_893] : memref<320000x128xf32, #tpu.memory_space<hbm>> -> memref<80x128xf32, #tpu.memory_space<hbm>>
        %dma_start3A_895 = arith.constant 0 : i32
        %dma_start3A_896 = arith.constant 0 : i32
        %dma_start3A_897 = tpu.memref_slice %arg8[%dma_start3A_888, %dma_start3A_895, %dma_start3A_896] : memref<3x80x128xf32, #tpu.memory_space<vmem>> -> memref<1x80x128xf32, #tpu.memory_space<vmem>>
        %dma_start3A_898 = tpu.memref_squeeze %dma_start3A_897 : memref<1x80x128xf32, #tpu.memory_space<vmem>> -> memref<80x128xf32, #tpu.memory_space<vmem>>
        %dma_start3A_899 = arith.constant 0 : i32
        %dma_start3A_900 = tpu.memref_slice %arg2[%add3A_878, %dma_start3A_899] : memref<320000x128xf32, #tpu.memory_space<hbm>> -> memref<80x128xf32, #tpu.memory_space<hbm>>
        tpu.enqueue_dma source(%dma_start3A_900 : memref<80x128xf32, #tpu.memory_space<hbm>>) target(%dma_start3A_898 : memref<80x128xf32, #tpu.memory_space<vmem>>) target_semaphore(%arg13 : memref<!tpu.dma_semaphore, #tpu.memory_space<semaphore_mem>>)
      } else {
      }
      %add3A_850 = arith.constant 2 : i32
      %add3A_851 = arith.addi %add3A_807, %add3A_850 : i32
      %lt3A_852 = arith.constant 125 : i32
      %lt3A_853 = arith.cmpi slt, %add3A_851, %lt3A_852 : i32
      %convert_element_type3A_854 = arith.extui %lt3A_853 : i1 to i32
      %cond3A_855 = arith.constant 0 : i32
      %cond3A_856 = arith.cmpi ne, %convert_element_type3A_854, %cond3A_855 : i32
      scf.if %cond3A_856 {
        %dma_wait3A_874 = arith.constant 2 : i32
        %dma_wait3A_875 = arith.constant 0 : i32
        %dma_wait3A_876 = tpu.memref_slice %arg7[%dma_wait3A_874, %dma_wait3A_875] : memref<3x80xi32, #tpu.memory_space<vmem>> -> memref<1x80xi32, #tpu.memory_space<vmem>>
        %dma_wait3A_877 = tpu.memref_squeeze %dma_wait3A_876 : memref<1x80xi32, #tpu.memory_space<vmem>> -> memref<80xi32, #tpu.memory_space<vmem>>
        %dma_wait3A_878 = arith.constant 0 : i32
        %dma_wait3A_879 = tpu.memref_slice %arg3[%dma_wait3A_878] : memref<320000xi32, #tpu.memory_space<hbm>> -> memref<80xi32, #tpu.memory_space<hbm>>
        %dma_wait3A_880 = arith.constant 0 : i32
        %dma_wait3A_881 = tpu.memref_slice %arg7[%dma_wait3A_874, %dma_wait3A_880] : memref<3x80xi32, #tpu.memory_space<vmem>> -> memref<1x80xi32, #tpu.memory_space<vmem>>
        %dma_wait3A_882 = tpu.memref_squeeze %dma_wait3A_881 : memref<1x80xi32, #tpu.memory_space<vmem>> -> memref<80xi32, #tpu.memory_space<vmem>>
        %dma_wait3A_883 = arith.constant 0 : i32
        %dma_wait3A_884 = tpu.memref_slice %arg3[%dma_wait3A_883] : memref<320000xi32, #tpu.memory_space<hbm>> -> memref<80xi32, #tpu.memory_space<hbm>>
        tpu.wait_dma2 semaphore(%arg15 : memref<!tpu.dma_semaphore, #tpu.memory_space<semaphore_mem>>) src(%dma_wait3A_884 : memref<80xi32, #tpu.memory_space<hbm>>) dst(%dma_wait3A_882 : memref<80xi32, #tpu.memory_space<vmem>>)
        %dma_wait3A_885 = arith.constant 2 : i32
        %dma_wait3A_886 = arith.constant 0 : i32
        %dma_wait3A_887 = arith.constant 0 : i32
        %dma_wait3A_888 = tpu.memref_slice %arg8[%dma_wait3A_885, %dma_wait3A_886, %dma_wait3A_887] : memref<3x80x128xf32, #tpu.memory_space<vmem>> -> memref<1x80x128xf32, #tpu.memory_space<vmem>>
        %dma_wait3A_889 = tpu.memref_squeeze %dma_wait3A_888 : memref<1x80x128xf32, #tpu.memory_space<vmem>> -> memref<80x128xf32, #tpu.memory_space<vmem>>
        %dma_wait3A_890 = arith.constant 0 : i32
        %dma_wait3A_891 = arith.constant 0 : i32
        %dma_wait3A_892 = tpu.memref_slice %arg2[%dma_wait3A_890, %dma_wait3A_891] : memref<320000x128xf32, #tpu.memory_space<hbm>> -> memref<80x128xf32, #tpu.memory_space<hbm>>
        %dma_wait3A_893 = arith.constant 0 : i32
        %dma_wait3A_894 = arith.constant 0 : i32
        %dma_wait3A_895 = tpu.memref_slice %arg8[%dma_wait3A_885, %dma_wait3A_893, %dma_wait3A_894] : memref<3x80x128xf32, #tpu.memory_space<vmem>> -> memref<1x80x128xf32, #tpu.memory_space<vmem>>
        %dma_wait3A_896 = tpu.memref_squeeze %dma_wait3A_895 : memref<1x80x128xf32, #tpu.memory_space<vmem>> -> memref<80x128xf32, #tpu.memory_space<vmem>>
        %dma_wait3A_897 = arith.constant 0 : i32
        %dma_wait3A_898 = arith.constant 0 : i32
        %dma_wait3A_899 = tpu.memref_slice %arg2[%dma_wait3A_897, %dma_wait3A_898] : memref<320000x128xf32, #tpu.memory_space<hbm>> -> memref<80x128xf32, #tpu.memory_space<hbm>>
        tpu.wait_dma2 semaphore(%arg15 : memref<!tpu.dma_semaphore, #tpu.memory_space<semaphore_mem>>) src(%dma_wait3A_899 : memref<80x128xf32, #tpu.memory_space<hbm>>) dst(%dma_wait3A_896 : memref<80x128xf32, #tpu.memory_space<vmem>>)
        %dma_start3A_900 = arith.constant 2 : i32
        %dma_start3A_901 = arith.constant 2 : i32
        %dma_start3A_902 = arith.constant 0 : i32
        %dma_start3A_903 = arith.constant 0 : i32
        %dma_start3A_904 = tpu.memref_slice %arg8[%dma_start3A_900, %dma_start3A_902, %dma_start3A_903] : memref<3x80x128xf32, #tpu.memory_space<vmem>> -> memref<1x80x128xf32, #tpu.memory_space<vmem>>
        %dma_start3A_905 = tpu.memref_squeeze %dma_start3A_904 : memref<1x80x128xf32, #tpu.memory_space<vmem>> -> memref<80x128xf32, #tpu.memory_space<vmem>>
        %dma_start3A_906 = arith.constant 0 : i32
        %dma_start3A_907 = tpu.memref_slice %arg7[%dma_start3A_901, %dma_start3A_906] : memref<3x80xi32, #tpu.memory_space<vmem>> -> memref<1x80xi32, #tpu.memory_space<vmem>>
        %dma_start3A_908 = tpu.memref_squeeze %dma_start3A_907 : memref<1x80xi32, #tpu.memory_space<vmem>> -> memref<80xi32, #tpu.memory_space<vmem>>
        %dma_start3A_909 = arith.constant 0 : i32
        %dma_start3A_910 = arith.constant 0 : i32
        %dma_start3A_911 = tpu.memref_slice %arg11[%dma_start3A_909, %dma_start3A_910] : memref<10240x128xf32, #tpu.memory_space<vmem_shared>> -> memref<10240x128xf32, #tpu.memory_space<vmem_shared>>
        tpu.enqueue_indirect_dma source(%dma_start3A_905 : memref<80x128xf32, #tpu.memory_space<vmem>>) target(%dma_start3A_911 : memref<10240x128xf32, #tpu.memory_space<vmem_shared>>) offsets(%dma_start3A_908 : memref<80xi32, #tpu.memory_space<vmem>>) semaphore(%arg18 : memref<!tpu.dma_semaphore, #tpu.memory_space<semaphore_mem>>) {add = true}
        %dma_start3A_912 = arith.constant 2 : i32
        %dma_start3A_913 = arith.constant 0 : i32
        %dma_start3A_914 = tpu.memref_slice %arg7[%dma_start3A_912, %dma_start3A_913] : memref<3x80xi32, #tpu.memory_space<vmem>> -> memref<1x80xi32, #tpu.memory_space<vmem>>
        %dma_start3A_915 = tpu.memref_squeeze %dma_start3A_914 : memref<1x80xi32, #tpu.memory_space<vmem>> -> memref<80xi32, #tpu.memory_space<vmem>>
        %dma_start3A_916 = arith.constant 0 : i32
        %dma_start3A_917 = tpu.memref_slice %arg12[%dma_start3A_916] : memref<10240xf32, #tpu.memory_space<vmem_shared>> -> memref<10240xf32, #tpu.memory_space<vmem_shared>>
        tpu.enqueue_indirect_dma source(%arg9 : memref<80xf32, #tpu.memory_space<vmem>>) target(%dma_start3A_917 : memref<10240xf32, #tpu.memory_space<vmem_shared>>) offsets(%dma_start3A_915 : memref<80xi32, #tpu.memory_space<vmem>>) semaphore(%arg18 : memref<!tpu.dma_semaphore, #tpu.memory_space<semaphore_mem>>) {add = true}
      } else {
      }
      %ge3A_857 = arith.constant 1 : i32
      %ge3A_858 = arith.cmpi sge, %add3A_851, %ge3A_857 : i32
      %sub3A_859 = arith.constant 1 : i32
      %sub3A_860 = arith.subi %add3A_851, %sub3A_859 : i32
      %lt3A_861 = arith.constant 125 : i32
      %lt3A_862 = arith.cmpi slt, %sub3A_860, %lt3A_861 : i32
      %and3A_863 = arith.andi %ge3A_858, %lt3A_862 : i1
      %convert_element_type3A_864 = arith.extui %and3A_863 : i1 to i32
      %cond3A_865 = arith.constant 0 : i32
      %cond3A_866 = arith.cmpi ne, %convert_element_type3A_864, %cond3A_865 : i32
      scf.if %cond3A_866 {
        %dma_wait3A_874 = arith.constant 1 : i32
        %dma_wait3A_875 = arith.constant 0 : i32
        %dma_wait3A_876 = arith.constant 0 : i32
        %dma_wait3A_877 = tpu.memref_slice %arg8[%dma_wait3A_874, %dma_wait3A_875, %dma_wait3A_876] : memref<3x80x128xf32, #tpu.memory_space<vmem>> -> memref<1x80x128xf32, #tpu.memory_space<vmem>>
        %dma_wait3A_878 = tpu.memref_squeeze %dma_wait3A_877 : memref<1x80x128xf32, #tpu.memory_space<vmem>> -> memref<80x128xf32, #tpu.memory_space<vmem>>
        %dma_wait3A_879 = arith.constant 0 : i32
        %dma_wait3A_880 = arith.constant 0 : i32
        %dma_wait3A_881 = tpu.memref_slice %arg11[%dma_wait3A_879, %dma_wait3A_880] : memref<10240x128xf32, #tpu.memory_space<vmem_shared>> -> memref<80x128xf32, #tpu.memory_space<vmem_shared>>
        %dma_wait3A_882 = arith.constant 0 : i32
        %dma_wait3A_883 = arith.constant 0 : i32
        %dma_wait3A_884 = tpu.memref_slice %arg11[%dma_wait3A_882, %dma_wait3A_883] : memref<10240x128xf32, #tpu.memory_space<vmem_shared>> -> memref<80x128xf32, #tpu.memory_space<vmem_shared>>
        %dma_wait3A_885 = arith.constant 0 : i32
        %dma_wait3A_886 = arith.constant 0 : i32
        %dma_wait3A_887 = tpu.memref_slice %arg8[%dma_wait3A_874, %dma_wait3A_885, %dma_wait3A_886] : memref<3x80x128xf32, #tpu.memory_space<vmem>> -> memref<1x80x128xf32, #tpu.memory_space<vmem>>
        %dma_wait3A_888 = tpu.memref_squeeze %dma_wait3A_887 : memref<1x80x128xf32, #tpu.memory_space<vmem>> -> memref<80x128xf32, #tpu.memory_space<vmem>>
        tpu.wait_dma2 semaphore(%arg17 : memref<!tpu.dma_semaphore, #tpu.memory_space<semaphore_mem>>) src(%dma_wait3A_888 : memref<80x128xf32, #tpu.memory_space<vmem>>) dst(%dma_wait3A_884 : memref<80x128xf32, #tpu.memory_space<vmem_shared>>)
        %dma_wait3A_889 = arith.constant 0 : i32
        %dma_wait3A_890 = tpu.memref_slice %arg12[%dma_wait3A_889] : memref<10240xf32, #tpu.memory_space<vmem_shared>> -> memref<80xf32, #tpu.memory_space<vmem_shared>>
        %dma_wait3A_891 = arith.constant 0 : i32
        %dma_wait3A_892 = tpu.memref_slice %arg12[%dma_wait3A_891] : memref<10240xf32, #tpu.memory_space<vmem_shared>> -> memref<80xf32, #tpu.memory_space<vmem_shared>>
        tpu.wait_dma2 semaphore(%arg17 : memref<!tpu.dma_semaphore, #tpu.memory_space<semaphore_mem>>) src(%arg9 : memref<80xf32, #tpu.memory_space<vmem>>) dst(%dma_wait3A_892 : memref<80xf32, #tpu.memory_space<vmem_shared>>)
      } else {
      }
      %add3A_867 = arith.constant 2 : i32
      %add3A_868 = arith.addi %add3A_851, %add3A_867 : i32
      %lt3A_869 = arith.constant 125 : i32
      %lt3A_870 = arith.cmpi slt, %add3A_868, %lt3A_869 : i32
      %convert_element_type3A_871 = arith.extui %lt3A_870 : i1 to i32
      %cond3A_872 = arith.constant 0 : i32
      %cond3A_873 = arith.cmpi ne, %convert_element_type3A_871, %cond3A_872 : i32
      scf.if %cond3A_873 {
        %add3A_874 = arith.constant 2 : i32
        %add3A_875 = arith.addi %add3A_851, %add3A_874 : i32
        %mul3A_876 = arith.constant 80 : i32
        %mul3A_877 = arith.muli %add3A_875, %mul3A_876 : i32
        %add3A_878 = arith.addi %mul3A_498, %mul3A_877 : i32
        %dma_start3A_879 = arith.constant 1 : i32
        %dma_start3A_880 = arith.constant 0 : i32
        %dma_start3A_881 = tpu.memref_slice %arg7[%dma_start3A_879, %dma_start3A_880] : memref<3x80xi32, #tpu.memory_space<vmem>> -> memref<1x80xi32, #tpu.memory_space<vmem>>
        %dma_start3A_882 = tpu.memref_squeeze %dma_start3A_881 : memref<1x80xi32, #tpu.memory_space<vmem>> -> memref<80xi32, #tpu.memory_space<vmem>>
        %dma_start3A_883 = tpu.memref_slice %arg3[%add3A_878] : memref<320000xi32, #tpu.memory_space<hbm>> -> memref<80xi32, #tpu.memory_space<hbm>>
        %dma_start3A_884 = arith.constant 0 : i32
        %dma_start3A_885 = tpu.memref_slice %arg7[%dma_start3A_879, %dma_start3A_884] : memref<3x80xi32, #tpu.memory_space<vmem>> -> memref<1x80xi32, #tpu.memory_space<vmem>>
        %dma_start3A_886 = tpu.memref_squeeze %dma_start3A_885 : memref<1x80xi32, #tpu.memory_space<vmem>> -> memref<80xi32, #tpu.memory_space<vmem>>
        %dma_start3A_887 = tpu.memref_slice %arg3[%add3A_878] : memref<320000xi32, #tpu.memory_space<hbm>> -> memref<80xi32, #tpu.memory_space<hbm>>
        tpu.enqueue_dma source(%dma_start3A_887 : memref<80xi32, #tpu.memory_space<hbm>>) target(%dma_start3A_886 : memref<80xi32, #tpu.memory_space<vmem>>) target_semaphore(%arg14 : memref<!tpu.dma_semaphore, #tpu.memory_space<semaphore_mem>>)
        %dma_start3A_888 = arith.constant 1 : i32
        %dma_start3A_889 = arith.constant 0 : i32
        %dma_start3A_890 = arith.constant 0 : i32
        %dma_start3A_891 = tpu.memref_slice %arg8[%dma_start3A_888, %dma_start3A_889, %dma_start3A_890] : memref<3x80x128xf32, #tpu.memory_space<vmem>> -> memref<1x80x128xf32, #tpu.memory_space<vmem>>
        %dma_start3A_892 = tpu.memref_squeeze %dma_start3A_891 : memref<1x80x128xf32, #tpu.memory_space<vmem>> -> memref<80x128xf32, #tpu.memory_space<vmem>>
        %dma_start3A_893 = arith.constant 0 : i32
        %dma_start3A_894 = tpu.memref_slice %arg2[%add3A_878, %dma_start3A_893] : memref<320000x128xf32, #tpu.memory_space<hbm>> -> memref<80x128xf32, #tpu.memory_space<hbm>>
        %dma_start3A_895 = arith.constant 0 : i32
        %dma_start3A_896 = arith.constant 0 : i32
        %dma_start3A_897 = tpu.memref_slice %arg8[%dma_start3A_888, %dma_start3A_895, %dma_start3A_896] : memref<3x80x128xf32, #tpu.memory_space<vmem>> -> memref<1x80x128xf32, #tpu.memory_space<vmem>>
        %dma_start3A_898 = tpu.memref_squeeze %dma_start3A_897 : memref<1x80x128xf32, #tpu.memory_space<vmem>> -> memref<80x128xf32, #tpu.memory_space<vmem>>
        %dma_start3A_899 = arith.constant 0 : i32
        %dma_start3A_900 = tpu.memref_slice %arg2[%add3A_878, %dma_start3A_899] : memref<320000x128xf32, #tpu.memory_space<hbm>> -> memref<80x128xf32, #tpu.memory_space<hbm>>
        tpu.enqueue_dma source(%dma_start3A_900 : memref<80x128xf32, #tpu.memory_space<hbm>>) target(%dma_start3A_898 : memref<80x128xf32, #tpu.memory_space<vmem>>) target_semaphore(%arg14 : memref<!tpu.dma_semaphore, #tpu.memory_space<semaphore_mem>>)
      } else {
      }
    }
    %scan3A_550 = arith.constant 43 : i32
    %barrier3A_551 = arith.constant 0 : index
    tpu.barrier barrier_id(%barrier3A_551)
    %mul3A_552 = arith.constant 10240 : i32
    %mul3A_553 = arith.muli %arg0, %mul3A_552 : i32
    %add3A_554 = arith.addi %mul3A_553, %mul3A_2 : i32
    %add3A_555 = arith.constant 0 : i32
    %add3A_556 = arith.addi %mul3A_2, %add3A_555 : i32
    %run_scoped3A_557 = arith.constant 0 : i32
    "tpu.region"() ({
      %run_scoped3A_803 = tpu.sem_alloc : memref<!tpu.dma_semaphore, #tpu.memory_space<semaphore_mem>>
      %dma_start3A_804 = arith.constant 0 : i32
      %dma_start3A_805 = arith.constant 0 : i32
      %dma_start3A_806 = tpu.memref_slice %arg8[%run_scoped3A_557, %dma_start3A_804, %dma_start3A_805] : memref<3x80x128xf32, #tpu.memory_space<vmem>> -> memref<1x80x128xf32, #tpu.memory_space<vmem>>
      %dma_start3A_807 = tpu.memref_squeeze %dma_start3A_806 : memref<1x80x128xf32, #tpu.memory_space<vmem>> -> memref<80x128xf32, #tpu.memory_space<vmem>>
      %dma_start3A_808 = arith.constant 0 : i32
      %dma_start3A_809 = tpu.memref_slice %arg11[%add3A_556, %dma_start3A_808] : memref<10240x128xf32, #tpu.memory_space<vmem_shared>> -> memref<80x128xf32, #tpu.memory_space<vmem_shared>>
      %dma_start3A_810 = arith.constant 0 : i32
      %dma_start3A_811 = arith.constant 0 : i32
      %dma_start3A_812 = tpu.memref_slice %arg8[%run_scoped3A_557, %dma_start3A_810, %dma_start3A_811] : memref<3x80x128xf32, #tpu.memory_space<vmem>> -> memref<1x80x128xf32, #tpu.memory_space<vmem>>
      %dma_start3A_813 = tpu.memref_squeeze %dma_start3A_812 : memref<1x80x128xf32, #tpu.memory_space<vmem>> -> memref<80x128xf32, #tpu.memory_space<vmem>>
      %dma_start3A_814 = arith.constant 0 : i32
      %dma_start3A_815 = tpu.memref_slice %arg11[%add3A_556, %dma_start3A_814] : memref<10240x128xf32, #tpu.memory_space<vmem_shared>> -> memref<80x128xf32, #tpu.memory_space<vmem_shared>>
      tpu.enqueue_dma source(%dma_start3A_815 : memref<80x128xf32, #tpu.memory_space<vmem_shared>>) target(%dma_start3A_813 : memref<80x128xf32, #tpu.memory_space<vmem>>) target_semaphore(%run_scoped3A_803 : memref<!tpu.dma_semaphore, #tpu.memory_space<semaphore_mem>>)
      %dma_wait3A_816 = arith.constant 0 : i32
      %dma_wait3A_817 = arith.constant 0 : i32
      %dma_wait3A_818 = tpu.memref_slice %arg8[%run_scoped3A_557, %dma_wait3A_816, %dma_wait3A_817] : memref<3x80x128xf32, #tpu.memory_space<vmem>> -> memref<1x80x128xf32, #tpu.memory_space<vmem>>
      %dma_wait3A_819 = tpu.memref_squeeze %dma_wait3A_818 : memref<1x80x128xf32, #tpu.memory_space<vmem>> -> memref<80x128xf32, #tpu.memory_space<vmem>>
      %dma_wait3A_820 = arith.constant 0 : i32
      %dma_wait3A_821 = tpu.memref_slice %arg11[%add3A_556, %dma_wait3A_820] : memref<10240x128xf32, #tpu.memory_space<vmem_shared>> -> memref<80x128xf32, #tpu.memory_space<vmem_shared>>
      %dma_wait3A_822 = arith.constant 0 : i32
      %dma_wait3A_823 = arith.constant 0 : i32
      %dma_wait3A_824 = tpu.memref_slice %arg8[%run_scoped3A_557, %dma_wait3A_822, %dma_wait3A_823] : memref<3x80x128xf32, #tpu.memory_space<vmem>> -> memref<1x80x128xf32, #tpu.memory_space<vmem>>
      %dma_wait3A_825 = tpu.memref_squeeze %dma_wait3A_824 : memref<1x80x128xf32, #tpu.memory_space<vmem>> -> memref<80x128xf32, #tpu.memory_space<vmem>>
      %dma_wait3A_826 = arith.constant 0 : i32
      %dma_wait3A_827 = tpu.memref_slice %arg11[%add3A_556, %dma_wait3A_826] : memref<10240x128xf32, #tpu.memory_space<vmem_shared>> -> memref<80x128xf32, #tpu.memory_space<vmem_shared>>
      tpu.wait_dma2 semaphore(%run_scoped3A_803 : memref<!tpu.dma_semaphore, #tpu.memory_space<semaphore_mem>>) src(%dma_wait3A_827 : memref<80x128xf32, #tpu.memory_space<vmem_shared>>) dst(%dma_wait3A_825 : memref<80x128xf32, #tpu.memory_space<vmem>>)
      tpu.yield
    }) : () -> ()
    %add3A_558 = arith.constant 0 : i32
    %add3A_559 = arith.addi %add3A_554, %add3A_558 : i32
    %dma_start3A_560 = arith.constant 0 : i32
    %dma_start3A_561 = arith.constant 0 : i32
    %dma_start3A_562 = arith.constant 0 : i32
    %dma_start3A_563 = tpu.memref_slice %arg8[%dma_start3A_560, %dma_start3A_561, %dma_start3A_562] : memref<3x80x128xf32, #tpu.memory_space<vmem>> -> memref<1x80x128xf32, #tpu.memory_space<vmem>>
    %dma_start3A_564 = tpu.memref_squeeze %dma_start3A_563 : memref<1x80x128xf32, #tpu.memory_space<vmem>> -> memref<80x128xf32, #tpu.memory_space<vmem>>
    %dma_start3A_565 = arith.constant 0 : i32
    %dma_start3A_566 = tpu.memref_slice %arg5[%add3A_559, %dma_start3A_565] : memref<20480x128xf32, #tpu.memory_space<hbm>> -> memref<80x128xf32, #tpu.memory_space<hbm>>
    %dma_start3A_567 = arith.constant 0 : i32
    %dma_start3A_568 = tpu.memref_slice %arg5[%add3A_559, %dma_start3A_567] : memref<20480x128xf32, #tpu.memory_space<hbm>> -> memref<80x128xf32, #tpu.memory_space<hbm>>
    %dma_start3A_569 = arith.constant 0 : i32
    %dma_start3A_570 = arith.constant 0 : i32
    %dma_start3A_571 = tpu.memref_slice %arg8[%dma_start3A_560, %dma_start3A_569, %dma_start3A_570] : memref<3x80x128xf32, #tpu.memory_space<vmem>> -> memref<1x80x128xf32, #tpu.memory_space<vmem>>
    %dma_start3A_572 = tpu.memref_squeeze %dma_start3A_571 : memref<1x80x128xf32, #tpu.memory_space<vmem>> -> memref<80x128xf32, #tpu.memory_space<vmem>>
    tpu.enqueue_dma source(%dma_start3A_572 : memref<80x128xf32, #tpu.memory_space<vmem>>) target(%dma_start3A_568 : memref<80x128xf32, #tpu.memory_space<hbm>>) target_semaphore(%arg19 : memref<!tpu.dma_semaphore, #tpu.memory_space<semaphore_mem>>)
    %add3A_573 = arith.constant 80 : i32
    %add3A_574 = arith.addi %mul3A_2, %add3A_573 : i32
    %run_scoped3A_575 = arith.constant 1 : i32
    "tpu.region"() ({
      %run_scoped3A_803 = tpu.sem_alloc : memref<!tpu.dma_semaphore, #tpu.memory_space<semaphore_mem>>
      %dma_start3A_804 = arith.constant 0 : i32
      %dma_start3A_805 = arith.constant 0 : i32
      %dma_start3A_806 = tpu.memref_slice %arg8[%run_scoped3A_575, %dma_start3A_804, %dma_start3A_805] : memref<3x80x128xf32, #tpu.memory_space<vmem>> -> memref<1x80x128xf32, #tpu.memory_space<vmem>>
      %dma_start3A_807 = tpu.memref_squeeze %dma_start3A_806 : memref<1x80x128xf32, #tpu.memory_space<vmem>> -> memref<80x128xf32, #tpu.memory_space<vmem>>
      %dma_start3A_808 = arith.constant 0 : i32
      %dma_start3A_809 = tpu.memref_slice %arg11[%add3A_574, %dma_start3A_808] : memref<10240x128xf32, #tpu.memory_space<vmem_shared>> -> memref<80x128xf32, #tpu.memory_space<vmem_shared>>
      %dma_start3A_810 = arith.constant 0 : i32
      %dma_start3A_811 = arith.constant 0 : i32
      %dma_start3A_812 = tpu.memref_slice %arg8[%run_scoped3A_575, %dma_start3A_810, %dma_start3A_811] : memref<3x80x128xf32, #tpu.memory_space<vmem>> -> memref<1x80x128xf32, #tpu.memory_space<vmem>>
      %dma_start3A_813 = tpu.memref_squeeze %dma_start3A_812 : memref<1x80x128xf32, #tpu.memory_space<vmem>> -> memref<80x128xf32, #tpu.memory_space<vmem>>
      %dma_start3A_814 = arith.constant 0 : i32
      %dma_start3A_815 = tpu.memref_slice %arg11[%add3A_574, %dma_start3A_814] : memref<10240x128xf32, #tpu.memory_space<vmem_shared>> -> memref<80x128xf32, #tpu.memory_space<vmem_shared>>
      tpu.enqueue_dma source(%dma_start3A_815 : memref<80x128xf32, #tpu.memory_space<vmem_shared>>) target(%dma_start3A_813 : memref<80x128xf32, #tpu.memory_space<vmem>>) target_semaphore(%run_scoped3A_803 : memref<!tpu.dma_semaphore, #tpu.memory_space<semaphore_mem>>)
      %dma_wait3A_816 = arith.constant 0 : i32
      %dma_wait3A_817 = arith.constant 0 : i32
      %dma_wait3A_818 = tpu.memref_slice %arg8[%run_scoped3A_575, %dma_wait3A_816, %dma_wait3A_817] : memref<3x80x128xf32, #tpu.memory_space<vmem>> -> memref<1x80x128xf32, #tpu.memory_space<vmem>>
      %dma_wait3A_819 = tpu.memref_squeeze %dma_wait3A_818 : memref<1x80x128xf32, #tpu.memory_space<vmem>> -> memref<80x128xf32, #tpu.memory_space<vmem>>
      %dma_wait3A_820 = arith.constant 0 : i32
      %dma_wait3A_821 = tpu.memref_slice %arg11[%add3A_574, %dma_wait3A_820] : memref<10240x128xf32, #tpu.memory_space<vmem_shared>> -> memref<80x128xf32, #tpu.memory_space<vmem_shared>>
      %dma_wait3A_822 = arith.constant 0 : i32
      %dma_wait3A_823 = arith.constant 0 : i32
      %dma_wait3A_824 = tpu.memref_slice %arg8[%run_scoped3A_575, %dma_wait3A_822, %dma_wait3A_823] : memref<3x80x128xf32, #tpu.memory_space<vmem>> -> memref<1x80x128xf32, #tpu.memory_space<vmem>>
      %dma_wait3A_825 = tpu.memref_squeeze %dma_wait3A_824 : memref<1x80x128xf32, #tpu.memory_space<vmem>> -> memref<80x128xf32, #tpu.memory_space<vmem>>
      %dma_wait3A_826 = arith.constant 0 : i32
      %dma_wait3A_827 = tpu.memref_slice %arg11[%add3A_574, %dma_wait3A_826] : memref<10240x128xf32, #tpu.memory_space<vmem_shared>> -> memref<80x128xf32, #tpu.memory_space<vmem_shared>>
      tpu.wait_dma2 semaphore(%run_scoped3A_803 : memref<!tpu.dma_semaphore, #tpu.memory_space<semaphore_mem>>) src(%dma_wait3A_827 : memref<80x128xf32, #tpu.memory_space<vmem_shared>>) dst(%dma_wait3A_825 : memref<80x128xf32, #tpu.memory_space<vmem>>)
      tpu.yield
    }) : () -> ()
    %add3A_576 = arith.constant 80 : i32
    %add3A_577 = arith.addi %add3A_554, %add3A_576 : i32
    %dma_start3A_578 = arith.constant 1 : i32
    %dma_start3A_579 = arith.constant 0 : i32
    %dma_start3A_580 = arith.constant 0 : i32
    %dma_start3A_581 = tpu.memref_slice %arg8[%dma_start3A_578, %dma_start3A_579, %dma_start3A_580] : memref<3x80x128xf32, #tpu.memory_space<vmem>> -> memref<1x80x128xf32, #tpu.memory_space<vmem>>
    %dma_start3A_582 = tpu.memref_squeeze %dma_start3A_581 : memref<1x80x128xf32, #tpu.memory_space<vmem>> -> memref<80x128xf32, #tpu.memory_space<vmem>>
    %dma_start3A_583 = arith.constant 0 : i32
    %dma_start3A_584 = tpu.memref_slice %arg5[%add3A_577, %dma_start3A_583] : memref<20480x128xf32, #tpu.memory_space<hbm>> -> memref<80x128xf32, #tpu.memory_space<hbm>>
    %dma_start3A_585 = arith.constant 0 : i32
    %dma_start3A_586 = tpu.memref_slice %arg5[%add3A_577, %dma_start3A_585] : memref<20480x128xf32, #tpu.memory_space<hbm>> -> memref<80x128xf32, #tpu.memory_space<hbm>>
    %dma_start3A_587 = arith.constant 0 : i32
    %dma_start3A_588 = arith.constant 0 : i32
    %dma_start3A_589 = tpu.memref_slice %arg8[%dma_start3A_578, %dma_start3A_587, %dma_start3A_588] : memref<3x80x128xf32, #tpu.memory_space<vmem>> -> memref<1x80x128xf32, #tpu.memory_space<vmem>>
    %dma_start3A_590 = tpu.memref_squeeze %dma_start3A_589 : memref<1x80x128xf32, #tpu.memory_space<vmem>> -> memref<80x128xf32, #tpu.memory_space<vmem>>
    tpu.enqueue_dma source(%dma_start3A_590 : memref<80x128xf32, #tpu.memory_space<vmem>>) target(%dma_start3A_586 : memref<80x128xf32, #tpu.memory_space<hbm>>) target_semaphore(%arg20 : memref<!tpu.dma_semaphore, #tpu.memory_space<semaphore_mem>>)
    %dma_wait3A_591 = arith.constant 0 : i32
    %dma_wait3A_592 = arith.constant 0 : i32
    %dma_wait3A_593 = arith.constant 0 : i32
    %dma_wait3A_594 = tpu.memref_slice %arg8[%dma_wait3A_591, %dma_wait3A_592, %dma_wait3A_593] : memref<3x80x128xf32, #tpu.memory_space<vmem>> -> memref<1x80x128xf32, #tpu.memory_space<vmem>>
    %dma_wait3A_595 = tpu.memref_squeeze %dma_wait3A_594 : memref<1x80x128xf32, #tpu.memory_space<vmem>> -> memref<80x128xf32, #tpu.memory_space<vmem>>
    %dma_wait3A_596 = arith.constant 0 : i32
    %dma_wait3A_597 = tpu.memref_slice %arg5[%add3A_554, %dma_wait3A_596] : memref<20480x128xf32, #tpu.memory_space<hbm>> -> memref<80x128xf32, #tpu.memory_space<hbm>>
    %dma_wait3A_598 = arith.constant 0 : i32
    %dma_wait3A_599 = tpu.memref_slice %arg5[%add3A_554, %dma_wait3A_598] : memref<20480x128xf32, #tpu.memory_space<hbm>> -> memref<80x128xf32, #tpu.memory_space<hbm>>
    %dma_wait3A_600 = arith.constant 0 : i32
    %dma_wait3A_601 = arith.constant 0 : i32
    %dma_wait3A_602 = tpu.memref_slice %arg8[%dma_wait3A_591, %dma_wait3A_600, %dma_wait3A_601] : memref<3x80x128xf32, #tpu.memory_space<vmem>> -> memref<1x80x128xf32, #tpu.memory_space<vmem>>
    %dma_wait3A_603 = tpu.memref_squeeze %dma_wait3A_602 : memref<1x80x128xf32, #tpu.memory_space<vmem>> -> memref<80x128xf32, #tpu.memory_space<vmem>>
    tpu.wait_dma2 semaphore(%arg19 : memref<!tpu.dma_semaphore, #tpu.memory_space<semaphore_mem>>) src(%dma_wait3A_603 : memref<80x128xf32, #tpu.memory_space<vmem>>) dst(%dma_wait3A_599 : memref<80x128xf32, #tpu.memory_space<hbm>>)
    %add3A_604 = arith.constant 160 : i32
    %add3A_605 = arith.addi %mul3A_2, %add3A_604 : i32
    %run_scoped3A_606 = arith.constant 0 : i32
    "tpu.region"() ({
      %run_scoped3A_803 = tpu.sem_alloc : memref<!tpu.dma_semaphore, #tpu.memory_space<semaphore_mem>>
      %dma_start3A_804 = arith.constant 0 : i32
      %dma_start3A_805 = arith.constant 0 : i32
      %dma_start3A_806 = tpu.memref_slice %arg8[%run_scoped3A_606, %dma_start3A_804, %dma_start3A_805] : memref<3x80x128xf32, #tpu.memory_space<vmem>> -> memref<1x80x128xf32, #tpu.memory_space<vmem>>
      %dma_start3A_807 = tpu.memref_squeeze %dma_start3A_806 : memref<1x80x128xf32, #tpu.memory_space<vmem>> -> memref<80x128xf32, #tpu.memory_space<vmem>>
      %dma_start3A_808 = arith.constant 0 : i32
      %dma_start3A_809 = tpu.memref_slice %arg11[%add3A_605, %dma_start3A_808] : memref<10240x128xf32, #tpu.memory_space<vmem_shared>> -> memref<80x128xf32, #tpu.memory_space<vmem_shared>>
      %dma_start3A_810 = arith.constant 0 : i32
      %dma_start3A_811 = arith.constant 0 : i32
      %dma_start3A_812 = tpu.memref_slice %arg8[%run_scoped3A_606, %dma_start3A_810, %dma_start3A_811] : memref<3x80x128xf32, #tpu.memory_space<vmem>> -> memref<1x80x128xf32, #tpu.memory_space<vmem>>
      %dma_start3A_813 = tpu.memref_squeeze %dma_start3A_812 : memref<1x80x128xf32, #tpu.memory_space<vmem>> -> memref<80x128xf32, #tpu.memory_space<vmem>>
      %dma_start3A_814 = arith.constant 0 : i32
      %dma_start3A_815 = tpu.memref_slice %arg11[%add3A_605, %dma_start3A_814] : memref<10240x128xf32, #tpu.memory_space<vmem_shared>> -> memref<80x128xf32, #tpu.memory_space<vmem_shared>>
      tpu.enqueue_dma source(%dma_start3A_815 : memref<80x128xf32, #tpu.memory_space<vmem_shared>>) target(%dma_start3A_813 : memref<80x128xf32, #tpu.memory_space<vmem>>) target_semaphore(%run_scoped3A_803 : memref<!tpu.dma_semaphore, #tpu.memory_space<semaphore_mem>>)
      %dma_wait3A_816 = arith.constant 0 : i32
      %dma_wait3A_817 = arith.constant 0 : i32
      %dma_wait3A_818 = tpu.memref_slice %arg8[%run_scoped3A_606, %dma_wait3A_816, %dma_wait3A_817] : memref<3x80x128xf32, #tpu.memory_space<vmem>> -> memref<1x80x128xf32, #tpu.memory_space<vmem>>
      %dma_wait3A_819 = tpu.memref_squeeze %dma_wait3A_818 : memref<1x80x128xf32, #tpu.memory_space<vmem>> -> memref<80x128xf32, #tpu.memory_space<vmem>>
      %dma_wait3A_820 = arith.constant 0 : i32
      %dma_wait3A_821 = tpu.memref_slice %arg11[%add3A_605, %dma_wait3A_820] : memref<10240x128xf32, #tpu.memory_space<vmem_shared>> -> memref<80x128xf32, #tpu.memory_space<vmem_shared>>
      %dma_wait3A_822 = arith.constant 0 : i32
      %dma_wait3A_823 = arith.constant 0 : i32
      %dma_wait3A_824 = tpu.memref_slice %arg8[%run_scoped3A_606, %dma_wait3A_822, %dma_wait3A_823] : memref<3x80x128xf32, #tpu.memory_space<vmem>> -> memref<1x80x128xf32, #tpu.memory_space<vmem>>
      %dma_wait3A_825 = tpu.memref_squeeze %dma_wait3A_824 : memref<1x80x128xf32, #tpu.memory_space<vmem>> -> memref<80x128xf32, #tpu.memory_space<vmem>>
      %dma_wait3A_826 = arith.constant 0 : i32
      %dma_wait3A_827 = tpu.memref_slice %arg11[%add3A_605, %dma_wait3A_826] : memref<10240x128xf32, #tpu.memory_space<vmem_shared>> -> memref<80x128xf32, #tpu.memory_space<vmem_shared>>
      tpu.wait_dma2 semaphore(%run_scoped3A_803 : memref<!tpu.dma_semaphore, #tpu.memory_space<semaphore_mem>>) src(%dma_wait3A_827 : memref<80x128xf32, #tpu.memory_space<vmem_shared>>) dst(%dma_wait3A_825 : memref<80x128xf32, #tpu.memory_space<vmem>>)
      tpu.yield
    }) : () -> ()
    %add3A_607 = arith.constant 160 : i32
    %add3A_608 = arith.addi %add3A_554, %add3A_607 : i32
    %dma_start3A_609 = arith.constant 0 : i32
    %dma_start3A_610 = arith.constant 0 : i32
    %dma_start3A_611 = arith.constant 0 : i32
    %dma_start3A_612 = tpu.memref_slice %arg8[%dma_start3A_609, %dma_start3A_610, %dma_start3A_611] : memref<3x80x128xf32, #tpu.memory_space<vmem>> -> memref<1x80x128xf32, #tpu.memory_space<vmem>>
    %dma_start3A_613 = tpu.memref_squeeze %dma_start3A_612 : memref<1x80x128xf32, #tpu.memory_space<vmem>> -> memref<80x128xf32, #tpu.memory_space<vmem>>
    %dma_start3A_614 = arith.constant 0 : i32
    %dma_start3A_615 = tpu.memref_slice %arg5[%add3A_608, %dma_start3A_614] : memref<20480x128xf32, #tpu.memory_space<hbm>> -> memref<80x128xf32, #tpu.memory_space<hbm>>
    %dma_start3A_616 = arith.constant 0 : i32
    %dma_start3A_617 = tpu.memref_slice %arg5[%add3A_608, %dma_start3A_616] : memref<20480x128xf32, #tpu.memory_space<hbm>> -> memref<80x128xf32, #tpu.memory_space<hbm>>
    %dma_start3A_618 = arith.constant 0 : i32
    %dma_start3A_619 = arith.constant 0 : i32
    %dma_start3A_620 = tpu.memref_slice %arg8[%dma_start3A_609, %dma_start3A_618, %dma_start3A_619] : memref<3x80x128xf32, #tpu.memory_space<vmem>> -> memref<1x80x128xf32, #tpu.memory_space<vmem>>
    %dma_start3A_621 = tpu.memref_squeeze %dma_start3A_620 : memref<1x80x128xf32, #tpu.memory_space<vmem>> -> memref<80x128xf32, #tpu.memory_space<vmem>>
    tpu.enqueue_dma source(%dma_start3A_621 : memref<80x128xf32, #tpu.memory_space<vmem>>) target(%dma_start3A_617 : memref<80x128xf32, #tpu.memory_space<hbm>>) target_semaphore(%arg19 : memref<!tpu.dma_semaphore, #tpu.memory_space<semaphore_mem>>)
    %dma_wait3A_622 = arith.constant 1 : i32
    %dma_wait3A_623 = arith.constant 0 : i32
    %dma_wait3A_624 = arith.constant 0 : i32
    %dma_wait3A_625 = tpu.memref_slice %arg8[%dma_wait3A_622, %dma_wait3A_623, %dma_wait3A_624] : memref<3x80x128xf32, #tpu.memory_space<vmem>> -> memref<1x80x128xf32, #tpu.memory_space<vmem>>
    %dma_wait3A_626 = tpu.memref_squeeze %dma_wait3A_625 : memref<1x80x128xf32, #tpu.memory_space<vmem>> -> memref<80x128xf32, #tpu.memory_space<vmem>>
    %dma_wait3A_627 = arith.constant 0 : i32
    %dma_wait3A_628 = tpu.memref_slice %arg5[%add3A_554, %dma_wait3A_627] : memref<20480x128xf32, #tpu.memory_space<hbm>> -> memref<80x128xf32, #tpu.memory_space<hbm>>
    %dma_wait3A_629 = arith.constant 0 : i32
    %dma_wait3A_630 = tpu.memref_slice %arg5[%add3A_554, %dma_wait3A_629] : memref<20480x128xf32, #tpu.memory_space<hbm>> -> memref<80x128xf32, #tpu.memory_space<hbm>>
    %dma_wait3A_631 = arith.constant 0 : i32
    %dma_wait3A_632 = arith.constant 0 : i32
    %dma_wait3A_633 = tpu.memref_slice %arg8[%dma_wait3A_622, %dma_wait3A_631, %dma_wait3A_632] : memref<3x80x128xf32, #tpu.memory_space<vmem>> -> memref<1x80x128xf32, #tpu.memory_space<vmem>>
    %dma_wait3A_634 = tpu.memref_squeeze %dma_wait3A_633 : memref<1x80x128xf32, #tpu.memory_space<vmem>> -> memref<80x128xf32, #tpu.memory_space<vmem>>
    tpu.wait_dma2 semaphore(%arg20 : memref<!tpu.dma_semaphore, #tpu.memory_space<semaphore_mem>>) src(%dma_wait3A_634 : memref<80x128xf32, #tpu.memory_space<vmem>>) dst(%dma_wait3A_630 : memref<80x128xf32, #tpu.memory_space<hbm>>)
    %add3A_635 = arith.constant 240 : i32
    %add3A_636 = arith.addi %mul3A_2, %add3A_635 : i32
    %run_scoped3A_637 = arith.constant 1 : i32
    "tpu.region"() ({
      %run_scoped3A_803 = tpu.sem_alloc : memref<!tpu.dma_semaphore, #tpu.memory_space<semaphore_mem>>
      %dma_start3A_804 = arith.constant 0 : i32
      %dma_start3A_805 = arith.constant 0 : i32
      %dma_start3A_806 = tpu.memref_slice %arg8[%run_scoped3A_637, %dma_start3A_804, %dma_start3A_805] : memref<3x80x128xf32, #tpu.memory_space<vmem>> -> memref<1x80x128xf32, #tpu.memory_space<vmem>>
      %dma_start3A_807 = tpu.memref_squeeze %dma_start3A_806 : memref<1x80x128xf32, #tpu.memory_space<vmem>> -> memref<80x128xf32, #tpu.memory_space<vmem>>
      %dma_start3A_808 = arith.constant 0 : i32
      %dma_start3A_809 = tpu.memref_slice %arg11[%add3A_636, %dma_start3A_808] : memref<10240x128xf32, #tpu.memory_space<vmem_shared>> -> memref<80x128xf32, #tpu.memory_space<vmem_shared>>
      %dma_start3A_810 = arith.constant 0 : i32
      %dma_start3A_811 = arith.constant 0 : i32
      %dma_start3A_812 = tpu.memref_slice %arg8[%run_scoped3A_637, %dma_start3A_810, %dma_start3A_811] : memref<3x80x128xf32, #tpu.memory_space<vmem>> -> memref<1x80x128xf32, #tpu.memory_space<vmem>>
      %dma_start3A_813 = tpu.memref_squeeze %dma_start3A_812 : memref<1x80x128xf32, #tpu.memory_space<vmem>> -> memref<80x128xf32, #tpu.memory_space<vmem>>
      %dma_start3A_814 = arith.constant 0 : i32
      %dma_start3A_815 = tpu.memref_slice %arg11[%add3A_636, %dma_start3A_814] : memref<10240x128xf32, #tpu.memory_space<vmem_shared>> -> memref<80x128xf32, #tpu.memory_space<vmem_shared>>
      tpu.enqueue_dma source(%dma_start3A_815 : memref<80x128xf32, #tpu.memory_space<vmem_shared>>) target(%dma_start3A_813 : memref<80x128xf32, #tpu.memory_space<vmem>>) target_semaphore(%run_scoped3A_803 : memref<!tpu.dma_semaphore, #tpu.memory_space<semaphore_mem>>)
      %dma_wait3A_816 = arith.constant 0 : i32
      %dma_wait3A_817 = arith.constant 0 : i32
      %dma_wait3A_818 = tpu.memref_slice %arg8[%run_scoped3A_637, %dma_wait3A_816, %dma_wait3A_817] : memref<3x80x128xf32, #tpu.memory_space<vmem>> -> memref<1x80x128xf32, #tpu.memory_space<vmem>>
      %dma_wait3A_819 = tpu.memref_squeeze %dma_wait3A_818 : memref<1x80x128xf32, #tpu.memory_space<vmem>> -> memref<80x128xf32, #tpu.memory_space<vmem>>
      %dma_wait3A_820 = arith.constant 0 : i32
      %dma_wait3A_821 = tpu.memref_slice %arg11[%add3A_636, %dma_wait3A_820] : memref<10240x128xf32, #tpu.memory_space<vmem_shared>> -> memref<80x128xf32, #tpu.memory_space<vmem_shared>>
      %dma_wait3A_822 = arith.constant 0 : i32
      %dma_wait3A_823 = arith.constant 0 : i32
      %dma_wait3A_824 = tpu.memref_slice %arg8[%run_scoped3A_637, %dma_wait3A_822, %dma_wait3A_823] : memref<3x80x128xf32, #tpu.memory_space<vmem>> -> memref<1x80x128xf32, #tpu.memory_space<vmem>>
      %dma_wait3A_825 = tpu.memref_squeeze %dma_wait3A_824 : memref<1x80x128xf32, #tpu.memory_space<vmem>> -> memref<80x128xf32, #tpu.memory_space<vmem>>
      %dma_wait3A_826 = arith.constant 0 : i32
      %dma_wait3A_827 = tpu.memref_slice %arg11[%add3A_636, %dma_wait3A_826] : memref<10240x128xf32, #tpu.memory_space<vmem_shared>> -> memref<80x128xf32, #tpu.memory_space<vmem_shared>>
      tpu.wait_dma2 semaphore(%run_scoped3A_803 : memref<!tpu.dma_semaphore, #tpu.memory_space<semaphore_mem>>) src(%dma_wait3A_827 : memref<80x128xf32, #tpu.memory_space<vmem_shared>>) dst(%dma_wait3A_825 : memref<80x128xf32, #tpu.memory_space<vmem>>)
      tpu.yield
    }) : () -> ()
    %add3A_638 = arith.constant 240 : i32
    %add3A_639 = arith.addi %add3A_554, %add3A_638 : i32
    %dma_start3A_640 = arith.constant 1 : i32
    %dma_start3A_641 = arith.constant 0 : i32
    %dma_start3A_642 = arith.constant 0 : i32
    %dma_start3A_643 = tpu.memref_slice %arg8[%dma_start3A_640, %dma_start3A_641, %dma_start3A_642] : memref<3x80x128xf32, #tpu.memory_space<vmem>> -> memref<1x80x128xf32, #tpu.memory_space<vmem>>
    %dma_start3A_644 = tpu.memref_squeeze %dma_start3A_643 : memref<1x80x128xf32, #tpu.memory_space<vmem>> -> memref<80x128xf32, #tpu.memory_space<vmem>>
    %dma_start3A_645 = arith.constant 0 : i32
    %dma_start3A_646 = tpu.memref_slice %arg5[%add3A_639, %dma_start3A_645] : memref<20480x128xf32, #tpu.memory_space<hbm>> -> memref<80x128xf32, #tpu.memory_space<hbm>>
    %dma_start3A_647 = arith.constant 0 : i32
    %dma_start3A_648 = tpu.memref_slice %arg5[%add3A_639, %dma_start3A_647] : memref<20480x128xf32, #tpu.memory_space<hbm>> -> memref<80x128xf32, #tpu.memory_space<hbm>>
    %dma_start3A_649 = arith.constant 0 : i32
    %dma_start3A_650 = arith.constant 0 : i32
    %dma_start3A_651 = tpu.memref_slice %arg8[%dma_start3A_640, %dma_start3A_649, %dma_start3A_650] : memref<3x80x128xf32, #tpu.memory_space<vmem>> -> memref<1x80x128xf32, #tpu.memory_space<vmem>>
    %dma_start3A_652 = tpu.memref_squeeze %dma_start3A_651 : memref<1x80x128xf32, #tpu.memory_space<vmem>> -> memref<80x128xf32, #tpu.memory_space<vmem>>
    tpu.enqueue_dma source(%dma_start3A_652 : memref<80x128xf32, #tpu.memory_space<vmem>>) target(%dma_start3A_648 : memref<80x128xf32, #tpu.memory_space<hbm>>) target_semaphore(%arg20 : memref<!tpu.dma_semaphore, #tpu.memory_space<semaphore_mem>>)
    %dma_wait3A_653 = arith.constant 0 : i32
    %dma_wait3A_654 = arith.constant 0 : i32
    %dma_wait3A_655 = arith.constant 0 : i32
    %dma_wait3A_656 = tpu.memref_slice %arg8[%dma_wait3A_653, %dma_wait3A_654, %dma_wait3A_655] : memref<3x80x128xf32, #tpu.memory_space<vmem>> -> memref<1x80x128xf32, #tpu.memory_space<vmem>>
    %dma_wait3A_657 = tpu.memref_squeeze %dma_wait3A_656 : memref<1x80x128xf32, #tpu.memory_space<vmem>> -> memref<80x128xf32, #tpu.memory_space<vmem>>
    %dma_wait3A_658 = arith.constant 0 : i32
    %dma_wait3A_659 = tpu.memref_slice %arg5[%add3A_554, %dma_wait3A_658] : memref<20480x128xf32, #tpu.memory_space<hbm>> -> memref<80x128xf32, #tpu.memory_space<hbm>>
    %dma_wait3A_660 = arith.constant 0 : i32
    %dma_wait3A_661 = tpu.memref_slice %arg5[%add3A_554, %dma_wait3A_660] : memref<20480x128xf32, #tpu.memory_space<hbm>> -> memref<80x128xf32, #tpu.memory_space<hbm>>
    %dma_wait3A_662 = arith.constant 0 : i32
    %dma_wait3A_663 = arith.constant 0 : i32
    %dma_wait3A_664 = tpu.memref_slice %arg8[%dma_wait3A_653, %dma_wait3A_662, %dma_wait3A_663] : memref<3x80x128xf32, #tpu.memory_space<vmem>> -> memref<1x80x128xf32, #tpu.memory_space<vmem>>
    %dma_wait3A_665 = tpu.memref_squeeze %dma_wait3A_664 : memref<1x80x128xf32, #tpu.memory_space<vmem>> -> memref<80x128xf32, #tpu.memory_space<vmem>>
    tpu.wait_dma2 semaphore(%arg19 : memref<!tpu.dma_semaphore, #tpu.memory_space<semaphore_mem>>) src(%dma_wait3A_665 : memref<80x128xf32, #tpu.memory_space<vmem>>) dst(%dma_wait3A_661 : memref<80x128xf32, #tpu.memory_space<hbm>>)
    %add3A_666 = arith.constant 320 : i32
    %add3A_667 = arith.addi %mul3A_2, %add3A_666 : i32
    %run_scoped3A_668 = arith.constant 0 : i32
    "tpu.region"() ({
      %run_scoped3A_803 = tpu.sem_alloc : memref<!tpu.dma_semaphore, #tpu.memory_space<semaphore_mem>>
      %dma_start3A_804 = arith.constant 0 : i32
      %dma_start3A_805 = arith.constant 0 : i32
      %dma_start3A_806 = tpu.memref_slice %arg8[%run_scoped3A_668, %dma_start3A_804, %dma_start3A_805] : memref<3x80x128xf32, #tpu.memory_space<vmem>> -> memref<1x80x128xf32, #tpu.memory_space<vmem>>
      %dma_start3A_807 = tpu.memref_squeeze %dma_start3A_806 : memref<1x80x128xf32, #tpu.memory_space<vmem>> -> memref<80x128xf32, #tpu.memory_space<vmem>>
      %dma_start3A_808 = arith.constant 0 : i32
      %dma_start3A_809 = tpu.memref_slice %arg11[%add3A_667, %dma_start3A_808] : memref<10240x128xf32, #tpu.memory_space<vmem_shared>> -> memref<80x128xf32, #tpu.memory_space<vmem_shared>>
      %dma_start3A_810 = arith.constant 0 : i32
      %dma_start3A_811 = arith.constant 0 : i32
      %dma_start3A_812 = tpu.memref_slice %arg8[%run_scoped3A_668, %dma_start3A_810, %dma_start3A_811] : memref<3x80x128xf32, #tpu.memory_space<vmem>> -> memref<1x80x128xf32, #tpu.memory_space<vmem>>
      %dma_start3A_813 = tpu.memref_squeeze %dma_start3A_812 : memref<1x80x128xf32, #tpu.memory_space<vmem>> -> memref<80x128xf32, #tpu.memory_space<vmem>>
      %dma_start3A_814 = arith.constant 0 : i32
      %dma_start3A_815 = tpu.memref_slice %arg11[%add3A_667, %dma_start3A_814] : memref<10240x128xf32, #tpu.memory_space<vmem_shared>> -> memref<80x128xf32, #tpu.memory_space<vmem_shared>>
      tpu.enqueue_dma source(%dma_start3A_815 : memref<80x128xf32, #tpu.memory_space<vmem_shared>>) target(%dma_start3A_813 : memref<80x128xf32, #tpu.memory_space<vmem>>) target_semaphore(%run_scoped3A_803 : memref<!tpu.dma_semaphore, #tpu.memory_space<semaphore_mem>>)
      %dma_wait3A_816 = arith.constant 0 : i32
      %dma_wait3A_817 = arith.constant 0 : i32
      %dma_wait3A_818 = tpu.memref_slice %arg8[%run_scoped3A_668, %dma_wait3A_816, %dma_wait3A_817] : memref<3x80x128xf32, #tpu.memory_space<vmem>> -> memref<1x80x128xf32, #tpu.memory_space<vmem>>
      %dma_wait3A_819 = tpu.memref_squeeze %dma_wait3A_818 : memref<1x80x128xf32, #tpu.memory_space<vmem>> -> memref<80x128xf32, #tpu.memory_space<vmem>>
      %dma_wait3A_820 = arith.constant 0 : i32
      %dma_wait3A_821 = tpu.memref_slice %arg11[%add3A_667, %dma_wait3A_820] : memref<10240x128xf32, #tpu.memory_space<vmem_shared>> -> memref<80x128xf32, #tpu.memory_space<vmem_shared>>
      %dma_wait3A_822 = arith.constant 0 : i32
      %dma_wait3A_823 = arith.constant 0 : i32
      %dma_wait3A_824 = tpu.memref_slice %arg8[%run_scoped3A_668, %dma_wait3A_822, %dma_wait3A_823] : memref<3x80x128xf32, #tpu.memory_space<vmem>> -> memref<1x80x128xf32, #tpu.memory_space<vmem>>
      %dma_wait3A_825 = tpu.memref_squeeze %dma_wait3A_824 : memref<1x80x128xf32, #tpu.memory_space<vmem>> -> memref<80x128xf32, #tpu.memory_space<vmem>>
      %dma_wait3A_826 = arith.constant 0 : i32
      %dma_wait3A_827 = tpu.memref_slice %arg11[%add3A_667, %dma_wait3A_826] : memref<10240x128xf32, #tpu.memory_space<vmem_shared>> -> memref<80x128xf32, #tpu.memory_space<vmem_shared>>
      tpu.wait_dma2 semaphore(%run_scoped3A_803 : memref<!tpu.dma_semaphore, #tpu.memory_space<semaphore_mem>>) src(%dma_wait3A_827 : memref<80x128xf32, #tpu.memory_space<vmem_shared>>) dst(%dma_wait3A_825 : memref<80x128xf32, #tpu.memory_space<vmem>>)
      tpu.yield
    }) : () -> ()
    %add3A_669 = arith.constant 320 : i32
    %add3A_670 = arith.addi %add3A_554, %add3A_669 : i32
    %dma_start3A_671 = arith.constant 0 : i32
    %dma_start3A_672 = arith.constant 0 : i32
    %dma_start3A_673 = arith.constant 0 : i32
    %dma_start3A_674 = tpu.memref_slice %arg8[%dma_start3A_671, %dma_start3A_672, %dma_start3A_673] : memref<3x80x128xf32, #tpu.memory_space<vmem>> -> memref<1x80x128xf32, #tpu.memory_space<vmem>>
    %dma_start3A_675 = tpu.memref_squeeze %dma_start3A_674 : memref<1x80x128xf32, #tpu.memory_space<vmem>> -> memref<80x128xf32, #tpu.memory_space<vmem>>
    %dma_start3A_676 = arith.constant 0 : i32
    %dma_start3A_677 = tpu.memref_slice %arg5[%add3A_670, %dma_start3A_676] : memref<20480x128xf32, #tpu.memory_space<hbm>> -> memref<80x128xf32, #tpu.memory_space<hbm>>
    %dma_start3A_678 = arith.constant 0 : i32
    %dma_start3A_679 = tpu.memref_slice %arg5[%add3A_670, %dma_start3A_678] : memref<20480x128xf32, #tpu.memory_space<hbm>> -> memref<80x128xf32, #tpu.memory_space<hbm>>
    %dma_start3A_680 = arith.constant 0 : i32
    %dma_start3A_681 = arith.constant 0 : i32
    %dma_start3A_682 = tpu.memref_slice %arg8[%dma_start3A_671, %dma_start3A_680, %dma_start3A_681] : memref<3x80x128xf32, #tpu.memory_space<vmem>> -> memref<1x80x128xf32, #tpu.memory_space<vmem>>
    %dma_start3A_683 = tpu.memref_squeeze %dma_start3A_682 : memref<1x80x128xf32, #tpu.memory_space<vmem>> -> memref<80x128xf32, #tpu.memory_space<vmem>>
    tpu.enqueue_dma source(%dma_start3A_683 : memref<80x128xf32, #tpu.memory_space<vmem>>) target(%dma_start3A_679 : memref<80x128xf32, #tpu.memory_space<hbm>>) target_semaphore(%arg19 : memref<!tpu.dma_semaphore, #tpu.memory_space<semaphore_mem>>)
    %dma_wait3A_684 = arith.constant 1 : i32
    %dma_wait3A_685 = arith.constant 0 : i32
    %dma_wait3A_686 = arith.constant 0 : i32
    %dma_wait3A_687 = tpu.memref_slice %arg8[%dma_wait3A_684, %dma_wait3A_685, %dma_wait3A_686] : memref<3x80x128xf32, #tpu.memory_space<vmem>> -> memref<1x80x128xf32, #tpu.memory_space<vmem>>
    %dma_wait3A_688 = tpu.memref_squeeze %dma_wait3A_687 : memref<1x80x128xf32, #tpu.memory_space<vmem>> -> memref<80x128xf32, #tpu.memory_space<vmem>>
    %dma_wait3A_689 = arith.constant 0 : i32
    %dma_wait3A_690 = tpu.memref_slice %arg5[%add3A_554, %dma_wait3A_689] : memref<20480x128xf32, #tpu.memory_space<hbm>> -> memref<80x128xf32, #tpu.memory_space<hbm>>
    %dma_wait3A_691 = arith.constant 0 : i32
    %dma_wait3A_692 = tpu.memref_slice %arg5[%add3A_554, %dma_wait3A_691] : memref<20480x128xf32, #tpu.memory_space<hbm>> -> memref<80x128xf32, #tpu.memory_space<hbm>>
    %dma_wait3A_693 = arith.constant 0 : i32
    %dma_wait3A_694 = arith.constant 0 : i32
    %dma_wait3A_695 = tpu.memref_slice %arg8[%dma_wait3A_684, %dma_wait3A_693, %dma_wait3A_694] : memref<3x80x128xf32, #tpu.memory_space<vmem>> -> memref<1x80x128xf32, #tpu.memory_space<vmem>>
    %dma_wait3A_696 = tpu.memref_squeeze %dma_wait3A_695 : memref<1x80x128xf32, #tpu.memory_space<vmem>> -> memref<80x128xf32, #tpu.memory_space<vmem>>
    tpu.wait_dma2 semaphore(%arg20 : memref<!tpu.dma_semaphore, #tpu.memory_space<semaphore_mem>>) src(%dma_wait3A_696 : memref<80x128xf32, #tpu.memory_space<vmem>>) dst(%dma_wait3A_692 : memref<80x128xf32, #tpu.memory_space<hbm>>)
    %add3A_697 = arith.constant 400 : i32
    %add3A_698 = arith.addi %mul3A_2, %add3A_697 : i32
    %run_scoped3A_699 = arith.constant 1 : i32
    "tpu.region"() ({
      %run_scoped3A_803 = tpu.sem_alloc : memref<!tpu.dma_semaphore, #tpu.memory_space<semaphore_mem>>
      %dma_start3A_804 = arith.constant 0 : i32
      %dma_start3A_805 = arith.constant 0 : i32
      %dma_start3A_806 = tpu.memref_slice %arg8[%run_scoped3A_699, %dma_start3A_804, %dma_start3A_805] : memref<3x80x128xf32, #tpu.memory_space<vmem>> -> memref<1x80x128xf32, #tpu.memory_space<vmem>>
      %dma_start3A_807 = tpu.memref_squeeze %dma_start3A_806 : memref<1x80x128xf32, #tpu.memory_space<vmem>> -> memref<80x128xf32, #tpu.memory_space<vmem>>
      %dma_start3A_808 = arith.constant 0 : i32
      %dma_start3A_809 = tpu.memref_slice %arg11[%add3A_698, %dma_start3A_808] : memref<10240x128xf32, #tpu.memory_space<vmem_shared>> -> memref<80x128xf32, #tpu.memory_space<vmem_shared>>
      %dma_start3A_810 = arith.constant 0 : i32
      %dma_start3A_811 = arith.constant 0 : i32
      %dma_start3A_812 = tpu.memref_slice %arg8[%run_scoped3A_699, %dma_start3A_810, %dma_start3A_811] : memref<3x80x128xf32, #tpu.memory_space<vmem>> -> memref<1x80x128xf32, #tpu.memory_space<vmem>>
      %dma_start3A_813 = tpu.memref_squeeze %dma_start3A_812 : memref<1x80x128xf32, #tpu.memory_space<vmem>> -> memref<80x128xf32, #tpu.memory_space<vmem>>
      %dma_start3A_814 = arith.constant 0 : i32
      %dma_start3A_815 = tpu.memref_slice %arg11[%add3A_698, %dma_start3A_814] : memref<10240x128xf32, #tpu.memory_space<vmem_shared>> -> memref<80x128xf32, #tpu.memory_space<vmem_shared>>
      tpu.enqueue_dma source(%dma_start3A_815 : memref<80x128xf32, #tpu.memory_space<vmem_shared>>) target(%dma_start3A_813 : memref<80x128xf32, #tpu.memory_space<vmem>>) target_semaphore(%run_scoped3A_803 : memref<!tpu.dma_semaphore, #tpu.memory_space<semaphore_mem>>)
      %dma_wait3A_816 = arith.constant 0 : i32
      %dma_wait3A_817 = arith.constant 0 : i32
      %dma_wait3A_818 = tpu.memref_slice %arg8[%run_scoped3A_699, %dma_wait3A_816, %dma_wait3A_817] : memref<3x80x128xf32, #tpu.memory_space<vmem>> -> memref<1x80x128xf32, #tpu.memory_space<vmem>>
      %dma_wait3A_819 = tpu.memref_squeeze %dma_wait3A_818 : memref<1x80x128xf32, #tpu.memory_space<vmem>> -> memref<80x128xf32, #tpu.memory_space<vmem>>
      %dma_wait3A_820 = arith.constant 0 : i32
      %dma_wait3A_821 = tpu.memref_slice %arg11[%add3A_698, %dma_wait3A_820] : memref<10240x128xf32, #tpu.memory_space<vmem_shared>> -> memref<80x128xf32, #tpu.memory_space<vmem_shared>>
      %dma_wait3A_822 = arith.constant 0 : i32
      %dma_wait3A_823 = arith.constant 0 : i32
      %dma_wait3A_824 = tpu.memref_slice %arg8[%run_scoped3A_699, %dma_wait3A_822, %dma_wait3A_823] : memref<3x80x128xf32, #tpu.memory_space<vmem>> -> memref<1x80x128xf32, #tpu.memory_space<vmem>>
      %dma_wait3A_825 = tpu.memref_squeeze %dma_wait3A_824 : memref<1x80x128xf32, #tpu.memory_space<vmem>> -> memref<80x128xf32, #tpu.memory_space<vmem>>
      %dma_wait3A_826 = arith.constant 0 : i32
      %dma_wait3A_827 = tpu.memref_slice %arg11[%add3A_698, %dma_wait3A_826] : memref<10240x128xf32, #tpu.memory_space<vmem_shared>> -> memref<80x128xf32, #tpu.memory_space<vmem_shared>>
      tpu.wait_dma2 semaphore(%run_scoped3A_803 : memref<!tpu.dma_semaphore, #tpu.memory_space<semaphore_mem>>) src(%dma_wait3A_827 : memref<80x128xf32, #tpu.memory_space<vmem_shared>>) dst(%dma_wait3A_825 : memref<80x128xf32, #tpu.memory_space<vmem>>)
      tpu.yield
    }) : () -> ()
    %add3A_700 = arith.constant 400 : i32
    %add3A_701 = arith.addi %add3A_554, %add3A_700 : i32
    %dma_start3A_702 = arith.constant 1 : i32
    %dma_start3A_703 = arith.constant 0 : i32
    %dma_start3A_704 = arith.constant 0 : i32
    %dma_start3A_705 = tpu.memref_slice %arg8[%dma_start3A_702, %dma_start3A_703, %dma_start3A_704] : memref<3x80x128xf32, #tpu.memory_space<vmem>> -> memref<1x80x128xf32, #tpu.memory_space<vmem>>
    %dma_start3A_706 = tpu.memref_squeeze %dma_start3A_705 : memref<1x80x128xf32, #tpu.memory_space<vmem>> -> memref<80x128xf32, #tpu.memory_space<vmem>>
    %dma_start3A_707 = arith.constant 0 : i32
    %dma_start3A_708 = tpu.memref_slice %arg5[%add3A_701, %dma_start3A_707] : memref<20480x128xf32, #tpu.memory_space<hbm>> -> memref<80x128xf32, #tpu.memory_space<hbm>>
    %dma_start3A_709 = arith.constant 0 : i32
    %dma_start3A_710 = tpu.memref_slice %arg5[%add3A_701, %dma_start3A_709] : memref<20480x128xf32, #tpu.memory_space<hbm>> -> memref<80x128xf32, #tpu.memory_space<hbm>>
    %dma_start3A_711 = arith.constant 0 : i32
    %dma_start3A_712 = arith.constant 0 : i32
    %dma_start3A_713 = tpu.memref_slice %arg8[%dma_start3A_702, %dma_start3A_711, %dma_start3A_712] : memref<3x80x128xf32, #tpu.memory_space<vmem>> -> memref<1x80x128xf32, #tpu.memory_space<vmem>>
    %dma_start3A_714 = tpu.memref_squeeze %dma_start3A_713 : memref<1x80x128xf32, #tpu.memory_space<vmem>> -> memref<80x128xf32, #tpu.memory_space<vmem>>
    tpu.enqueue_dma source(%dma_start3A_714 : memref<80x128xf32, #tpu.memory_space<vmem>>) target(%dma_start3A_710 : memref<80x128xf32, #tpu.memory_space<hbm>>) target_semaphore(%arg20 : memref<!tpu.dma_semaphore, #tpu.memory_space<semaphore_mem>>)
    %dma_wait3A_715 = arith.constant 0 : i32
    %dma_wait3A_716 = arith.constant 0 : i32
    %dma_wait3A_717 = arith.constant 0 : i32
    %dma_wait3A_718 = tpu.memref_slice %arg8[%dma_wait3A_715, %dma_wait3A_716, %dma_wait3A_717] : memref<3x80x128xf32, #tpu.memory_space<vmem>> -> memref<1x80x128xf32, #tpu.memory_space<vmem>>
    %dma_wait3A_719 = tpu.memref_squeeze %dma_wait3A_718 : memref<1x80x128xf32, #tpu.memory_space<vmem>> -> memref<80x128xf32, #tpu.memory_space<vmem>>
    %dma_wait3A_720 = arith.constant 0 : i32
    %dma_wait3A_721 = tpu.memref_slice %arg5[%add3A_554, %dma_wait3A_720] : memref<20480x128xf32, #tpu.memory_space<hbm>> -> memref<80x128xf32, #tpu.memory_space<hbm>>
    %dma_wait3A_722 = arith.constant 0 : i32
    %dma_wait3A_723 = tpu.memref_slice %arg5[%add3A_554, %dma_wait3A_722] : memref<20480x128xf32, #tpu.memory_space<hbm>> -> memref<80x128xf32, #tpu.memory_space<hbm>>
    %dma_wait3A_724 = arith.constant 0 : i32
    %dma_wait3A_725 = arith.constant 0 : i32
    %dma_wait3A_726 = tpu.memref_slice %arg8[%dma_wait3A_715, %dma_wait3A_724, %dma_wait3A_725] : memref<3x80x128xf32, #tpu.memory_space<vmem>> -> memref<1x80x128xf32, #tpu.memory_space<vmem>>
    %dma_wait3A_727 = tpu.memref_squeeze %dma_wait3A_726 : memref<1x80x128xf32, #tpu.memory_space<vmem>> -> memref<80x128xf32, #tpu.memory_space<vmem>>
    tpu.wait_dma2 semaphore(%arg19 : memref<!tpu.dma_semaphore, #tpu.memory_space<semaphore_mem>>) src(%dma_wait3A_727 : memref<80x128xf32, #tpu.memory_space<vmem>>) dst(%dma_wait3A_723 : memref<80x128xf32, #tpu.memory_space<hbm>>)
    %add3A_728 = arith.constant 480 : i32
    %add3A_729 = arith.addi %mul3A_2, %add3A_728 : i32
    %run_scoped3A_730 = arith.constant 0 : i32
    "tpu.region"() ({
      %run_scoped3A_803 = tpu.sem_alloc : memref<!tpu.dma_semaphore, #tpu.memory_space<semaphore_mem>>
      %dma_start3A_804 = arith.constant 0 : i32
      %dma_start3A_805 = arith.constant 0 : i32
      %dma_start3A_806 = tpu.memref_slice %arg8[%run_scoped3A_730, %dma_start3A_804, %dma_start3A_805] : memref<3x80x128xf32, #tpu.memory_space<vmem>> -> memref<1x80x128xf32, #tpu.memory_space<vmem>>
      %dma_start3A_807 = tpu.memref_squeeze %dma_start3A_806 : memref<1x80x128xf32, #tpu.memory_space<vmem>> -> memref<80x128xf32, #tpu.memory_space<vmem>>
      %dma_start3A_808 = arith.constant 0 : i32
      %dma_start3A_809 = tpu.memref_slice %arg11[%add3A_729, %dma_start3A_808] : memref<10240x128xf32, #tpu.memory_space<vmem_shared>> -> memref<80x128xf32, #tpu.memory_space<vmem_shared>>
      %dma_start3A_810 = arith.constant 0 : i32
      %dma_start3A_811 = arith.constant 0 : i32
      %dma_start3A_812 = tpu.memref_slice %arg8[%run_scoped3A_730, %dma_start3A_810, %dma_start3A_811] : memref<3x80x128xf32, #tpu.memory_space<vmem>> -> memref<1x80x128xf32, #tpu.memory_space<vmem>>
      %dma_start3A_813 = tpu.memref_squeeze %dma_start3A_812 : memref<1x80x128xf32, #tpu.memory_space<vmem>> -> memref<80x128xf32, #tpu.memory_space<vmem>>
      %dma_start3A_814 = arith.constant 0 : i32
      %dma_start3A_815 = tpu.memref_slice %arg11[%add3A_729, %dma_start3A_814] : memref<10240x128xf32, #tpu.memory_space<vmem_shared>> -> memref<80x128xf32, #tpu.memory_space<vmem_shared>>
      tpu.enqueue_dma source(%dma_start3A_815 : memref<80x128xf32, #tpu.memory_space<vmem_shared>>) target(%dma_start3A_813 : memref<80x128xf32, #tpu.memory_space<vmem>>) target_semaphore(%run_scoped3A_803 : memref<!tpu.dma_semaphore, #tpu.memory_space<semaphore_mem>>)
      %dma_wait3A_816 = arith.constant 0 : i32
      %dma_wait3A_817 = arith.constant 0 : i32
      %dma_wait3A_818 = tpu.memref_slice %arg8[%run_scoped3A_730, %dma_wait3A_816, %dma_wait3A_817] : memref<3x80x128xf32, #tpu.memory_space<vmem>> -> memref<1x80x128xf32, #tpu.memory_space<vmem>>
      %dma_wait3A_819 = tpu.memref_squeeze %dma_wait3A_818 : memref<1x80x128xf32, #tpu.memory_space<vmem>> -> memref<80x128xf32, #tpu.memory_space<vmem>>
      %dma_wait3A_820 = arith.constant 0 : i32
      %dma_wait3A_821 = tpu.memref_slice %arg11[%add3A_729, %dma_wait3A_820] : memref<10240x128xf32, #tpu.memory_space<vmem_shared>> -> memref<80x128xf32, #tpu.memory_space<vmem_shared>>
      %dma_wait3A_822 = arith.constant 0 : i32
      %dma_wait3A_823 = arith.constant 0 : i32
      %dma_wait3A_824 = tpu.memref_slice %arg8[%run_scoped3A_730, %dma_wait3A_822, %dma_wait3A_823] : memref<3x80x128xf32, #tpu.memory_space<vmem>> -> memref<1x80x128xf32, #tpu.memory_space<vmem>>
      %dma_wait3A_825 = tpu.memref_squeeze %dma_wait3A_824 : memref<1x80x128xf32, #tpu.memory_space<vmem>> -> memref<80x128xf32, #tpu.memory_space<vmem>>
      %dma_wait3A_826 = arith.constant 0 : i32
      %dma_wait3A_827 = tpu.memref_slice %arg11[%add3A_729, %dma_wait3A_826] : memref<10240x128xf32, #tpu.memory_space<vmem_shared>> -> memref<80x128xf32, #tpu.memory_space<vmem_shared>>
      tpu.wait_dma2 semaphore(%run_scoped3A_803 : memref<!tpu.dma_semaphore, #tpu.memory_space<semaphore_mem>>) src(%dma_wait3A_827 : memref<80x128xf32, #tpu.memory_space<vmem_shared>>) dst(%dma_wait3A_825 : memref<80x128xf32, #tpu.memory_space<vmem>>)
      tpu.yield
    }) : () -> ()
    %add3A_731 = arith.constant 480 : i32
    %add3A_732 = arith.addi %add3A_554, %add3A_731 : i32
    %dma_start3A_733 = arith.constant 0 : i32
    %dma_start3A_734 = arith.constant 0 : i32
    %dma_start3A_735 = arith.constant 0 : i32
    %dma_start3A_736 = tpu.memref_slice %arg8[%dma_start3A_733, %dma_start3A_734, %dma_start3A_735] : memref<3x80x128xf32, #tpu.memory_space<vmem>> -> memref<1x80x128xf32, #tpu.memory_space<vmem>>
    %dma_start3A_737 = tpu.memref_squeeze %dma_start3A_736 : memref<1x80x128xf32, #tpu.memory_space<vmem>> -> memref<80x128xf32, #tpu.memory_space<vmem>>
    %dma_start3A_738 = arith.constant 0 : i32
    %dma_start3A_739 = tpu.memref_slice %arg5[%add3A_732, %dma_start3A_738] : memref<20480x128xf32, #tpu.memory_space<hbm>> -> memref<80x128xf32, #tpu.memory_space<hbm>>
    %dma_start3A_740 = arith.constant 0 : i32
    %dma_start3A_741 = tpu.memref_slice %arg5[%add3A_732, %dma_start3A_740] : memref<20480x128xf32, #tpu.memory_space<hbm>> -> memref<80x128xf32, #tpu.memory_space<hbm>>
    %dma_start3A_742 = arith.constant 0 : i32
    %dma_start3A_743 = arith.constant 0 : i32
    %dma_start3A_744 = tpu.memref_slice %arg8[%dma_start3A_733, %dma_start3A_742, %dma_start3A_743] : memref<3x80x128xf32, #tpu.memory_space<vmem>> -> memref<1x80x128xf32, #tpu.memory_space<vmem>>
    %dma_start3A_745 = tpu.memref_squeeze %dma_start3A_744 : memref<1x80x128xf32, #tpu.memory_space<vmem>> -> memref<80x128xf32, #tpu.memory_space<vmem>>
    tpu.enqueue_dma source(%dma_start3A_745 : memref<80x128xf32, #tpu.memory_space<vmem>>) target(%dma_start3A_741 : memref<80x128xf32, #tpu.memory_space<hbm>>) target_semaphore(%arg19 : memref<!tpu.dma_semaphore, #tpu.memory_space<semaphore_mem>>)
    %dma_wait3A_746 = arith.constant 1 : i32
    %dma_wait3A_747 = arith.constant 0 : i32
    %dma_wait3A_748 = arith.constant 0 : i32
    %dma_wait3A_749 = tpu.memref_slice %arg8[%dma_wait3A_746, %dma_wait3A_747, %dma_wait3A_748] : memref<3x80x128xf32, #tpu.memory_space<vmem>> -> memref<1x80x128xf32, #tpu.memory_space<vmem>>
    %dma_wait3A_750 = tpu.memref_squeeze %dma_wait3A_749 : memref<1x80x128xf32, #tpu.memory_space<vmem>> -> memref<80x128xf32, #tpu.memory_space<vmem>>
    %dma_wait3A_751 = arith.constant 0 : i32
    %dma_wait3A_752 = tpu.memref_slice %arg5[%add3A_554, %dma_wait3A_751] : memref<20480x128xf32, #tpu.memory_space<hbm>> -> memref<80x128xf32, #tpu.memory_space<hbm>>
    %dma_wait3A_753 = arith.constant 0 : i32
    %dma_wait3A_754 = tpu.memref_slice %arg5[%add3A_554, %dma_wait3A_753] : memref<20480x128xf32, #tpu.memory_space<hbm>> -> memref<80x128xf32, #tpu.memory_space<hbm>>
    %dma_wait3A_755 = arith.constant 0 : i32
    %dma_wait3A_756 = arith.constant 0 : i32
    %dma_wait3A_757 = tpu.memref_slice %arg8[%dma_wait3A_746, %dma_wait3A_755, %dma_wait3A_756] : memref<3x80x128xf32, #tpu.memory_space<vmem>> -> memref<1x80x128xf32, #tpu.memory_space<vmem>>
    %dma_wait3A_758 = tpu.memref_squeeze %dma_wait3A_757 : memref<1x80x128xf32, #tpu.memory_space<vmem>> -> memref<80x128xf32, #tpu.memory_space<vmem>>
    tpu.wait_dma2 semaphore(%arg20 : memref<!tpu.dma_semaphore, #tpu.memory_space<semaphore_mem>>) src(%dma_wait3A_758 : memref<80x128xf32, #tpu.memory_space<vmem>>) dst(%dma_wait3A_754 : memref<80x128xf32, #tpu.memory_space<hbm>>)
    %add3A_759 = arith.constant 560 : i32
    %add3A_760 = arith.addi %mul3A_2, %add3A_759 : i32
    %run_scoped3A_761 = arith.constant 1 : i32
    "tpu.region"() ({
      %run_scoped3A_803 = tpu.sem_alloc : memref<!tpu.dma_semaphore, #tpu.memory_space<semaphore_mem>>
      %dma_start3A_804 = arith.constant 0 : i32
      %dma_start3A_805 = arith.constant 0 : i32
      %dma_start3A_806 = tpu.memref_slice %arg8[%run_scoped3A_761, %dma_start3A_804, %dma_start3A_805] : memref<3x80x128xf32, #tpu.memory_space<vmem>> -> memref<1x80x128xf32, #tpu.memory_space<vmem>>
      %dma_start3A_807 = tpu.memref_squeeze %dma_start3A_806 : memref<1x80x128xf32, #tpu.memory_space<vmem>> -> memref<80x128xf32, #tpu.memory_space<vmem>>
      %dma_start3A_808 = arith.constant 0 : i32
      %dma_start3A_809 = tpu.memref_slice %arg11[%add3A_760, %dma_start3A_808] : memref<10240x128xf32, #tpu.memory_space<vmem_shared>> -> memref<80x128xf32, #tpu.memory_space<vmem_shared>>
      %dma_start3A_810 = arith.constant 0 : i32
      %dma_start3A_811 = arith.constant 0 : i32
      %dma_start3A_812 = tpu.memref_slice %arg8[%run_scoped3A_761, %dma_start3A_810, %dma_start3A_811] : memref<3x80x128xf32, #tpu.memory_space<vmem>> -> memref<1x80x128xf32, #tpu.memory_space<vmem>>
      %dma_start3A_813 = tpu.memref_squeeze %dma_start3A_812 : memref<1x80x128xf32, #tpu.memory_space<vmem>> -> memref<80x128xf32, #tpu.memory_space<vmem>>
      %dma_start3A_814 = arith.constant 0 : i32
      %dma_start3A_815 = tpu.memref_slice %arg11[%add3A_760, %dma_start3A_814] : memref<10240x128xf32, #tpu.memory_space<vmem_shared>> -> memref<80x128xf32, #tpu.memory_space<vmem_shared>>
      tpu.enqueue_dma source(%dma_start3A_815 : memref<80x128xf32, #tpu.memory_space<vmem_shared>>) target(%dma_start3A_813 : memref<80x128xf32, #tpu.memory_space<vmem>>) target_semaphore(%run_scoped3A_803 : memref<!tpu.dma_semaphore, #tpu.memory_space<semaphore_mem>>)
      %dma_wait3A_816 = arith.constant 0 : i32
      %dma_wait3A_817 = arith.constant 0 : i32
      %dma_wait3A_818 = tpu.memref_slice %arg8[%run_scoped3A_761, %dma_wait3A_816, %dma_wait3A_817] : memref<3x80x128xf32, #tpu.memory_space<vmem>> -> memref<1x80x128xf32, #tpu.memory_space<vmem>>
      %dma_wait3A_819 = tpu.memref_squeeze %dma_wait3A_818 : memref<1x80x128xf32, #tpu.memory_space<vmem>> -> memref<80x128xf32, #tpu.memory_space<vmem>>
      %dma_wait3A_820 = arith.constant 0 : i32
      %dma_wait3A_821 = tpu.memref_slice %arg11[%add3A_760, %dma_wait3A_820] : memref<10240x128xf32, #tpu.memory_space<vmem_shared>> -> memref<80x128xf32, #tpu.memory_space<vmem_shared>>
      %dma_wait3A_822 = arith.constant 0 : i32
      %dma_wait3A_823 = arith.constant 0 : i32
      %dma_wait3A_824 = tpu.memref_slice %arg8[%run_scoped3A_761, %dma_wait3A_822, %dma_wait3A_823] : memref<3x80x128xf32, #tpu.memory_space<vmem>> -> memref<1x80x128xf32, #tpu.memory_space<vmem>>
      %dma_wait3A_825 = tpu.memref_squeeze %dma_wait3A_824 : memref<1x80x128xf32, #tpu.memory_space<vmem>> -> memref<80x128xf32, #tpu.memory_space<vmem>>
      %dma_wait3A_826 = arith.constant 0 : i32
      %dma_wait3A_827 = tpu.memref_slice %arg11[%add3A_760, %dma_wait3A_826] : memref<10240x128xf32, #tpu.memory_space<vmem_shared>> -> memref<80x128xf32, #tpu.memory_space<vmem_shared>>
      tpu.wait_dma2 semaphore(%run_scoped3A_803 : memref<!tpu.dma_semaphore, #tpu.memory_space<semaphore_mem>>) src(%dma_wait3A_827 : memref<80x128xf32, #tpu.memory_space<vmem_shared>>) dst(%dma_wait3A_825 : memref<80x128xf32, #tpu.memory_space<vmem>>)
      tpu.yield
    }) : () -> ()
    %add3A_762 = arith.constant 560 : i32
    %add3A_763 = arith.addi %add3A_554, %add3A_762 : i32
    %dma_start3A_764 = arith.constant 1 : i32
    %dma_start3A_765 = arith.constant 0 : i32
    %dma_start3A_766 = arith.constant 0 : i32
    %dma_start3A_767 = tpu.memref_slice %arg8[%dma_start3A_764, %dma_start3A_765, %dma_start3A_766] : memref<3x80x128xf32, #tpu.memory_space<vmem>> -> memref<1x80x128xf32, #tpu.memory_space<vmem>>
    %dma_start3A_768 = tpu.memref_squeeze %dma_start3A_767 : memref<1x80x128xf32, #tpu.memory_space<vmem>> -> memref<80x128xf32, #tpu.memory_space<vmem>>
    %dma_start3A_769 = arith.constant 0 : i32
    %dma_start3A_770 = tpu.memref_slice %arg5[%add3A_763, %dma_start3A_769] : memref<20480x128xf32, #tpu.memory_space<hbm>> -> memref<80x128xf32, #tpu.memory_space<hbm>>
    %dma_start3A_771 = arith.constant 0 : i32
    %dma_start3A_772 = tpu.memref_slice %arg5[%add3A_763, %dma_start3A_771] : memref<20480x128xf32, #tpu.memory_space<hbm>> -> memref<80x128xf32, #tpu.memory_space<hbm>>
    %dma_start3A_773 = arith.constant 0 : i32
    %dma_start3A_774 = arith.constant 0 : i32
    %dma_start3A_775 = tpu.memref_slice %arg8[%dma_start3A_764, %dma_start3A_773, %dma_start3A_774] : memref<3x80x128xf32, #tpu.memory_space<vmem>> -> memref<1x80x128xf32, #tpu.memory_space<vmem>>
    %dma_start3A_776 = tpu.memref_squeeze %dma_start3A_775 : memref<1x80x128xf32, #tpu.memory_space<vmem>> -> memref<80x128xf32, #tpu.memory_space<vmem>>
    tpu.enqueue_dma source(%dma_start3A_776 : memref<80x128xf32, #tpu.memory_space<vmem>>) target(%dma_start3A_772 : memref<80x128xf32, #tpu.memory_space<hbm>>) target_semaphore(%arg20 : memref<!tpu.dma_semaphore, #tpu.memory_space<semaphore_mem>>)
    "tpu.region"() ({
      %run_scoped3A_803 = tpu.sem_alloc : memref<!tpu.dma_semaphore, #tpu.memory_space<semaphore_mem>>
      %dma_start3A_804 = tpu.memref_slice %arg12[%mul3A_2] : memref<10240xf32, #tpu.memory_space<vmem_shared>> -> memref<640xf32, #tpu.memory_space<vmem_shared>>
      %dma_start3A_805 = tpu.memref_slice %arg12[%mul3A_2] : memref<10240xf32, #tpu.memory_space<vmem_shared>> -> memref<640xf32, #tpu.memory_space<vmem_shared>>
      tpu.enqueue_dma source(%dma_start3A_805 : memref<640xf32, #tpu.memory_space<vmem_shared>>) target(%arg10 : memref<640xf32, #tpu.memory_space<vmem>>) target_semaphore(%run_scoped3A_803 : memref<!tpu.dma_semaphore, #tpu.memory_space<semaphore_mem>>)
      %dma_wait3A_806 = tpu.memref_slice %arg12[%mul3A_2] : memref<10240xf32, #tpu.memory_space<vmem_shared>> -> memref<640xf32, #tpu.memory_space<vmem_shared>>
      %dma_wait3A_807 = tpu.memref_slice %arg12[%mul3A_2] : memref<10240xf32, #tpu.memory_space<vmem_shared>> -> memref<640xf32, #tpu.memory_space<vmem_shared>>
      tpu.wait_dma2 semaphore(%run_scoped3A_803 : memref<!tpu.dma_semaphore, #tpu.memory_space<semaphore_mem>>) src(%dma_wait3A_807 : memref<640xf32, #tpu.memory_space<vmem_shared>>) dst(%arg10 : memref<640xf32, #tpu.memory_space<vmem>>)
      tpu.yield
    }) : () -> ()
    "tpu.region"() ({
      %run_scoped3A_803 = tpu.sem_alloc : memref<!tpu.dma_semaphore, #tpu.memory_space<semaphore_mem>>
      %dma_start3A_804 = tpu.memref_slice %arg6[%add3A_554] : memref<20480xf32, #tpu.memory_space<hbm>> -> memref<640xf32, #tpu.memory_space<hbm>>
      %dma_start3A_805 = tpu.memref_slice %arg6[%add3A_554] : memref<20480xf32, #tpu.memory_space<hbm>> -> memref<640xf32, #tpu.memory_space<hbm>>
      tpu.enqueue_dma source(%arg10 : memref<640xf32, #tpu.memory_space<vmem>>) target(%dma_start3A_805 : memref<640xf32, #tpu.memory_space<hbm>>) target_semaphore(%run_scoped3A_803 : memref<!tpu.dma_semaphore, #tpu.memory_space<semaphore_mem>>)
      %dma_wait3A_806 = tpu.memref_slice %arg6[%add3A_554] : memref<20480xf32, #tpu.memory_space<hbm>> -> memref<640xf32, #tpu.memory_space<hbm>>
      %dma_wait3A_807 = tpu.memref_slice %arg6[%add3A_554] : memref<20480xf32, #tpu.memory_space<hbm>> -> memref<640xf32, #tpu.memory_space<hbm>>
      tpu.wait_dma2 semaphore(%run_scoped3A_803 : memref<!tpu.dma_semaphore, #tpu.memory_space<semaphore_mem>>) src(%arg10 : memref<640xf32, #tpu.memory_space<vmem>>) dst(%dma_wait3A_807 : memref<640xf32, #tpu.memory_space<hbm>>)
      tpu.yield
    }) : () -> ()
    %dma_wait3A_777 = arith.constant 0 : i32
    %dma_wait3A_778 = arith.constant 0 : i32
    %dma_wait3A_779 = arith.constant 0 : i32
    %dma_wait3A_780 = tpu.memref_slice %arg8[%dma_wait3A_777, %dma_wait3A_778, %dma_wait3A_779] : memref<3x80x128xf32, #tpu.memory_space<vmem>> -> memref<1x80x128xf32, #tpu.memory_space<vmem>>
    %dma_wait3A_781 = tpu.memref_squeeze %dma_wait3A_780 : memref<1x80x128xf32, #tpu.memory_space<vmem>> -> memref<80x128xf32, #tpu.memory_space<vmem>>
    %dma_wait3A_782 = arith.constant 0 : i32
    %dma_wait3A_783 = tpu.memref_slice %arg5[%add3A_554, %dma_wait3A_782] : memref<20480x128xf32, #tpu.memory_space<hbm>> -> memref<80x128xf32, #tpu.memory_space<hbm>>
    %dma_wait3A_784 = arith.constant 0 : i32
    %dma_wait3A_785 = tpu.memref_slice %arg5[%add3A_554, %dma_wait3A_784] : memref<20480x128xf32, #tpu.memory_space<hbm>> -> memref<80x128xf32, #tpu.memory_space<hbm>>
    %dma_wait3A_786 = arith.constant 0 : i32
    %dma_wait3A_787 = arith.constant 0 : i32
    %dma_wait3A_788 = tpu.memref_slice %arg8[%dma_wait3A_777, %dma_wait3A_786, %dma_wait3A_787] : memref<3x80x128xf32, #tpu.memory_space<vmem>> -> memref<1x80x128xf32, #tpu.memory_space<vmem>>
    %dma_wait3A_789 = tpu.memref_squeeze %dma_wait3A_788 : memref<1x80x128xf32, #tpu.memory_space<vmem>> -> memref<80x128xf32, #tpu.memory_space<vmem>>
    tpu.wait_dma2 semaphore(%arg19 : memref<!tpu.dma_semaphore, #tpu.memory_space<semaphore_mem>>) src(%dma_wait3A_789 : memref<80x128xf32, #tpu.memory_space<vmem>>) dst(%dma_wait3A_785 : memref<80x128xf32, #tpu.memory_space<hbm>>)
    %dma_wait3A_790 = arith.constant 1 : i32
    %dma_wait3A_791 = arith.constant 0 : i32
    %dma_wait3A_792 = arith.constant 0 : i32
    %dma_wait3A_793 = tpu.memref_slice %arg8[%dma_wait3A_790, %dma_wait3A_791, %dma_wait3A_792] : memref<3x80x128xf32, #tpu.memory_space<vmem>> -> memref<1x80x128xf32, #tpu.memory_space<vmem>>
    %dma_wait3A_794 = tpu.memref_squeeze %dma_wait3A_793 : memref<1x80x128xf32, #tpu.memory_space<vmem>> -> memref<80x128xf32, #tpu.memory_space<vmem>>
    %dma_wait3A_795 = arith.constant 0 : i32
    %dma_wait3A_796 = tpu.memref_slice %arg5[%add3A_554, %dma_wait3A_795] : memref<20480x128xf32, #tpu.memory_space<hbm>> -> memref<80x128xf32, #tpu.memory_space<hbm>>
    %dma_wait3A_797 = arith.constant 0 : i32
    %dma_wait3A_798 = tpu.memref_slice %arg5[%add3A_554, %dma_wait3A_797] : memref<20480x128xf32, #tpu.memory_space<hbm>> -> memref<80x128xf32, #tpu.memory_space<hbm>>
    %dma_wait3A_799 = arith.constant 0 : i32
    %dma_wait3A_800 = arith.constant 0 : i32
    %dma_wait3A_801 = tpu.memref_slice %arg8[%dma_wait3A_790, %dma_wait3A_799, %dma_wait3A_800] : memref<3x80x128xf32, #tpu.memory_space<vmem>> -> memref<1x80x128xf32, #tpu.memory_space<vmem>>
    %dma_wait3A_802 = tpu.memref_squeeze %dma_wait3A_801 : memref<1x80x128xf32, #tpu.memory_space<vmem>> -> memref<80x128xf32, #tpu.memory_space<vmem>>
    tpu.wait_dma2 semaphore(%arg20 : memref<!tpu.dma_semaphore, #tpu.memory_space<semaphore_mem>>) src(%dma_wait3A_802 : memref<80x128xf32, #tpu.memory_space<vmem>>) dst(%dma_wait3A_798 : memref<80x128xf32, #tpu.memory_space<hbm>>)
    return
  }
}

module attributes {stable_mosaic.version = 14 : i64} {
  func.func @_tc_mlp_body(%arg0: i32, %arg1: memref<2x1024x128xf32, #tpu.memory_space<vmem>>, %arg2: memref<2x1024xf32, #tpu.memory_space<vmem>>, %arg3: memref<128x128xf32, #tpu.memory_space<vmem>>, %arg4: memref<1x128xf32, #tpu.memory_space<vmem>>, %arg5: memref<128x64xf32, #tpu.memory_space<vmem>>, %arg6: memref<1x64xf32, #tpu.memory_space<vmem>>, %arg7: memref<64x128xf32, #tpu.memory_space<vmem>>, %arg8: memref<1x128xf32, #tpu.memory_space<vmem>>, %arg9: memref<1024x128xf32, #tpu.memory_space<vmem>>) attributes {dimension_semantics = [#tpu.dimension_semantics<arbitrary>], iteration_bounds = array<i64: 10>, scalar_prefetch = 0 : i64, scratch_operands = 0 : i64, tpu.core_type = #tpu.core_type<tc>, window_params = [{transform_indices = @transform_0, window_bounds = array<i64: 2, 1024, 128>}, {transform_indices = @transform_1, window_bounds = array<i64: 2, 1024>}, {pipeline_mode = #tpu.pipeline_mode<synchronous>, transform_indices = @transform_2, window_bounds = array<i64: 128, 128>}, {pipeline_mode = #tpu.pipeline_mode<synchronous>, transform_indices = @transform_3, window_bounds = array<i64: 1, 128>}, {pipeline_mode = #tpu.pipeline_mode<synchronous>, transform_indices = @transform_4, window_bounds = array<i64: 128, 64>}, {pipeline_mode = #tpu.pipeline_mode<synchronous>, transform_indices = @transform_5, window_bounds = array<i64: 1, 64>}, {pipeline_mode = #tpu.pipeline_mode<synchronous>, transform_indices = @transform_6, window_bounds = array<i64: 64, 128>}, {pipeline_mode = #tpu.pipeline_mode<synchronous>, transform_indices = @transform_7, window_bounds = array<i64: 1, 128>}, {transform_indices = @transform_8, window_bounds = array<i64: 1024, 128>}]} {
    %get3A = arith.constant 0 : index
    %get3A_0 = arith.constant 0 : index
    %get3A_1 = arith.constant 0 : index
    %get3A_2 = vector.load %arg1[%get3A, %get3A_0, %get3A_1] : memref<2x1024x128xf32, #tpu.memory_space<vmem>>, vector<1x1024x128xf32>
    %get3A_3 = vector.shape_cast %get3A_2 : vector<1x1024x128xf32> to vector<1024x128xf32>
    %get3A_4 = arith.constant 1 : index
    %get3A_5 = arith.constant 0 : index
    %get3A_6 = arith.constant 0 : index
    %get3A_7 = vector.load %arg1[%get3A_4, %get3A_5, %get3A_6] : memref<2x1024x128xf32, #tpu.memory_space<vmem>>, vector<1x1024x128xf32>
    %get3A_8 = vector.shape_cast %get3A_7 : vector<1x1024x128xf32> to vector<1024x128xf32>
    %add3A = arith.addf %get3A_3, %get3A_8 : vector<1024x128xf32>
    %broadcast_in_dim3A = arith.constant 1.000000e+00 : f32
    %broadcast_in_dim3A_9 = vector.broadcast %broadcast_in_dim3A : f32 to vector<2x1xf32>
    %get3A_10 = arith.constant 0 : index
    %get3A_11 = arith.constant 0 : index
    %get3A_12 = vector.load %arg2[%get3A_10, %get3A_11] : memref<2x1024xf32, #tpu.memory_space<vmem>>, vector<2x1024xf32>
    %dot_general3A = arith.constant dense<0.000000e+00> : vector<1024x1xf32>
    %dot_general3A_13 = tpu.matmul %get3A_12, %broadcast_in_dim3A_9, %dot_general3A {dimension_numbers = #tpu.dot_dimension_numbers<[0], [0], [1], [1], [0, 1, 1, 1], [], []>, transpose_lhs_hint = false} : vector<2x1024xf32>, vector<2x1xf32>, vector<1024x1xf32> -> vector<1024x1xf32>
    %max3A = arith.constant 1.000000e+00 : f32
    %max3A_14 = vector.broadcast %max3A : f32 to vector<1024x1xf32>
    %max3A_15 = arith.maximumf %dot_general3A_13, %max3A_14 : vector<1024x1xf32>
    %div3A = vector.broadcast %max3A_15 : vector<1024x1xf32> to vector<1024x128xf32>
    %div3A_16 = arith.divf %add3A, %div3A : vector<1024x128xf32>
    %get3A_17 = arith.constant 0 : index
    %get3A_18 = arith.constant 0 : index
    %get3A_19 = vector.load %arg3[%get3A_17, %get3A_18] : memref<128x128xf32, #tpu.memory_space<vmem>>, vector<128x128xf32>
    %dot_general3A_20 = arith.constant dense<0.000000e+00> : vector<1024x128xf32>
    %dot_general3A_21 = tpu.matmul %div3A_16, %get3A_19, %dot_general3A_20 {dimension_numbers = #tpu.dot_dimension_numbers<[1], [0], [0], [1], [0, 0, 1, 1], [], []>, transpose_lhs_hint = false} : vector<1024x128xf32>, vector<128x128xf32>, vector<1024x128xf32> -> vector<1024x128xf32>
    %get3A_22 = arith.constant 0 : index
    %get3A_23 = arith.constant 0 : index
    %get3A_24 = vector.load %arg4[%get3A_22, %get3A_23] : memref<1x128xf32, #tpu.memory_space<vmem>>, vector<1x128xf32>
    %add3A_25 = vector.broadcast %get3A_24 : vector<1x128xf32> to vector<1024x128xf32>
    %add3A_26 = arith.addf %dot_general3A_21, %add3A_25 : vector<1024x128xf32>
    %max3A_27 = arith.constant 0.000000e+00 : f32
    %max3A_28 = vector.broadcast %max3A_27 : f32 to vector<1024x128xf32>
    %max3A_29 = arith.maximumf %add3A_26, %max3A_28 : vector<1024x128xf32>
    %get3A_30 = arith.constant 0 : index
    %get3A_31 = arith.constant 0 : index
    %get3A_32 = vector.load %arg5[%get3A_30, %get3A_31] : memref<128x64xf32, #tpu.memory_space<vmem>>, vector<128x64xf32>
    %dot_general3A_33 = arith.constant dense<0.000000e+00> : vector<1024x64xf32>
    %dot_general3A_34 = tpu.matmul %max3A_29, %get3A_32, %dot_general3A_33 {dimension_numbers = #tpu.dot_dimension_numbers<[1], [0], [0], [1], [0, 0, 1, 1], [], []>, transpose_lhs_hint = false} : vector<1024x128xf32>, vector<128x64xf32>, vector<1024x64xf32> -> vector<1024x64xf32>
    %get3A_35 = arith.constant 0 : index
    %get3A_36 = arith.constant 0 : index
    %get3A_37 = vector.load %arg6[%get3A_35, %get3A_36] : memref<1x64xf32, #tpu.memory_space<vmem>>, vector<1x64xf32>
    %add3A_38 = vector.broadcast %get3A_37 : vector<1x64xf32> to vector<1024x64xf32>
    %add3A_39 = arith.addf %dot_general3A_34, %add3A_38 : vector<1024x64xf32>
    %max3A_40 = arith.constant 0.000000e+00 : f32
    %max3A_41 = vector.broadcast %max3A_40 : f32 to vector<1024x64xf32>
    %max3A_42 = arith.maximumf %add3A_39, %max3A_41 : vector<1024x64xf32>
    %get3A_43 = arith.constant 0 : index
    %get3A_44 = arith.constant 0 : index
    %get3A_45 = vector.load %arg7[%get3A_43, %get3A_44] : memref<64x128xf32, #tpu.memory_space<vmem>>, vector<64x128xf32>
    %dot_general3A_46 = arith.constant dense<0.000000e+00> : vector<1024x128xf32>
    %dot_general3A_47 = tpu.matmul %max3A_42, %get3A_45, %dot_general3A_46 {dimension_numbers = #tpu.dot_dimension_numbers<[1], [0], [0], [1], [0, 0, 1, 1], [], []>, transpose_lhs_hint = false} : vector<1024x64xf32>, vector<64x128xf32>, vector<1024x128xf32> -> vector<1024x128xf32>
    %get3A_48 = arith.constant 0 : index
    %get3A_49 = arith.constant 0 : index
    %get3A_50 = vector.load %arg8[%get3A_48, %get3A_49] : memref<1x128xf32, #tpu.memory_space<vmem>>, vector<1x128xf32>
    %add3A_51 = vector.broadcast %get3A_50 : vector<1x128xf32> to vector<1024x128xf32>
    %add3A_52 = arith.addf %dot_general3A_47, %add3A_51 : vector<1024x128xf32>
    %swap3A = arith.constant 0 : index
    %swap3A_53 = arith.constant 0 : index
    %swap3A_54 = vector.load %arg9[%swap3A, %swap3A_53] : memref<1024x128xf32, #tpu.memory_space<vmem>>, vector<1024x128xf32>
    tpu.vector_store %arg9[%swap3A, %swap3A_53], %add3A_52 {strides = array<i32>} : memref<1024x128xf32, #tpu.memory_space<vmem>>, vector<1024x128xf32>,
    return
  }
  func.func @transform_0(%arg0: i32) -> (i32, i32, i32) {
    %c0_i32 = arith.constant 0 : i32
    %c0_i32_0 = arith.constant 0 : i32
    %c0_i32_1 = arith.constant 0 : i32
    return %c0_i32, %arg0, %c0_i32_0 : i32, i32, i32
  }
  func.func @transform_1(%arg0: i32) -> (i32, i32) {
    %c0_i32 = arith.constant 0 : i32
    %c0_i32_0 = arith.constant 0 : i32
    return %c0_i32, %arg0 : i32, i32
  }
  func.func @transform_2(%arg0: i32) -> (i32, i32) {
    %c0_i32 = arith.constant 0 : i32
    %c0_i32_0 = arith.constant 0 : i32
    %c0_i32_1 = arith.constant 0 : i32
    return %c0_i32, %c0_i32_0 : i32, i32
  }
  func.func @transform_3(%arg0: i32) -> (i32, i32) {
    %c0_i32 = arith.constant 0 : i32
    %c0_i32_0 = arith.constant 0 : i32
    %c0_i32_1 = arith.constant 0 : i32
    return %c0_i32, %c0_i32_0 : i32, i32
  }
  func.func @transform_4(%arg0: i32) -> (i32, i32) {
    %c0_i32 = arith.constant 0 : i32
    %c0_i32_0 = arith.constant 0 : i32
    %c0_i32_1 = arith.constant 0 : i32
    return %c0_i32, %c0_i32_0 : i32, i32
  }
  func.func @transform_5(%arg0: i32) -> (i32, i32) {
    %c0_i32 = arith.constant 0 : i32
    %c0_i32_0 = arith.constant 0 : i32
    %c0_i32_1 = arith.constant 0 : i32
    return %c0_i32, %c0_i32_0 : i32, i32
  }
  func.func @transform_6(%arg0: i32) -> (i32, i32) {
    %c0_i32 = arith.constant 0 : i32
    %c0_i32_0 = arith.constant 0 : i32
    %c0_i32_1 = arith.constant 0 : i32
    return %c0_i32, %c0_i32_0 : i32, i32
  }
  func.func @transform_7(%arg0: i32) -> (i32, i32) {
    %c0_i32 = arith.constant 0 : i32
    %c0_i32_0 = arith.constant 0 : i32
    %c0_i32_1 = arith.constant 0 : i32
    return %c0_i32, %c0_i32_0 : i32, i32
  }
  func.func @transform_8(%arg0: i32) -> (i32, i32) {
    %c0_i32 = arith.constant 0 : i32
    %c0_i32_0 = arith.constant 0 : i32
    return %arg0, %c0_i32 : i32, i32
  }
}

</mosaic_0001>

<sc_bundles>
// kernel: kernel.4.cloned.1.call-start
scs
__scs_entry_jumppad:
0x0: {  	(pc) =	sbr.rel $0x88, $3  }
0x1: {  	(tag) =	ssettag $0x0;
	lr =	simm.s32 $0x1  }
0x2: {  	[smem:$0x3F99] =	sst lr;
	_ =	strace $0xD0000000  }
0x3: {  	_ = 	snop  }
0x4: {  	_ = 	snop  }
0x5: {  	_ = 	snop  }
0x6: {  	_ = 	snop  }
0x7: {  	_ = 	snop  }
__scs_overlays_trampoline_lowered:
0x8: {  	[smem:$0x3FA8] =	sst s0  }
0x9: {  	[smem:$0x3FA9] =	sst s1  }
0xa: {  	[smem:$0x3FAA] =	sst s2  }
0xb: {  	[smem:$0x3FAB] =	sst s3  }
0xc: {  	[smem:$0x3FAC] =	sst s4  }
0xd: {  	[smem:$0x3FAD] =	sst s5  }
0xe: {  	[smem:$0x3FAE] =	sst s6  }
0xf: {  	[smem:$0x3FAF] =	sst s7  }
0x10: {  	[smem:$0x3FB0] =	sst s8  }
0x11: {  	[smem:$0x3FB1] =	sst s9;
	s0 =	simm.s32 @!p0 $0x0  }
0x12: {  	s1 =	sld [smem:$0x3F97];
	s0 =	simm.s32 @p0 $0x1  }
0x13: {  	[smem:$0x3FB2] =	sst s0;
	s0 =	simm.s32 @!p1 $0x0  }
0x14: {  	s2 =	sld [smem:$0x3F96];
	s0 =	simm.s32 @p1 $0x1  }
0x15: {  	[smem:$0x3FB3] =	sst s0;
	s0 =	simm.s32 @!p2 $0x0  }
0x16: {  	s3 =	sld [smem:$0x3FDB];
	s0 =	simm.s32 @p2 $0x1  }
0x17: {  	s4 =	simm.s32 $0x1BF5;
	[smem:$0x3FB5] =	sst s0  }
0x18: {  	s0 =	sld [smem:$0x3F98];
	_ =	swait.ge [sflag:s4], $0x0  }
0x19: {  	s7 =	sld [smem:$0x3F99]  }
0x1a: {  	s8 =	sadd.s32 $0xFFFFE003, lr  }
0x1b: {  	s9 =	sadd.s32 $0xFFFFFEF7, lr;
	s5 =	simm.s32 $0xFFFFFFFF;
	p2 =	slt.u32 s8, $0xFFFFF086  }
0x1c: {  	p1 =	slt.u32 s9, $0xF7A;
	s5 =	simm.s32 @!p2 $0x0  }
0x1d: {  	s5 =	simm.s32 @p1 $0x1;
	p0 =	seq.s32 s7, s2  }
0x1e: {  	s7 =	smul.u32 @!p0 $0xF7A, s2;
	p2 =	seq.s32 @!p0 s5, $0x0  }
0x1f: {  	s9 =	smul.u32 $0xF7A, s1;
	s8 =	simm.s32 @!p0 $0x1BF5;
	p2 =	por !p2, p0  }
0x20: {  	[sflag:s8] =	ssyncset.s32 @!p0 $0xFFFFF086;
	s6 =	sadd.s32 @!p0 s3, s7;
	s7 =	simm.s32 @!p0 $0x108  }
0x21: {  	s3 =	sadd.s32 s3, s9;
	s6 =	sadd.s32 @!p0 $0x88, s6;
	s7 =	simm.s32 @p2 $0x1082  }
0x22: {  	[simem:s7], [sflag:s8] =	dma.local @!p0 [hbm:s6], $0xF7A  }
0x23: {  	s9 =	sor.u32 $0xD0000000, s2;
	s6 =	simm.s32 $0x108;
	_ =	swait.ge @!p0 [sflag:s8], $0x0  }
0x24: {  	s3 =	sadd.s32 $0x88, s3;
	s6 =	simm.s32 @!p1 $0x1082;
	[sflag:s4] =	ssyncset.s32 $0xFFFFF086  }
0x25: {  	[simem:s6], [sflag:s4] =	dma.local [hbm:s3], $0xF7A  }
0x26: {  	[smem:$0x3F99] =	sst s1;
	(tag) =	ssettag s2;
	_ =	strace s9  }
0x27: {  	s1 =	sld [smem:$0x3FA9]  }
0x28: {  	s2 =	sld [smem:$0x3FAA]  }
0x29: {  	s4 =	sld [smem:$0x3FAC]  }
0x2a: {  	p0 =	seq.s32 s5, $0x0;
	s5 =	sld [smem:$0x3FAD]  }
0x2b: {  	s6 =	sld [smem:$0x3FAE]  }
0x2c: {  	s7 =	sld [smem:$0x3FAF]  }
0x2d: {  	s3 =	simm.s32 $0x108;
	s8 =	sld [smem:$0x3FB0]  }
0x2e: {  	s3 =	simm.s32 @!p0 $0x1082;
	s9 =	sld [smem:$0x3FB1]  }
0x2f: {  	lr =	sadd.s32 s0, s3;
	s0 =	sld [smem:$0x3FA8]  }
0x30: {  	s3 =	sld [smem:$0x3FAB]  }
0x31: {  	[smem:$0x3FB4] =	sst s10  }
0x32: {  	s10 =	sld [smem:$0x3FB2];
	_ =	sdelay $0x3  }
0x33: {  	p0 =	seq.s32 s10, $0x1;
	s10 =	sld [smem:$0x3FB4];
	_ =	sdelay $0x3  }
0x34: {  	[smem:$0x3FB4] =	sst s10  }
0x35: {  	s10 =	sld [smem:$0x3FB3];
	_ =	sdelay $0x3  }
0x36: {  	p1 =	seq.s32 s10, $0x1;
	s10 =	sld [smem:$0x3FB4];
	_ =	sdelay $0x3  }
0x37: {  	[smem:$0x3FB4] =	sst s10  }
0x38: {  	s10 =	sld [smem:$0x3FB5]  }
0x39: {  	_ = 	snop;
	(pc) =	sbr.ind lr, $3  }
0x3a: {  	_ = 	snop  }
0x3b: {  	_ = 	snop  }
0x3c: {  	p2 =	seq.s32 s10, $0x1;
	s10 =	sld [smem:$0x3FB4]  }
0x3d: {  	_ =	shalt  }
0x3e: {  	_ =	shalt  }
0x3f: {  	_ =	shalt  }
0x40: {  	_ =	shalt  }
0x41: {  	_ =	shalt  }
0x42: {  	_ =	shalt  }
0x43: {  	_ =	shalt  }
0x44: {  	_ =	shalt  }
0x45: {  	_ =	shalt  }
0x46: {  	_ =	shalt  }
0x47: {  	_ =	shalt  }
0x48: {  	_ =	shalt  }
0x49: {  	_ =	shalt  }
0x4a: {  	_ =	shalt  }
0x4b: {  	_ =	shalt  }
0x4c: {  	_ =	shalt  }
0x4d: {  	_ =	shalt  }
0x4e: {  	_ =	shalt  }
0x4f: {  	_ =	shalt  }
0x50: {  	_ =	shalt  }
0x51: {  	_ =	shalt  }
0x52: {  	_ =	shalt  }
0x53: {  	_ =	shalt  }
0x54: {  	_ =	shalt  }
0x55: {  	_ =	shalt  }
0x56: {  	_ =	shalt  }
0x57: {  	_ =	shalt  }
0x58: {  	_ =	shalt  }
0x59: {  	_ =	shalt  }
0x5a: {  	_ =	shalt  }
0x5b: {  	_ =	shalt  }
0x5c: {  	_ =	shalt  }
0x5d: {  	_ =	shalt  }
0x5e: {  	_ =	shalt  }
0x5f: {  	_ =	shalt  }
0x60: {  	_ =	shalt  }
0x61: {  	_ =	shalt  }
0x62: {  	_ =	shalt  }
0x63: {  	_ =	shalt  }
0x64: {  	_ =	shalt  }
0x65: {  	_ =	shalt  }
0x66: {  	_ =	shalt  }
0x67: {  	_ =	shalt  }
0x68: {  	_ =	shalt  }
0x69: {  	_ =	shalt  }
0x6a: {  	_ =	shalt  }
0x6b: {  	_ =	shalt  }
0x6c: {  	_ =	shalt  }
0x6d: {  	_ =	shalt  }
0x6e: {  	_ =	shalt  }
0x6f: {  	_ =	shalt  }
0x70: {  	_ =	shalt  }
0x71: {  	_ =	shalt  }
0x72: {  	_ =	shalt  }
0x73: {  	_ =	shalt  }
0x74: {  	_ =	shalt  }
0x75: {  	_ =	shalt  }
0x76: {  	_ =	shalt  }
0x77: {  	_ =	shalt  }
0x78: {  	_ =	shalt  }
0x79: {  	_ =	shalt  }
0x7a: {  	_ =	shalt  }
0x7b: {  	_ =	shalt  }
0x7c: {  	_ =	shalt  }
0x7d: {  	_ =	shalt  }
0x7e: {  	_ =	shalt  }
0x7f: {  	_ =	shalt  }
0x80: {  	_ =	shalt  }
0x81: {  	_ =	shalt  }
0x82: {  	_ =	shalt  }
0x83: {  	_ =	shalt  }
0x84: {  	_ =	shalt  }
0x85: {  	_ =	shalt  }
0x86: {  	_ =	shalt  }
0x87: {  	_ =	shalt  }
.Lfunc_end0:
.L_simem_size_0:
called_computation_lowered:
.L_overlay_start_0:
0x88: {  	s2 =	sld [smem:$0x3FD9]  }
0x89: {  	s3 =	sld [smem:$0x3FFE];
	_ =	sdelay $0x1  }
0x8a: {  	s1 =	srdreg.scid  }
0x8b: {  	s0 =	sand.u32 $0x1, s1  }
0x8c: {  	s17 =	sshll.u32 s0, $0xA;
	s2 =	sadd.s32 s3, s2  }
0x8d: {  	s2 =	sadd.s32 s2, s17  }
0x8e: {  	[smem:$0x3FC0] =	sst s2  }
0x8f: {  	_ = 	snop  }
0x90: {  	s2 =	sld [smem:$0x3FC9]  }
0x91: {  	s18 =	sld [smem:$0x3FC8]  }
0x92: {  	s4 =	sld [smem:$0x3FD0];
	(tm) =	ssettm $0x1  }
0x93: {  	s5 =	sld [smem:$0x3FFB];
	_ =	sdelay $0x3  }
0x94: {  	_ =	strace s5  }
0x95: {  	s5 =	sld [smem:$0x3FFC];
	_ =	sdelay $0x3  }
0x96: {  	_ =	strace s5  }
0x97: {  	s5 =	sld [smem:$0x3FFD];
	_ =	sdelay $0x3  }
0x98: {  	_ =	strace s5  }
0x99: {  	_ =	strace $0x8FFFFFFF  }
0x9a: {  	s19 =	sld [smem:$0x3FDB];
	_ =	sdelay $0x1  }
0x9b: {  	s6 =	simm.s32 $_scs_section_size  }
0x9c: {  	s7 =	simm.s32 $_size__tile_overlayer_lowered;
	s8 =	simm.s32 $_tile_overlayer_lowered  }
0x9d: {  	s22 =	simm.s32 $0x1BFF;
	s21 =	sshll.u32 s8, $0x1;
	s5 =	sadd.s32 s6, s19  }
0x9e: {  	s9 =	simm.s32 $0x0;
	s20 =	sshll.u32 s7, $0x1;
	s7 =	sadd.s32 s21, s5  }
0x9f: {  	[timem:s9], [sflag:s22] =	dma.local [hbm:s7], s20  }
0xa0: {  	_ =	swait.ge [sflag:s22], s20  }
0xa1: {  	s6 =	ssub.s32 $0x0, s20;
	[sflag:s22] =	ssyncset.done $0x0  }
0xa2: {  	[sflag:s22] =	ssyncadd.s32 s6;
	_ =	sdelay $0x1  }
0xa3: {  	s23 =	simm.s32 $0x1B8B  }
0xa4: {  	_ =	swait.ge [sflag:s23], $0x1  }
0xa5: {  	[sflag:s23] =	ssyncset.done $0x0  }
0xa6: {  	s25 =	simm.s32 $0x1B8E;
	s24 =	sld [smem:$0x3FFE];
	[sflag:s23] =	ssyncadd.s32 $0xFFFFFFFF  }
0xa7: {  	s26 =	simm.s32 $execute0_lowered;
	[smem:$0x3FD2] =	sst s25  }
0xa8: {  	s7 =	sshll.u32 s26, $0x1;
	_ =	strace $0x80000046;
	[dreg:$0x1] =	wrdreg $0xFFFFFFFF  }
0xa9: {  	s28 =	simm.s32 $_size_execute0_lowered;
	s5 =	sadd.s32 s5, s7;
	[dreg:$0x0] =	wrdreg $0x0  }
0xaa: {  	s7 =	sshll.u32 s28, $0x1;
	[dreg:$0x2] =	wrdreg s5  }
0xab: {  	[dreg:$0x3] =	wrdreg s7  }
0xac: {  	[dreg:$0x4] =	wrdreg $0xC0  }
0xad: {  	_ =	task [dreg:s9], $0x5FFFF  }
0xae: {  	[dreg:$0x1] =	wrdreg $0xFFFFFFFF  }
0xaf: {  	[dreg:$0x0] =	wrdreg $0x60  }
0xb0: {  	[dreg:$0x2] =	wrdreg s2  }
0xb1: {  	[dreg:$0x3] =	wrdreg s18  }
0xb2: {  	[dreg:$0x4] =	wrdreg s24  }
0xb3: {  	[dreg:$0x5] =	wrdreg s4  }
0xb4: {  	[dreg:$0x6] =	wrdreg $0x7D000  }
0xb5: {  	[dreg:$0x7] =	wrdreg $0x1BD000  }
0xb6: {  	[dreg:$0x8] =	wrdreg $0x9  }
0xb7: {  	_ =	task.clear_ibuf [dreg:s9], $0x9FFFF;
	_ =	strace $0x90000046  }
0xb8: {  	s29 =	simm.s32 $0x9;
	_ =	strace $0x80000048  }
0xb9: {  	_ =	swait.ge [sflag:s29], $0x1  }
0xba: {  	[sflag:s29] =	ssyncadd.s32 $0xFFFFFFFF  }
0xbb: {  	_ =	strace $0x90000048  }
0xbc: {  	_ =	sfence  }
0xbd: {  	s30 =	sld [smem:$0x0];
	_ =	sdelay $0x2  }
0xbe: {  	s31 =	sshll.u32 s1, $0xD;
	s1 =	sshrl.u32 s1, $0x2  }
0xbf: {  	s3 =	sand.u32 $0x4000, s31;
	s1 =	sadd.s32 s1, s30  }
0xc0: {  	s0 =	sor.u32 s3, s0;
	s1 =	sshll.u32 s1, $0x11  }
0xc1: {  	s0 =	sor.u32 s1, s0  }
0xc2: {  	s0 =	sadd.s32 $0x8F2B, s0  }
0xc3: {  	[sflag:s0] =	ssyncadd.remote.s32 $0x1  }
0xc4: {  	_ =	sfence.sel $0xFFFF  }
0xc5: {  	[dreg:$0x0] =	wrdreg $0xFFFFFFFF;
	(pc) =	sbr.abs _section_cstart, $3  }
0xc6: {  	[dreg:$0x1] =	wrdreg $0xFFFFFFFF  }
0xc7: {  	_ =	task.clear_ibuf [dreg:s9], $0x2FFFF;
	_ =	strace $0x9FFFFFFF  }
0xc8: {  	(tm) =	ssettm $0x7FFFFFFF  }
0xc9: {  	_ =	shalt  }
tec
execute0_lowered:
.L_overlay_start_1:
0x0: {  	(tag) =	ssettag $0x1  }
0x1: {  	s0 =	rddreg [dreg:$0x0]  }
0x2: {  	s1 =	rddreg [dreg:$0x1]  }
0x3: {  	s2 =	rddreg [dreg:$0x2]  }
0x4: {  	s6 =	rddreg [dreg:$0x3]  }
0x5: {  	s3 =	rddreg [dreg:$0x4];
	s16 =	stileid.u32  }
0x6: {  	s4 =	rddreg [dreg:$0x5];
	s8 =	smul.u32 $0x280, s16  }
0x7: {  	s7 =	srdreg.scid;
	s26 =	smul.u32 $0x50000, s16  }
0x8: {  	s5 =	simm.s32 $0x0;
	s9 =	sand.u32 $0x1, s7;
	s22 =	smul.u32 $0x2710, s16  }
0x9: {  	[smem:$0x7FF] =	sst s5;
	s10 =	sadd.s32 $0x1600, s2;
	s7 =	smul.u32 $0x2800, s9  }
0xa: {  	_ =	strace $0x80000047;
	[dreg:$0x7] =	wrdreg s10;
	s19 =	smul.u32 $0x271000, s9  }
0xb: {  	s25 =	sshll.u32 s9, $0x4;
	s11 =	ssub.s32 $0x2, s9;
	s9 =	smul.u32 $0x27100, s9  }
0xc: {  	s12 =	sor.u32 s16, s25;
	s14 =	sshrl.u32 s11, $0x1;
	s24 =	sadd.s32 s8, s7  }
0xd: {  	s15 =	smul.u32 $0x2710, s12;
	s11 =	ssub.s32 s11, s14;
	s7 =	sshrl.u32 s26, $0x2  }
0xe: {  	s12 =	smul.u32 $0x27100, s12;
	s8 =	sadd.s32 s8, s4;
	s13 =	sshll.u32 s24, $0x4  }
0xf: {  	s17 =	sadd.s32 s7, s3;
	s10 =	sshrl.u32 s24, $0x3;
	s24 =	smul.u32 $0x27100, s16  }
0x10: {  	[dreg:$0x19] =	wrdreg s8;
	s2 =	sadd.s32 s13, s2;
	s31 =	sadd.s32 s0, s12  }
0x11: {  	s28 =	sshrl.u32 s15, $0x3;
	s6 =	sadd.s32 s6, s10;
	[dreg:$0x9] =	wrdreg s31  }
0x12: {  	s30 =	sadd.s32 $0x50, s15;
	s29 =	sadd.s32 s1, s28;
	[dreg:$0x11] =	wrdreg s6  }
0x13: {  	s16 =	sadd.s32 $0x5000, s17;
	s14 =	sadd.s32 $0x1C00, s2;
	[dreg:$0x8] =	wrdreg s29  }
0x14: {  	s10 =	simm.s32 $0x9;
	s15 =	sadd.s32 $0x2100, s2;
	[dreg:$0xc] =	wrdreg s14  }
0x15: {  	s7 =	sshrl.u32 s30, $0x3;
	s18 =	sadd.s32 $0x2600, s2;
	[dreg:$0xd] =	wrdreg s15  }
0x16: {  	s13 =	sshll.u32 s30, $0x4;
	s20 =	sadd.s32 $0x2B00, s2;
	[dreg:$0xe] =	wrdreg s18  }
0x17: {  	s21 =	sadd.s32 $0x3000, s2;
	s23 =	sadd.s32 $0x3500, s2;
	[dreg:$0xf] =	wrdreg s20  }
0x18: {  	s6 =	sadd.s32 s22, s9;
	s25 =	sadd.s32 $0x3A00, s2;
	[dreg:$0x10] =	wrdreg s21  }
0x19: {  	s2 =	sadd.s32 $0x3F00, s2;
	s9 =	simm.s32 $0x200;
	[dreg:$0x12] =	wrdreg s23  }
0x1a: {  	s12 =	sadd.s32 s1, s7;
	s13 =	sadd.s32 s0, s13;
	[dreg:$0x13] =	wrdreg s25  }
0x1b: {  	s0 =	sadd.s32 s19, s0;
	[dreg:$0x14] =	wrdreg s2;
	s26 =	sadd.s32 $0x140, s6  }
0x1c: {  	s28 =	sadd.s32 $0xA0, s6;
	s29 =	smax.u32 s11, $0x1;
	s30 =	sadd.s32 $0xF0, s6  }
0x1d: {  	s11 =	sadd.s32 $0x2800, s17;
	s18 =	sadd.s32 $0x7800, s17;
	[dreg:$0xa] =	wrdreg s12  }
0x1e: {  	s19 =	sadd.s32 $0xA000, s17;
	s20 =	sadd.s32 $0xC800, s17;
	[dreg:$0xb] =	wrdreg s13  }
0x1f: {  	s21 =	sadd.s32 $0xF000, s17;
	s23 =	sadd.s32 $0x11800, s17;
	[dreg:$0x15] =	wrdreg s29  }
0x20: {  	s14 =	simm.s32 $0x8;
	s15 =	simm.s32 $0x0;
	[dreg:$0x17] =	wrdreg s30  }
0x21: {  	s22 =	sadd.s32 s24, s0;
	s0 =	sshrl.u32 s26, $0x3;
	[dreg:$0x1a] =	wrdreg s21  }
0x22: {  	s2 =	sshrl.u32 s28, $0x3;
	[dreg:$0x1b] =	wrdreg s23;
	s0 =	sadd.s32 s0, s1  }
0x23: {  	s24 =	simm.s32 $0x7A80;
	s31 =	sadd.s32 s2, s1;
	[dreg:$0x16] =	wrdreg s0  }
0x24: {  	v0 =	vimm.f32 $1.000000000e+00;
	v1 =	vimm.f32 $0.0e+00;
	s12 =	simm.s32 $0x7;
	s13 =	simm.s32 $0x2A00;
	[dreg:$0x18] =	wrdreg s31  }
.LBB2_1:
0x25: {  	[tilespmem:$0x7A00] =	vst v0  }
0x26: {  	[tilespmem:$0x7A10] =	vst v0  }
0x27: {  	[tilespmem:$0x7A20] =	vst v0  }
0x28: {  	[tilespmem:$0x7A30] =	vst v0  }
0x29: {  	[tilespmem:$0x7A40] =	vst v0  }
0x2a: {  	[tilespmem:$0x7A80] =	vst v1  }
0x2b: {  	[tilespmem:$0x7A90] =	vst v1  }
0x2c: {  	[tilespmem:$0x7AA0] =	vst v1  }
0x2d: {  	[tilespmem:$0x7AB0] =	vst v1  }
0x2e: {  	[tilespmem:$0x7AC0] =	vst v1  }
0x2f: {  	[tilespmem:$0x7AD0] =	vst v1  }
0x30: {  	[tilespmem:$0x7AE0] =	vst v1  }
0x31: {  	[tilespmem:$0x7AF0] =	vst v1  }
0x32: {  	[tilespmem:$0x7B00] =	vst v1  }
0x33: {  	[tilespmem:$0x7B10] =	vst v1  }
0x34: {  	[tilespmem:$0x7B20] =	vst v1  }
0x35: {  	[tilespmem:$0x7B30] =	vst v1  }
0x36: {  	[tilespmem:$0x7B40] =	vst v1  }
0x37: {  	[tilespmem:$0x7B50] =	vst v1  }
0x38: {  	[tilespmem:$0x7B60] =	vst v1  }
0x39: {  	[tilespmem:$0x7B70] =	vst v1  }
0x3a: {  	[tilespmem:$0x7B80] =	vst v1  }
0x3b: {  	[tilespmem:$0x7B90] =	vst v1  }
0x3c: {  	[tilespmem:$0x7BA0] =	vst v1  }
0x3d: {  	[tilespmem:$0x7BB0] =	vst v1  }
0x3e: {  	[tilespmem:$0x7BC0] =	vst v1  }
0x3f: {  	[tilespmem:$0x7BD0] =	vst v1  }
0x40: {  	[tilespmem:$0x7BE0] =	vst v1  }
0x41: {  	[tilespmem:$0x7BF0] =	vst v1  }
0x42: {  	[tilespmem:$0x7C00] =	vst v1  }
0x43: {  	[tilespmem:$0x7C10] =	vst v1  }
0x44: {  	[tilespmem:$0x7C20] =	vst v1  }
0x45: {  	[tilespmem:$0x7C30] =	vst v1  }
0x46: {  	[tilespmem:$0x7C40] =	vst v1  }
0x47: {  	[tilespmem:$0x7C50] =	vst v1  }
0x48: {  	[tilespmem:$0x7C60] =	vst v1  }
0x49: {  	[tilespmem:$0x7C70] =	vst v1  }
0x4a: {  	[tilespmem:$0x7C80] =	vst v1  }
0x4b: {  	[tilespmem:$0x7C90] =	vst v1  }
0x4c: {  	[tilespmem:$0x7CA0] =	vst v1  }
0x4d: {  	[tilespmem:$0x7CB0] =	vst v1  }
0x4e: {  	[tilespmem:$0x7CC0] =	vst v1  }
0x4f: {  	[tilespmem:$0x7CD0] =	vst v1  }
0x50: {  	[tilespmem:$0x7CE0] =	vst v1  }
0x51: {  	[tilespmem:$0x7CF0] =	vst v1;
	s7 =	rddreg [dreg:$0x7]  }
0x52: {  	[tilespmem:s9], [sflag:$0x9] =	stream.linear.gather [hbm4b:s7+s5], $0x2800, $0x38;
	[tilespmem:$0x1BF80] =	vst v63  }
0x53: {  	_ =	swait.ge [sflag:s10], $0x2800  }
0x54: {  	[sflag:s10] =	ssyncset.done $0x0  }
0x55: {  	[sflag:s10] =	ssyncadd.s32 $0xFFFFD800  }
0x56: {  	[spmem:s17] =	stream.linear.scatter [tilespmem:s9], [sflag:$0x7], $0x2800, $0x38;
	[tilespmem:$0x1BF80] =	vst v63  }
0x57: {  	_ = 	snop  }
0x58: {  	[spmem:s11] =	stream.linear.scatter [tilespmem:s9], [sflag:$0x7], $0x2800, $0x38;
	[tilespmem:$0x1BF80] =	vst v63  }
0x59: {  	_ = 	snop  }
0x5a: {  	[spmem:s16] =	stream.linear.scatter [tilespmem:s9], [sflag:$0x7], $0x2800, $0x38;
	[tilespmem:$0x1BF80] =	vst v63  }
0x5b: {  	_ = 	snop  }
0x5c: {  	[spmem:s18] =	stream.linear.scatter [tilespmem:s9], [sflag:$0x7], $0x2800, $0x38;
	[tilespmem:$0x1BF80] =	vst v63  }
0x5d: {  	_ = 	snop  }
0x5e: {  	[spmem:s19] =	stream.linear.scatter [tilespmem:s9], [sflag:$0x7], $0x2800, $0x38;
	[tilespmem:$0x1BF80] =	vst v63  }
0x5f: {  	_ = 	snop  }
0x60: {  	[spmem:s20] =	stream.linear.scatter [tilespmem:s9], [sflag:$0x7], $0x2800, $0x38;
	[tilespmem:$0x1BF80] =	vst v63  }
0x61: {  	_ = 	snop  }
0x62: {  	[spmem:s21] =	stream.linear.scatter [tilespmem:s9], [sflag:$0x7], $0x2800, $0x38;
	[tilespmem:$0x1BF80] =	vst v63  }
0x63: {  	_ = 	snop  }
0x64: {  	[spmem:s23] =	stream.linear.scatter [tilespmem:s9], [sflag:$0x7], $0x2800, $0x38;
	[tilespmem:$0x1BF80] =	vst v63  }
0x65: {  	_ = 	snop  }
0x66: {  	[spmem:s8] =	stream.linear.scatter [tilespmem:s24], [sflag:$0x7], $0x280, $0x38;
	[tilespmem:$0x1BF80] =	vst v63  }
0x67: {  	_ =	swait.ge [sflag:s12], $0x2800  }
0x68: {  	[sflag:s12] =	ssyncset.done $0x0  }
0x69: {  	[sflag:s12] =	ssyncadd.s32 $0xFFFFD800  }
0x6a: {  	_ =	swait.ge [sflag:s12], $0x2800  }
0x6b: {  	[sflag:s12] =	ssyncset.done $0x0  }
0x6c: {  	[sflag:s12] =	ssyncadd.s32 $0xFFFFD800  }
0x6d: {  	_ =	swait.ge [sflag:s12], $0x2800  }
0x6e: {  	[sflag:s12] =	ssyncset.done $0x0  }
0x6f: {  	[sflag:s12] =	ssyncadd.s32 $0xFFFFD800  }
0x70: {  	_ =	swait.ge [sflag:s12], $0x2800  }
0x71: {  	[sflag:s12] =	ssyncset.done $0x0  }
0x72: {  	[sflag:s12] =	ssyncadd.s32 $0xFFFFD800  }
0x73: {  	_ =	swait.ge [sflag:s12], $0x2800  }
0x74: {  	[sflag:s12] =	ssyncset.done $0x0  }
0x75: {  	[sflag:s12] =	ssyncadd.s32 $0xFFFFD800  }
0x76: {  	_ =	swait.ge [sflag:s12], $0x2800  }
0x77: {  	[sflag:s12] =	ssyncset.done $0x0  }
0x78: {  	[sflag:s12] =	ssyncadd.s32 $0xFFFFD800  }
0x79: {  	_ =	swait.ge [sflag:s12], $0x2800  }
0x7a: {  	[sflag:s12] =	ssyncset.done $0x0  }
0x7b: {  	[sflag:s12] =	ssyncadd.s32 $0xFFFFD800  }
0x7c: {  	_ =	swait.ge [sflag:s12], $0x2800  }
0x7d: {  	[sflag:s12] =	ssyncset.done $0x0  }
0x7e: {  	[sflag:s12] =	ssyncadd.s32 $0xFFFFD800  }
0x7f: {  	_ =	swait.ge [sflag:s12], $0x280  }
0x80: {  	[sflag:s12] =	ssyncset.done $0x0  }
0x81: {  	s23 =	rddreg [dreg:$0x8];
	[sflag:s12] =	ssyncadd.s32 $0xFFFFFD80  }
0x82: {  	[tilespmem:s5], [sflag:$0x1] =	stream.linear.gather [hbm4b:s23+s5], $0x50, $0x38;
	[tilespmem:$0x1BF80] =	vst v63  }
0x83: {  	s24 =	rddreg [dreg:$0x9]  }
0x84: {  	[tilespmem:s9], [sflag:$0x1] =	stream.linear.gather [hbm4b:s24+s5], $0x2800, $0x38;
	[tilespmem:$0x1BF80] =	vst v63  }
0x85: {  	s26 =	simm.s32 $0x80;
	s25 =	rddreg [dreg:$0xa]  }
0x86: {  	[tilespmem:s26], [sflag:$0x2] =	stream.linear.gather [hbm4b:s25+s5], $0x50, $0x38;
	[tilespmem:$0x1BF80] =	vst v63  }
0x87: {  	s29 =	smov.u32 s17;
	s28 =	rddreg [dreg:$0xb]  }
0x88: {  	[tilespmem:s13], [sflag:$0x2] =	stream.linear.gather [hbm4b:s28+s5], $0x2800, $0x38;
	[tilespmem:$0x1BF80] =	vst v63  }
0x89: {  	s31 =	smov.u32 s11;
	s0 =	smov.u32 s16;
	[bflag:$0x0] =	sbarrier.arrive $0xFFFF  }
0x8a: {  	s2 =	smov.u32 s18;
	s6 =	smov.u32 s19;
	s26 =	rddreg [dreg:$0x18]  }
0x8b: {  	s30 =	smov.u32 s20;
	s16 =	simm.s32 $0xFFFFFFFF;
	s25 =	rddreg [dreg:$0x17]  }
0x8c: {  	s20 =	simm.s32 $0x0;
	s21 =	simm.s32 $0x0;
	s24 =	rddreg [dreg:$0x16]  }
.LBB2_2:
0x8d: {  	p0 =	seq.s32 s20, $0x27600  }
0x8e: {  	s23 =	simm.s32 @!p0 $0x1  }
0x8f: {  	_ =	swait.ge @!p0 [sflag:s23], $0x50  }
0x90: {  	[sflag:s23] =	ssyncset.done @!p0 $0x0  }
0x91: {  	[sflag:s23] =	ssyncadd.s32 @!p0 $0xFFFFFFB0  }
0x92: {  	_ =	swait.ge @!p0 [sflag:s23], $0x2800  }
0x93: {  	s19 =	simm.s32 @!p0 $0x0;
	s18 =	simm.s32 @!p0 $0x200;
	[sflag:s23] =	ssyncset.done @!p0 $0x0  }
0x94: {  	p1 =	sgt.u32 @!p0 s16, $0x7C;
	[sflag:s23] =	ssyncadd.s32 @!p0 $0xFFFFD800;
	s23 =	simm.s32 @!p0 $0x50  }
0x95: {  	[spmem:s3] =	stream.indirect.scatter.add.f32 @!p0 [tilespmem:s18], [sflag:$0x4], $0x80, s19, s23, $0xb8;
	[tilespmem:$0x1BF80] =	vst v63  }
0x96: {  	p3 =	por p1, p0;
	s18 =	simm.s32 @!p0 $0x7A00  }
0x97: {  	[spmem:s4] =	stream.indirect.scatter.add.f32 @!p0 [tilespmem:s18], [sflag:$0x4], $0x1, s19, s23, $0xb8;
	[tilespmem:$0x1BF80] =	vst v63  }
0x98: {  	s19 =	simm.s32 @!p3 $0x6  }
0x99: {  	_ =	swait.ge @!p3 [sflag:s19], $0x2800  }
0x9a: {  	[sflag:s19] =	ssyncset.done @!p3 $0x0  }
0x9b: {  	p2 =	sgt.u32 @!p0 s21, $0x28;
	[sflag:s19] =	ssyncadd.s32 @!p3 $0xFFFFD800  }
0x9c: {  	p1 =	por p2, p0;
	_ =	swait.ge @!p3 [sflag:s19], $0x50  }
0x9d: {  	s17 =	simm.s32 @!p1 $0x100;
	[sflag:s19] =	ssyncset.done @!p3 $0x0  }
0x9e: {  	s11 =	sadd.s32 @!p1 s20, s22;
	[sflag:s19] =	ssyncadd.s32 @!p3 $0xFFFFFFB0;
	s19 =	simm.s32 @!p1 $0x0  }
0x9f: {  	[tilespmem:s17], [sflag:$0x3] =	stream.linear.gather @!p1 [hbm4b:s26+s19], $0x50, $0x38;
	[tilespmem:$0x1BF80] =	vst v63  }
0xa0: {  	s7 =	simm.s32 @!p1 $0x5200;
	s8 =	sadd.s32 @!p1 $0xA00, s11  }
0xa1: {  	[tilespmem:s7], [sflag:$0x3] =	stream.linear.gather @!p1 [hbm4b:s8+s19], $0x2800, $0x38;
	[tilespmem:$0x1BF80] =	vst v63  }
0xa2: {  	s8 =	simm.s32 @!p0 $0x2  }
0xa3: {  	_ =	swait.ge @!p0 [sflag:s8], $0x50  }
0xa4: {  	[sflag:s8] =	ssyncset.done @!p0 $0x0  }
0xa5: {  	[sflag:s8] =	ssyncadd.s32 @!p0 $0xFFFFFFB0  }
0xa6: {  	_ =	swait.ge @!p0 [sflag:s8], $0x2800  }
0xa7: {  	[sflag:s8] =	ssyncset.done @!p0 $0x0  }
0xa8: {  	s28 =	simm.s32 @!p0 $0x2A00;
	[sflag:s8] =	ssyncadd.s32 @!p0 $0xFFFFD800;
	s8 =	simm.s32 @!p0 $0x80  }
0xa9: {  	[spmem:s3] =	stream.indirect.scatter.add.f32 @!p0 [tilespmem:s28], [sflag:$0x5], $0x80, s8, s23, $0xb8;
	[tilespmem:$0x1BF80] =	vst v63  }
0xaa: {  	_ = 	snop  }
0xab: {  	[spmem:s4] =	stream.indirect.scatter.add.f32 @!p0 [tilespmem:s18], [sflag:$0x5], $0x1, s8, s23, $0xb8;
	[tilespmem:$0x1BF80] =	vst v63  }
0xac: {  	s8 =	simm.s32 @!p0 $0x4  }
0xad: {  	_ =	swait.ge @!p0 [sflag:s8], $0x2800  }
0xae: {  	[sflag:s8] =	ssyncset.done @!p0 $0x0  }
0xaf: {  	[sflag:s8] =	ssyncadd.s32 @!p0 $0xFFFFD800  }
0xb0: {  	_ =	swait.ge @!p0 [sflag:s8], $0x50  }
0xb1: {  	p2 =	por !p2, p0;
	[sflag:s8] =	ssyncset.done @!p0 $0x0  }
0xb2: {  	[sflag:s8] =	ssyncadd.s32 @!p0 $0xFFFFFFB0;
	s8 =	simm.s32 @!p2 $0x5  }
0xb3: {  	_ =	swait.ge @!p2 [sflag:s8], $0x2800  }
0xb4: {  	[sflag:s8] =	ssyncset.done @!p2 $0x0  }
0xb5: {  	[sflag:s8] =	ssyncadd.s32 @!p2 $0xFFFFD800  }
0xb6: {  	_ =	swait.ge @!p2 [sflag:s8], $0x50  }
0xb7: {  	s18 =	sshrl.u32 @!p1 s25, $0x3;
	[sflag:s8] =	ssyncset.done @!p2 $0x0  }
0xb8: {  	[sflag:s8] =	ssyncadd.s32 @!p2 $0xFFFFFFB0;
	s8 =	sadd.s32 @!p1 s1, s18  }
0xb9: {  	[tilespmem:s19], [sflag:$0x1] =	stream.linear.gather @!p1 [hbm4b:s8+s19], $0x50, $0x38;
	[tilespmem:$0x1BF80] =	vst v63  }
0xba: {  	s18 =	simm.s32 @!p1 $0x200;
	s8 =	sadd.s32 @!p1 $0xF00, s11  }
0xbb: {  	[tilespmem:s18], [sflag:$0x1] =	stream.linear.gather @!p1 [hbm4b:s8+s19], $0x2800, $0x38;
	[tilespmem:$0x1BF80] =	vst v63  }
0xbc: {  	s8 =	simm.s32 @!p1 $0x3  }
0xbd: {  	_ =	swait.ge @!p1 [sflag:s8], $0x50  }
0xbe: {  	[sflag:s8] =	ssyncset.done @!p1 $0x0  }
0xbf: {  	[sflag:s8] =	ssyncadd.s32 @!p1 $0xFFFFFFB0  }
0xc0: {  	_ =	swait.ge @!p1 [sflag:s8], $0x2800  }
0xc1: {  	[sflag:s8] =	ssyncset.done @!p1 $0x0  }
0xc2: {  	[sflag:s8] =	ssyncadd.s32 @!p1 $0xFFFFD800;
	s8 =	simm.s32 @!p1 $0x50  }
0xc3: {  	[spmem:s3] =	stream.indirect.scatter.add.f32 @!p1 [tilespmem:s7], [sflag:$0x6], $0x80, s17, s8, $0xb8;
	[tilespmem:$0x1BF80] =	vst v63  }
0xc4: {  	s7 =	simm.s32 @!p1 $0x7A00  }
0xc5: {  	[spmem:s4] =	stream.indirect.scatter.add.f32 @!p1 [tilespmem:s7], [sflag:$0x6], $0x1, s17, s8, $0xb8;
	[tilespmem:$0x1BF80] =	vst v63  }
0xc6: {  	s7 =	simm.s32 @!p1 $0x5  }
0xc7: {  	_ =	swait.ge @!p1 [sflag:s7], $0x2800  }
0xc8: {  	[sflag:s7] =	ssyncset.done @!p1 $0x0  }
0xc9: {  	[sflag:s7] =	ssyncadd.s32 @!p1 $0xFFFFD800  }
0xca: {  	_ =	swait.ge @!p1 [sflag:s7], $0x50  }
0xcb: {  	[sflag:s7] =	ssyncset.done @!p1 $0x0  }
0xcc: {  	[sflag:s7] =	ssyncadd.s32 @!p1 $0xFFFFFFB0;
	s7 =	simm.s32 @!p1 $0x80  }
0xcd: {  	[tilespmem:s7], [sflag:$0x2] =	stream.linear.gather @!p1 [hbm4b:s24+s19], $0x50, $0x38;
	[tilespmem:$0x1BF80] =	vst v63  }
0xce: {  	s20 =	sadd.s32 @!p0 $0xF00, s20;
	s8 =	simm.s32 @!p1 $0x2A00;
	s7 =	sadd.s32 @!p1 $0x1400, s11  }
0xcf: {  	[tilespmem:s8], [sflag:$0x2] =	stream.linear.gather @!p1 [hbm4b:s7+s19], $0x2800, $0x38;
	[tilespmem:$0x1BF80] =	vst v63  }
0xd0: {  	p1 =	sne.s32 @!p0 s20, $0x28500  }
0xd1: {  	p1 =	por p0, !p1  }
.Ltmp0:
0xd2: {  	_ = 	snop;
	(pc) =	sbr.rel @!p1 .LBB2_2-.Ltmp0, $3  }
0xd3: {  	_ =	sdelay $0x1  }
0xd4: {  	s21 =	sadd.s32 @!p0 $0x1, s21;
	s16 =	sadd.s32 @!p0 $0x3, s16  }
0xd5: {  	s26 =	sadd.s32 @!p0 $0x1E, s26;
	s25 =	sadd.s32 @!p0 $0xF0, s25;
	s24 =	sadd.s32 @!p0 $0x1E, s24  }
0xd6: {  	[bflag:$0x0] =	sbarrier.arrive $0xFFFF  }
0xd7: {  	[tilespmem:s9], [sflag:$0x9] =	stream.linear.gather [spmem:s29], $0x2800, $0x38;
	[tilespmem:$0x1BF80] =	vst v63  }
0xd8: {  	_ =	swait.ge [sflag:s10], $0x2800  }
0xd9: {  	[sflag:s10] =	ssyncset.done $0x0  }
0xda: {  	s7 =	rddreg [dreg:$0xc];
	[sflag:s10] =	ssyncadd.s32 $0xFFFFD800  }
0xdb: {  	[hbm4b:s7+s5] =	stream.linear.scatter [tilespmem:s9], [sflag:$0x7], $0x2800, $0x38;
	[tilespmem:$0x1BF80] =	vst v63  }
0xdc: {  	_ = 	snop  }
0xdd: {  	[tilespmem:s13], [sflag:$0x9] =	stream.linear.gather [spmem:s31], $0x2800, $0x38;
	[tilespmem:$0x1BF80] =	vst v63  }
0xde: {  	_ =	swait.ge [sflag:s10], $0x2800  }
0xdf: {  	[sflag:s10] =	ssyncset.done $0x0  }
0xe0: {  	s21 =	rddreg [dreg:$0xd];
	[sflag:s10] =	ssyncadd.s32 $0xFFFFD800  }
0xe1: {  	[hbm4b:s21+s5] =	stream.linear.scatter [tilespmem:s13], [sflag:$0x8], $0x2800, $0x38;
	[tilespmem:$0x1BF80] =	vst v63  }
0xe2: {  	_ =	swait.ge [sflag:s12], $0x2800  }
0xe3: {  	[sflag:s12] =	ssyncset.done $0x0  }
0xe4: {  	[sflag:s12] =	ssyncadd.s32 $0xFFFFD800  }
0xe5: {  	[tilespmem:s9], [sflag:$0x9] =	stream.linear.gather [spmem:s0], $0x2800, $0x38;
	[tilespmem:$0x1BF80] =	vst v63  }
0xe6: {  	_ =	swait.ge [sflag:s10], $0x2800  }
0xe7: {  	[sflag:s10] =	ssyncset.done $0x0  }
0xe8: {  	s23 =	rddreg [dreg:$0xe];
	[sflag:s10] =	ssyncadd.s32 $0xFFFFD800  }
0xe9: {  	[hbm4b:s23+s5] =	stream.linear.scatter [tilespmem:s9], [sflag:$0x7], $0x2800, $0x38;
	[tilespmem:$0x1BF80] =	vst v63  }
0xea: {  	_ =	swait.ge [sflag:s14], $0x2800  }
0xeb: {  	[sflag:s14] =	ssyncset.done $0x0  }
0xec: {  	[sflag:s14] =	ssyncadd.s32 $0xFFFFD800  }
0xed: {  	[tilespmem:s13], [sflag:$0x9] =	stream.linear.gather [spmem:s2], $0x2800, $0x38;
	[tilespmem:$0x1BF80] =	vst v63  }
0xee: {  	_ =	swait.ge [sflag:s10], $0x2800  }
0xef: {  	[sflag:s10] =	ssyncset.done $0x0  }
0xf0: {  	s24 =	rddreg [dreg:$0xf];
	[sflag:s10] =	ssyncadd.s32 $0xFFFFD800  }
0xf1: {  	[hbm4b:s24+s5] =	stream.linear.scatter [tilespmem:s13], [sflag:$0x8], $0x2800, $0x38;
	[tilespmem:$0x1BF80] =	vst v63  }
0xf2: {  	_ =	swait.ge [sflag:s12], $0x2800  }
0xf3: {  	[sflag:s12] =	ssyncset.done $0x0  }
0xf4: {  	[sflag:s12] =	ssyncadd.s32 $0xFFFFD800  }
0xf5: {  	[tilespmem:s9], [sflag:$0x9] =	stream.linear.gather [spmem:s6], $0x2800, $0x38;
	[tilespmem:$0x1BF80] =	vst v63  }
0xf6: {  	_ =	swait.ge [sflag:s10], $0x2800  }
0xf7: {  	[sflag:s10] =	ssyncset.done $0x0  }
0xf8: {  	s25 =	rddreg [dreg:$0x10];
	[sflag:s10] =	ssyncadd.s32 $0xFFFFD800  }
0xf9: {  	[hbm4b:s25+s5] =	stream.linear.scatter [tilespmem:s9], [sflag:$0x7], $0x2800, $0x38;
	[tilespmem:$0x1BF80] =	vst v63  }
0xfa: {  	_ =	swait.ge [sflag:s14], $0x2800  }
0xfb: {  	[sflag:s14] =	ssyncset.done $0x0  }
0xfc: {  	[sflag:s14] =	ssyncadd.s32 $0xFFFFD800  }
0xfd: {  	[tilespmem:s13], [sflag:$0x9] =	stream.linear.gather [spmem:s30], $0x2800, $0x38;
	[tilespmem:$0x1BF80] =	vst v63  }
0xfe: {  	_ =	swait.ge [sflag:s10], $0x2800  }
0xff: {  	[sflag:s10] =	ssyncset.done $0x0  }
0x100: {  	s26 =	rddreg [dreg:$0x12];
	[sflag:s10] =	ssyncadd.s32 $0xFFFFD800  }
0x101: {  	[hbm4b:s26+s5] =	stream.linear.scatter [tilespmem:s13], [sflag:$0x8], $0x2800, $0x38;
	[tilespmem:$0x1BF80] =	vst v63  }
0x102: {  	_ =	swait.ge [sflag:s12], $0x2800  }
0x103: {  	[sflag:s12] =	ssyncset.done $0x0  }
0x104: {  	s21 =	rddreg [dreg:$0x1a];
	[sflag:s12] =	ssyncadd.s32 $0xFFFFD800  }
0x105: {  	[tilespmem:s9], [sflag:$0x9] =	stream.linear.gather [spmem:s21], $0x2800, $0x38;
	[tilespmem:$0x1BF80] =	vst v63  }
0x106: {  	_ =	swait.ge [sflag:s10], $0x2800  }
0x107: {  	[sflag:s10] =	ssyncset.done $0x0  }
0x108: {  	s28 =	rddreg [dreg:$0x13];
	[sflag:s10] =	ssyncadd.s32 $0xFFFFD800  }
0x109: {  	[hbm4b:s28+s5] =	stream.linear.scatter [tilespmem:s9], [sflag:$0x7], $0x2800, $0x38;
	[tilespmem:$0x1BF80] =	vst v63  }
0x10a: {  	_ =	swait.ge [sflag:s14], $0x2800  }
0x10b: {  	[sflag:s14] =	ssyncset.done $0x0  }
0x10c: {  	s23 =	rddreg [dreg:$0x1b];
	[sflag:s14] =	ssyncadd.s32 $0xFFFFD800  }
0x10d: {  	[tilespmem:s13], [sflag:$0x9] =	stream.linear.gather [spmem:s23], $0x2800, $0x38;
	[tilespmem:$0x1BF80] =	vst v63  }
0x10e: {  	_ =	swait.ge [sflag:s10], $0x2800  }
0x10f: {  	[sflag:s10] =	ssyncset.done $0x0  }
0x110: {  	s17 =	smov.u32 s29;
	s29 =	rddreg [dreg:$0x14];
	[sflag:s10] =	ssyncadd.s32 $0xFFFFD800  }
0x111: {  	[hbm4b:s29+s5] =	stream.linear.scatter [tilespmem:s13], [sflag:$0x8], $0x2800, $0x38;
	[tilespmem:$0x1BF80] =	vst v63  }
0x112: {  	s24 =	simm.s32 $0x7A80;
	s8 =	rddreg [dreg:$0x19]  }
0x113: {  	[tilespmem:s24], [sflag:$0x9] =	stream.linear.gather [spmem:s8], $0x280, $0x38;
	[tilespmem:$0x1BF80] =	vst v63  }
0x114: {  	_ =	swait.ge [sflag:s10], $0x280  }
0x115: {  	[sflag:s10] =	ssyncset.done $0x0  }
0x116: {  	s20 =	smov.u32 s30;
	s30 =	rddreg [dreg:$0x11];
	[sflag:s10] =	ssyncadd.s32 $0xFFFFFD80  }
0x117: {  	[hbm4b:s30+s5] =	stream.linear.scatter [tilespmem:s24], [sflag:$0x9], $0x280, $0x38;
	[tilespmem:$0x1BF80] =	vst v63  }
0x118: {  	_ =	swait.ge [sflag:s10], $0x280  }
0x119: {  	[sflag:s10] =	ssyncset.done $0x0  }
0x11a: {  	[sflag:s10] =	ssyncadd.s32 $0xFFFFFD80  }
0x11b: {  	_ =	swait.ge [sflag:s12], $0x2800  }
0x11c: {  	[sflag:s12] =	ssyncset.done $0x0  }
0x11d: {  	[sflag:s12] =	ssyncadd.s32 $0xFFFFD800  }
0x11e: {  	_ =	swait.ge [sflag:s14], $0x2800  }
0x11f: {  	s11 =	smov.u32 s31;
	s15 =	sadd.s32 $0x1, s15;
	s31 =	rddreg [dreg:$0x15]  }
0x120: {  	p0 =	sne.s32 s15, s31  }
.Ltmp1:
0x121: {  	_ = 	snop;
	(pc) =	sbr.rel @p0 .LBB2_1-.Ltmp1, $3  }
0x122: {  	_ =	sdelay $0x1  }
0x123: {  	s16 =	smov.u32 s0;
	[sflag:s14] =	ssyncset.done $0x0  }
0x124: {  	s18 =	smov.u32 s2;
	s19 =	smov.u32 s6;
	[sflag:s14] =	ssyncadd.s32 $0xFFFFD800  }
0x125: {  	_ =	sfence.sel $0x180000  }
0x126: {  	[bflag:$0x0] =	sbarrier.arrive $0xFFFF  }
0x127: {  	_ =	strace $0x90000047  }
0x128: {  	s0 =	stileid.u32;
	[bflag:$0x2] =	sbarrier.arrive $0xFFFF  }
0x129: {  	p0 =	sne.s32 s0, $0x0;
	s0 =	rddreg [dreg:$0x6]  }
0x12a: {  	s0 =	sadd.s32 @!p0 $0x100000, s0  }
0x12b: {  	[sflag:s0] =	ssyncadd.tile.s32 @!p0 $0x1;
	_ =	shalt  }
.Lfunc_end2:
_tile_overlayer_lowered:
.L_overlay_start_2:
0x12c: {  	(tag) =	ssettag $0x2  }
0x12d: {  	s0 =	rddreg [dreg:$0x0];
	s2 =	stileid.u32  }
0x12e: {  	s1 =	rddreg [dreg:$0x1];
	p0 =	sne.s32 s2, $0x0  }
0x12f: {  	s3 =	rddreg [dreg:$0x2];
	[bflag:$0x3] =	sbarrier.arrive $0xFFFF;
	s2 =	simm.s32 @!p0 $0x1C09  }
0x130: {  	[timem:s3], [sflag:s2] =	dma.local @!p0 [hbm:s0], s1  }
0x131: {  	s0 =	simm.s32 @!p0 $0x9  }
0x132: {  	_ =	swait.ge @!p0 [sflag:s0], s1  }
0x133: {  	s1 =	ssub.s32 @!p0 $0x0, s1;
	[sflag:s0] =	ssyncset.done @!p0 $0x0  }
0x134: {  	[sflag:s0] =	ssyncadd.s32 @!p0 s1  }
0x135: {  	[bflag:$0x3] =	sbarrier.arrive $0xFFFF  }
0x136: {  	_ =	shalt  }

</sc_bundles>
